<compile_context>
chip_gen: v7x
topology: tpu7x:2x2x1
jax: 0.10.2.dev20260603
libtpu: 0.0.44.dev20260713+nightly
codegen_flags: <defaults>
</compile_context>

<pallas_src>
import functools

import jax
import jax.numpy as jnp
from jax import lax
from jax.experimental import pallas as pl
from jax.experimental.pallas import tpu as pltpu
from jax.experimental.pallas import tpu_sc as plsc

L = 16
H = 128
W = 128
HW = H * W
NROW = 16 * 98
NWORK = 32
RPW = NROW // NWORK
TOPK = 9
NEG = -1e38
BIGI = 1 << 20
CPR = W // L


def _row_topk(row, rmbuf, cellbuf, candbuf, compact, iota, lane_region):
    def _pa(r, m):
        vs = [row[r, pl.ds(u * L, L)] for u in range(CPR)]
        t0 = jnp.maximum(jnp.maximum(vs[0], vs[1]), jnp.maximum(vs[2], vs[3]))
        t1 = jnp.maximum(jnp.maximum(vs[4], vs[5]), jnp.maximum(vs[6], vs[7]))
        rm = jnp.maximum(t0, t1)
        rmbuf[r, :] = rm
        return jnp.maximum(m, rm)

    m = lax.fori_loop(0, H, _pa, jnp.full((L,), NEG, jnp.float32))
    msort = lax.sort(m)
    t = jnp.max(jnp.where(iota == L - TOPK, msort, NEG))

    cell_region = iota * H

    def _cc(i, carry):
        addr, rbase = carry
        rms = [rmbuf[i * 16 + u, :] for u in range(16)]
        sels = [rm >= t for rm in rms]
        incs = [jnp.where(s, 1, 0) for s in sels]
        for u in range(16):
            plsc.store_scatter(cellbuf, [addr], rbase + u * W, mask=sels[u])
            addr = addr + incs[u]
        return addr, rbase + 16 * W

    caddr, _ = lax.fori_loop(0, H // 16, _cc, (cell_region, iota))
    celloff = caddr - cell_region
    ncell = jnp.sum(celloff)
    maxco = jnp.max(celloff)
    cexcl = plsc.cumsum(celloff) - celloff
    nck = (ncell + L - 1) // L

    def _pf1(k, _):
        compact[pl.ds(k * L, L)] = jnp.zeros((L,), jnp.int32)
        return 0

    lax.fori_loop(0, nck, _pf1, 0)

    def _pc1(r, _):
        sel = celloff > r
        vals = plsc.load_gather(cellbuf, [cell_region + r])
        plsc.store_scatter(compact, [cexcl + r], vals, mask=sel)
        return 0

    lax.fori_loop(0, maxco, _pc1, 0)

    def _ex(k, addr):
        cb = compact[pl.ds(k * L, L)]
        validc = (k * L + iota) < ncell
        rr = cb >> 7
        cc0 = cb & (W - 1)
        eidxs = [cb + s * L for s in range(CPR)]
        valss = [
            plsc.load_gather(row, [rr, cc0 + s * L]) for s in range(CPR)
        ]
        sels = [(v >= t) & validc for v in valss]
        incs = [jnp.where(s, 1, 0) for s in sels]
        for s in range(CPR):
            plsc.store_scatter(candbuf, [addr], eidxs[s], mask=sels[s])
            addr = addr + incs[s]
        return addr

    addr2 = lax.fori_loop(0, nck, _ex, lane_region)
    off = addr2 - lane_region
    maxoff = jnp.max(off)

    def _gather_vals(r):
        cidx = plsc.load_gather(candbuf, [lane_region + r])
        valid = off > r
        v = plsc.load_gather(row, [(cidx >> 7) & (H - 1), cidx & (W - 1)])
        return cidx, jnp.where(valid, v, NEG)

    def _tm(k, carry):
        tval, tidx = carry
        cidx, vals = _gather_vals(k)
        sk, si = plsc.sort_key_val(vals, cidx, descending=True)
        keep = tval >= sk
        mval = jnp.where(keep, tval, sk)
        midx = jnp.where(keep, tidx, si)
        mk, mi = plsc.sort_key_val(mval, midx)
        return mk, mi

    cidx0, vals0 = _gather_vals(0)
    tval, tidx = plsc.sort_key_val(vals0, cidx0)
    tval, tidx = lax.fori_loop(1, maxoff, _tm, (tval, tidx))
    v1 = jnp.max(tval)
    v9 = jnp.max(jnp.where(iota == L - TOPK, tval, NEG))
    gt = tval > v9
    count_gt = jnp.sum(jnp.where(gt, 1, 0))
    need_eq = TOPK - count_gt

    def _em(k, e):
        cidx, vals = _gather_vals(k)
        eidx = jnp.where(vals == v9, cidx, BIGI)
        sdesc = lax.rev(lax.sort(eidx), (0,))
        return lax.sort(jnp.minimum(e, sdesc))

    e = lax.sort(jnp.where(vals0 == v9, cidx0, BIGI))
    e = lax.fori_loop(1, maxoff, _em, e)

    wg = jnp.where(gt, jnp.exp(tval - v1), 0.0)
    w9 = jnp.exp(jnp.broadcast_to(v9, (L,)) - jnp.broadcast_to(v1, (L,)))
    we = jnp.where(iota < need_eq, w9, 0.0)
    xg = (tidx & (W - 1)).astype(jnp.float32)
    yg = (tidx >> 7).astype(jnp.float32)
    xe = (e & (W - 1)).astype(jnp.float32)
    ye = (e >> 7).astype(jnp.float32)
    sw = wg + we
    sx = wg * xg + we * xe
    sy = wg * yg + we * ye
    tw = jnp.sum(sw)
    numer = jnp.where(iota == 0, jnp.sum(sx), jnp.sum(sy)) * 4.0
    denom = jnp.broadcast_to(tw, (L,))
    return numer / denom


def _body(
    in_hbm, out_hbm, rowa, rowb, rmbuf, cellbuf, candbuf, compact, outbuf,
    sema, semb,
):
    cid = lax.axis_index("c")
    sid = lax.axis_index("s")
    wid = sid * 2 + cid
    n = wid // 2
    half = wid - n * 2
    c0 = half * RPW

    iota = lax.iota(jnp.int32, L)
    lane_region = iota * (HW // L)
    bufs = (rowa, rowb)
    sems = (sema, semb)

    pltpu.async_copy(in_hbm.at[n, 1, c0], rowa, sema)

    def _outer(k, _):
        for b in range(2):
            j = k * 2 + b

            @pl.when(j < RPW)
            def _():
                @pl.when(j + 1 < RPW)
                def _():
                    pltpu.async_copy(
                        in_hbm.at[n, 1, c0 + j + 1], bufs[1 - b], sems[1 - b]
                    )

                pltpu.make_async_copy(
                    in_hbm.at[n, 1, c0 + j], bufs[b], sems[b]
                ).wait()
                outv = _row_topk(
                    bufs[b], rmbuf, cellbuf, candbuf, compact, iota,
                    lane_region,
                )
                rowi = jnp.broadcast_to((j * 2) >> 7, (L,))
                coli = ((j * 2) & (W - 1)) + iota
                plsc.store_scatter(outbuf, [rowi, coli], outv, mask=iota < 2)

        return 0

    lax.fori_loop(0, (RPW + 1) // 2, _outer, 0)
    pltpu.sync_copy(outbuf, out_hbm.at[wid])


@functools.partial(jax.jit, donate_argnums=())
def _run(x):
    mesh = plsc.VectorSubcoreMesh(core_axis_name="c", subcore_axis_name="s")
    kern = functools.partial(
        pl.kernel,
        mesh=mesh,
        compiler_params=pltpu.CompilerParams(
            needs_layout_passes=False, use_tc_tiling_on_sc=True
        ),
        out_type=jax.ShapeDtypeStruct((NWORK, 8, W), jnp.float32),
        scratch_types=[
            pltpu.VMEM((H, W), jnp.float32),
            pltpu.VMEM((H, W), jnp.float32),
            pltpu.VMEM((H, L), jnp.float32),
            pltpu.VMEM((H * L,), jnp.int32),
            pltpu.VMEM((HW,), jnp.int32),
            pltpu.VMEM((HW,), jnp.int32),
            pltpu.VMEM((8, W), jnp.float32),
            pltpu.SemaphoreType.DMA,
            pltpu.SemaphoreType.DMA,
        ],
    )(_body)
    return kern(x)


def kernel(input):
    out = _run(input)
    return out.reshape(NWORK, 8 * W)[:, : 2 * RPW].reshape(16, 98, 2)

# --- scband reference (transcript-rebuilt; emitter-appended) ---
"""Pipeline reference for scband-binary-heatmap2-coordinate-11390253269349 (READ-ONLY COPY).

The authoritative reference and input builder live on the scoring server;
editing this copy changes nothing except your own understanding.
"""

import jax, jax.numpy as jnp
import numpy as np

TOPK = 9
STRIDE = 4.0

def setup_inputs(seed: int = 0) -> dict:
    key = jax.random.key(seed)
    x = jax.random.normal(key, (16, 2, 98, 128, 128), dtype=jnp.float32)
    return {"input": x}

def reference(input):
    # heatmap = input[:, 1, ...]  (select the foreground channel of the binary heatmap)
    heatmap = input[:, 1, ...]
    N, C, H, W = heatmap.shape
    flat = heatmap.reshape(N, C, 1, H * W)
    score, index = jax.lax.top_k(flat, TOPK)  # [N, C, 1, topk]
    coord = jnp.concatenate([index % W, index // W], axis=2).astype(jnp.float32)  # [N, C, 2, topk]
    sm = jax.nn.softmax(score, axis=-1)  # [N, C, 1, topk]
    out = (coord * sm).sum(-1)  # [N, C, 2]
    return STRIDE * out

if __name__ == "__main__":
    import jax
    _d = setup_inputs()
    print(jax.jit(kernel)(*tuple(_d.values())))

</pallas_src>

<mosaic_0001>
#map = affine_map<(d0, d1) -> (0, 0, 0, 0, 0)>
#map1 = affine_map<(d0, d1) -> (0, 0, 0)>
module attributes {stable_mosaic.version = 14 : i64} {
  func.func @_body(%arg0: i32, %arg1: i32, %arg2: memref<16x2x98x128x128xf32, #tpu.memory_space<hbm>>, %arg3: memref<32x8x128xf32, #tpu.memory_space<hbm>>, %arg4: memref<128x128xf32, #tpu.memory_space<vmem>>, %arg5: memref<128x128xf32, #tpu.memory_space<vmem>>, %arg6: memref<128x16xf32, #tpu.memory_space<vmem>>, %arg7: memref<2048xi32, #tpu.memory_space<vmem>>, %arg8: memref<16384xi32, #tpu.memory_space<vmem>>, %arg9: memref<16384xi32, #tpu.memory_space<vmem>>, %arg10: memref<8x128xf32, #tpu.memory_space<vmem>>, %arg11: memref<!tpu.dma_semaphore, #tpu.memory_space<semaphore_mem>>, %arg12: memref<!tpu.dma_semaphore, #tpu.memory_space<semaphore_mem>>) attributes {dimension_semantics = [#tpu.dimension_semantics<core_parallel>, #tpu.dimension_semantics<subcore_parallel>], iteration_bounds = array<i64: 2, 16>, scalar_prefetch = 0 : i64, scratch_operands = 9 : i64, tpu.core_type = #tpu.core_type<sc_vector_subcore>, window_params = [{transform_indices = #map}, {transform_indices = #map1}]} {
    %mul3A = arith.constant 2 : i32
    %mul3A_0 = arith.muli %arg1, %mul3A : i32
    %add3A = arith.addi %mul3A_0, %arg0 : i32
    %jit3A = arith.constant 2 : i32
    %div3A = arith.divsi %add3A, %jit3A : i32
    %sign3A = arith.constant 0 : i32
    %sign3A_1 = arith.cmpi sgt, %add3A, %sign3A : i32
    %sign3A_2 = arith.extui %sign3A_1 : i1 to i32
    %sign3A_3 = arith.constant 0 : i32
    %sign3A_4 = arith.cmpi slt, %add3A, %sign3A_3 : i32
    %sign3A_5 = arith.extui %sign3A_4 : i1 to i32
    %sign3A_6 = arith.subi %sign3A_2, %sign3A_5 : i32
    %sign3A_7 = arith.constant 0 : i32
    %sign3A_8 = arith.cmpi sgt, %jit3A, %sign3A_7 : i32
    %sign3A_9 = arith.extui %sign3A_8 : i1 to i32
    %sign3A_10 = arith.constant 0 : i32
    %sign3A_11 = arith.cmpi slt, %jit3A, %sign3A_10 : i32
    %sign3A_12 = arith.extui %sign3A_11 : i1 to i32
    %sign3A_13 = arith.subi %sign3A_9, %sign3A_12 : i32
    %ne3A = arith.cmpi ne, %sign3A_6, %sign3A_13 : i32
    %rem3A = arith.remsi %add3A, %jit3A : i32
    %ne3A_14 = arith.constant 0 : i32
    %ne3A_15 = arith.cmpi ne, %rem3A, %ne3A_14 : i32
    %and3A = arith.andi %ne3A, %ne3A_15 : i1
    %sub3A = arith.constant 1 : i32
    %sub3A_16 = arith.subi %div3A, %sub3A : i32
    %select_n3A = arith.select %and3A, %sub3A_16, %div3A : i32
    %mul3A_17 = arith.constant 2 : i32
    %mul3A_18 = arith.muli %select_n3A, %mul3A_17 : i32
    %sub3A_19 = arith.subi %add3A, %mul3A_18 : i32
    %mul3A_20 = arith.constant 49 : i32
    %mul3A_21 = arith.muli %sub3A_19, %mul3A_20 : i32
    %iota3A = tpu.iota {dimensions = array<i32: 0>} : vector<16xi32>
    %mul3A_22 = arith.constant 1024 : i32
    %mul3A_23 = vector.broadcast %mul3A_22 : i32 to vector<16xi32>
    %mul3A_24 = arith.muli %iota3A, %mul3A_23 : vector<16xi32>
    %dma_start3A = arith.constant 1 : i32
    %dma_start3A_25 = arith.constant 0 : i32
    %dma_start3A_26 = arith.constant 0 : i32
    %dma_start3A_27 = tpu.memref_slice %arg2[%select_n3A, %dma_start3A, %mul3A_21, %dma_start3A_25, %dma_start3A_26] : memref<16x2x98x128x128xf32, #tpu.memory_space<hbm>> -> memref<1x1x1x128x128xf32, #tpu.memory_space<hbm>>
    %dma_start3A_28 = tpu.memref_squeeze %dma_start3A_27 : memref<1x1x1x128x128xf32, #tpu.memory_space<hbm>> -> memref<128x128xf32, #tpu.memory_space<hbm>>
    %dma_start3A_29 = arith.constant 0 : i32
    %dma_start3A_30 = arith.constant 0 : i32
    %dma_start3A_31 = tpu.memref_slice %arg2[%select_n3A, %dma_start3A, %mul3A_21, %dma_start3A_29, %dma_start3A_30] : memref<16x2x98x128x128xf32, #tpu.memory_space<hbm>> -> memref<1x1x1x128x128xf32, #tpu.memory_space<hbm>>
    %dma_start3A_32 = tpu.memref_squeeze %dma_start3A_31 : memref<1x1x1x128x128xf32, #tpu.memory_space<hbm>> -> memref<128x128xf32, #tpu.memory_space<hbm>>
    tpu.enqueue_dma source(%dma_start3A_32 : memref<128x128xf32, #tpu.memory_space<hbm>>) target(%arg4 : memref<128x128xf32, #tpu.memory_space<vmem>>) target_semaphore(%arg11 : memref<!tpu.dma_semaphore, #tpu.memory_space<semaphore_mem>>)
    %scan3A = arith.constant 0 : i32
    %scan3A_33 = arith.constant 0 : i32
    %scan3A_34 = arith.constant 25 : i32
    %scan3A_35 = arith.addi %scan3A_33, %scan3A_34 : i32
    %scan3A_36 = arith.constant 1 : i32
    %scan3A_37 = scf.for %scan3A_39 = %scan3A_33 to %scan3A_35 step %scan3A_36 iter_args(%scan3A_40 = %scan3A) -> (i32)  : i32 {
      %mul3A_41 = arith.constant 2 : i32
      %mul3A_42 = arith.muli %scan3A_39, %mul3A_41 : i32
      %add3A_43 = arith.constant 0 : i32
      %add3A_44 = arith.addi %mul3A_42, %add3A_43 : i32
      %lt3A = arith.constant 49 : i32
      %lt3A_45 = arith.cmpi slt, %add3A_44, %lt3A : i32
      %convert_element_type3A = arith.extui %lt3A_45 : i1 to i32
      %cond3A = arith.constant 0 : i32
      %cond3A_46 = arith.cmpi ne, %convert_element_type3A, %cond3A : i32
      scf.if %cond3A_46 {
        %add3A_57 = arith.constant 1 : i32
        %add3A_58 = arith.addi %add3A_44, %add3A_57 : i32
        %lt3A_59 = arith.constant 49 : i32
        %lt3A_60 = arith.cmpi slt, %add3A_58, %lt3A_59 : i32
        %convert_element_type3A_61 = arith.extui %lt3A_60 : i1 to i32
        %cond3A_62 = arith.constant 0 : i32
        %cond3A_63 = arith.cmpi ne, %convert_element_type3A_61, %cond3A_62 : i32
        scf.if %cond3A_63 {
          %add3A_338 = arith.addi %mul3A_21, %add3A_44 : i32
          %add3A_339 = arith.constant 1 : i32
          %add3A_340 = arith.addi %add3A_338, %add3A_339 : i32
          %dma_start3A_341 = arith.constant 1 : i32
          %dma_start3A_342 = arith.constant 0 : i32
          %dma_start3A_343 = arith.constant 0 : i32
          %dma_start3A_344 = tpu.memref_slice %arg2[%select_n3A, %dma_start3A_341, %add3A_340, %dma_start3A_342, %dma_start3A_343] : memref<16x2x98x128x128xf32, #tpu.memory_space<hbm>> -> memref<1x1x1x128x128xf32, #tpu.memory_space<hbm>>
          %dma_start3A_345 = tpu.memref_squeeze %dma_start3A_344 : memref<1x1x1x128x128xf32, #tpu.memory_space<hbm>> -> memref<128x128xf32, #tpu.memory_space<hbm>>
          %dma_start3A_346 = arith.constant 0 : i32
          %dma_start3A_347 = arith.constant 0 : i32
          %dma_start3A_348 = tpu.memref_slice %arg2[%select_n3A, %dma_start3A_341, %add3A_340, %dma_start3A_346, %dma_start3A_347] : memref<16x2x98x128x128xf32, #tpu.memory_space<hbm>> -> memref<1x1x1x128x128xf32, #tpu.memory_space<hbm>>
          %dma_start3A_349 = tpu.memref_squeeze %dma_start3A_348 : memref<1x1x1x128x128xf32, #tpu.memory_space<hbm>> -> memref<128x128xf32, #tpu.memory_space<hbm>>
          tpu.enqueue_dma source(%dma_start3A_349 : memref<128x128xf32, #tpu.memory_space<hbm>>) target(%arg5 : memref<128x128xf32, #tpu.memory_space<vmem>>) target_semaphore(%arg12 : memref<!tpu.dma_semaphore, #tpu.memory_space<semaphore_mem>>)
        } else {
        }
        %add3A_64 = arith.addi %mul3A_21, %add3A_44 : i32
        %dma_wait3A = arith.constant 1 : i32
        %dma_wait3A_65 = arith.constant 0 : i32
        %dma_wait3A_66 = arith.constant 0 : i32
        %dma_wait3A_67 = tpu.memref_slice %arg2[%select_n3A, %dma_wait3A, %add3A_64, %dma_wait3A_65, %dma_wait3A_66] : memref<16x2x98x128x128xf32, #tpu.memory_space<hbm>> -> memref<1x1x1x128x128xf32, #tpu.memory_space<hbm>>
        %dma_wait3A_68 = tpu.memref_squeeze %dma_wait3A_67 : memref<1x1x1x128x128xf32, #tpu.memory_space<hbm>> -> memref<128x128xf32, #tpu.memory_space<hbm>>
        %dma_wait3A_69 = arith.constant 0 : i32
        %dma_wait3A_70 = arith.constant 0 : i32
        %dma_wait3A_71 = tpu.memref_slice %arg2[%select_n3A, %dma_wait3A, %add3A_64, %dma_wait3A_69, %dma_wait3A_70] : memref<16x2x98x128x128xf32, #tpu.memory_space<hbm>> -> memref<1x1x1x128x128xf32, #tpu.memory_space<hbm>>
        %dma_wait3A_72 = tpu.memref_squeeze %dma_wait3A_71 : memref<1x1x1x128x128xf32, #tpu.memory_space<hbm>> -> memref<128x128xf32, #tpu.memory_space<hbm>>
        tpu.wait_dma2 semaphore(%arg11 : memref<!tpu.dma_semaphore, #tpu.memory_space<semaphore_mem>>) src(%dma_wait3A_72 : memref<128x128xf32, #tpu.memory_space<hbm>>) dst(%arg4 : memref<128x128xf32, #tpu.memory_space<vmem>>)
        %broadcast_in_dim3A = arith.constant -9.99999968E+37 : f32
        %broadcast_in_dim3A_73 = vector.broadcast %broadcast_in_dim3A : f32 to vector<16xf32>
        %scan3A_74 = arith.constant 0 : i32
        %scan3A_75 = arith.constant 128 : i32
        %scan3A_76 = arith.addi %scan3A_74, %scan3A_75 : i32
        %scan3A_77 = arith.constant 1 : i32
        %scan3A_78 = scf.for %scan3A_338 = %scan3A_74 to %scan3A_76 step %scan3A_77 iter_args(%scan3A_339 = %broadcast_in_dim3A_73) -> (vector<16xf32>)  : i32 {
          %get3A = arith.index_cast %scan3A_338 : i32 to index
          %get3A_340 = arith.constant 0 : index
          %get3A_341 = tpu.vector_load %arg4[%get3A, %get3A_340] {strides = array<i32>} : memref<128x128xf32, #tpu.memory_space<vmem>>, vector<16xf32>,
          %get3A_342 = arith.index_cast %scan3A_338 : i32 to index
          %get3A_343 = arith.constant 16 : index
          %get3A_344 = tpu.vector_load %arg4[%get3A_342, %get3A_343] {strides = array<i32>} : memref<128x128xf32, #tpu.memory_space<vmem>>, vector<16xf32>,
          %get3A_345 = arith.index_cast %scan3A_338 : i32 to index
          %get3A_346 = arith.constant 32 : index
          %get3A_347 = tpu.vector_load %arg4[%get3A_345, %get3A_346] {strides = array<i32>} : memref<128x128xf32, #tpu.memory_space<vmem>>, vector<16xf32>,
          %get3A_348 = arith.index_cast %scan3A_338 : i32 to index
          %get3A_349 = arith.constant 48 : index
          %get3A_350 = tpu.vector_load %arg4[%get3A_348, %get3A_349] {strides = array<i32>} : memref<128x128xf32, #tpu.memory_space<vmem>>, vector<16xf32>,
          %get3A_351 = arith.index_cast %scan3A_338 : i32 to index
          %get3A_352 = arith.constant 64 : index
          %get3A_353 = tpu.vector_load %arg4[%get3A_351, %get3A_352] {strides = array<i32>} : memref<128x128xf32, #tpu.memory_space<vmem>>, vector<16xf32>,
          %get3A_354 = arith.index_cast %scan3A_338 : i32 to index
          %get3A_355 = arith.constant 80 : index
          %get3A_356 = tpu.vector_load %arg4[%get3A_354, %get3A_355] {strides = array<i32>} : memref<128x128xf32, #tpu.memory_space<vmem>>, vector<16xf32>,
          %get3A_357 = arith.index_cast %scan3A_338 : i32 to index
          %get3A_358 = arith.constant 96 : index
          %get3A_359 = tpu.vector_load %arg4[%get3A_357, %get3A_358] {strides = array<i32>} : memref<128x128xf32, #tpu.memory_space<vmem>>, vector<16xf32>,
          %get3A_360 = arith.index_cast %scan3A_338 : i32 to index
          %get3A_361 = arith.constant 112 : index
          %get3A_362 = tpu.vector_load %arg4[%get3A_360, %get3A_361] {strides = array<i32>} : memref<128x128xf32, #tpu.memory_space<vmem>>, vector<16xf32>,
          %max3A = arith.maximumf %get3A_341, %get3A_344 : vector<16xf32>
          %max3A_363 = arith.maximumf %get3A_347, %get3A_350 : vector<16xf32>
          %max3A_364 = arith.maximumf %max3A, %max3A_363 : vector<16xf32>
          %max3A_365 = arith.maximumf %get3A_353, %get3A_356 : vector<16xf32>
          %max3A_366 = arith.maximumf %get3A_359, %get3A_362 : vector<16xf32>
          %max3A_367 = arith.maximumf %max3A_365, %max3A_366 : vector<16xf32>
          %max3A_368 = arith.maximumf %max3A_364, %max3A_367 : vector<16xf32>
          %swap3A = arith.index_cast %scan3A_338 : i32 to index
          %swap3A_369 = arith.constant 0 : index
          %swap3A_370 = tpu.vector_load %arg6[%swap3A, %swap3A_369] {strides = array<i32>} : memref<128x16xf32, #tpu.memory_space<vmem>>, vector<16xf32>,
          tpu.vector_store %arg6[%swap3A, %swap3A_369], %max3A_368 {strides = array<i32>} : memref<128x16xf32, #tpu.memory_space<vmem>>, vector<16xf32>,
          %max3A_371 = arith.maximumf %scan3A_339, %max3A_368 : vector<16xf32>
          scf.yield %max3A_371 : vector<16xf32>
        }
        %scan3A_79 = arith.constant 128 : i32
        %sort3A = arith.constant dense<true> : vector<16xi1>
        %sort3A_80, %sort3A_81, %sort3A_82 = tpu.sort %scan3A_78, %scan3A_78 masked %sort3A : (vector<16xf32>, vector<16xf32>, vector<16xi1>) -> (vector<16xi1>, vector<16xf32>, vector<16xf32>)
        %eq3A = arith.constant 7 : i32
        %eq3A_83 = vector.broadcast %eq3A : i32 to vector<16xi32>
        %eq3A_84 = arith.cmpi eq, %iota3A, %eq3A_83 : vector<16xi32>
        %jit3A_85 = arith.constant -9.99999968E+37 : f32
        %broadcast_in_dim3A_86 = vector.broadcast %jit3A_85 : f32 to vector<16xf32>
        %select_n3A_87 = arith.select %eq3A_84, %sort3A_81, %broadcast_in_dim3A_86 : vector<16xi1>, vector<16xf32>
        %reduce_max3A = arith.constant true
        %reduce_max3A_88 = vector.broadcast %reduce_max3A : i1 to vector<16xi1>
        %reduce_max3A_89 = tpu.scan <max>, %select_n3A_87 masked %reduce_max3A_88 : vector<16xf32>, vector<16xi1> -> vector<16xf32>
        %reduce_max3A_90 = vector.extract %reduce_max3A_89[15] : f32 from vector<16xf32>
        %mul3A_91 = arith.constant 128 : i32
        %mul3A_92 = vector.broadcast %mul3A_91 : i32 to vector<16xi32>
        %mul3A_93 = arith.muli %iota3A, %mul3A_92 : vector<16xi32>
        %scan3A_94 = arith.constant 0 : i32
        %scan3A_95 = arith.constant 8 : i32
        %scan3A_96 = arith.addi %scan3A_94, %scan3A_95 : i32
        %scan3A_97 = arith.constant 1 : i32
        %scan3A_98:2 = scf.for %scan3A_338 = %scan3A_94 to %scan3A_96 step %scan3A_97 iter_args(%scan3A_339 = %mul3A_93, %scan3A_340 = %iota3A) -> (vector<16xi32>, vector<16xi32>)  : i32 {
          %mul3A_341 = arith.constant 16 : i32
          %mul3A_342 = arith.muli %scan3A_338, %mul3A_341 : i32
          %add3A_343 = arith.constant 0 : i32
          %add3A_344 = arith.addi %mul3A_342, %add3A_343 : i32
          %get3A = arith.index_cast %add3A_344 : i32 to index
          %get3A_345 = arith.constant 0 : index
          %get3A_346 = tpu.vector_load %arg6[%get3A, %get3A_345] {strides = array<i32>} : memref<128x16xf32, #tpu.memory_space<vmem>>, vector<16xf32>,
          %mul3A_347 = arith.constant 16 : i32
          %mul3A_348 = arith.muli %scan3A_338, %mul3A_347 : i32
          %add3A_349 = arith.constant 1 : i32
          %add3A_350 = arith.addi %mul3A_348, %add3A_349 : i32
          %get3A_351 = arith.index_cast %add3A_350 : i32 to index
          %get3A_352 = arith.constant 0 : index
          %get3A_353 = tpu.vector_load %arg6[%get3A_351, %get3A_352] {strides = array<i32>} : memref<128x16xf32, #tpu.memory_space<vmem>>, vector<16xf32>,
          %mul3A_354 = arith.constant 16 : i32
          %mul3A_355 = arith.muli %scan3A_338, %mul3A_354 : i32
          %add3A_356 = arith.constant 2 : i32
          %add3A_357 = arith.addi %mul3A_355, %add3A_356 : i32
          %get3A_358 = arith.index_cast %add3A_357 : i32 to index
          %get3A_359 = arith.constant 0 : index
          %get3A_360 = tpu.vector_load %arg6[%get3A_358, %get3A_359] {strides = array<i32>} : memref<128x16xf32, #tpu.memory_space<vmem>>, vector<16xf32>,
          %mul3A_361 = arith.constant 16 : i32
          %mul3A_362 = arith.muli %scan3A_338, %mul3A_361 : i32
          %add3A_363 = arith.constant 3 : i32
          %add3A_364 = arith.addi %mul3A_362, %add3A_363 : i32
          %get3A_365 = arith.index_cast %add3A_364 : i32 to index
          %get3A_366 = arith.constant 0 : index
          %get3A_367 = tpu.vector_load %arg6[%get3A_365, %get3A_366] {strides = array<i32>} : memref<128x16xf32, #tpu.memory_space<vmem>>, vector<16xf32>,
          %mul3A_368 = arith.constant 16 : i32
          %mul3A_369 = arith.muli %scan3A_338, %mul3A_368 : i32
          %add3A_370 = arith.constant 4 : i32
          %add3A_371 = arith.addi %mul3A_369, %add3A_370 : i32
          %get3A_372 = arith.index_cast %add3A_371 : i32 to index
          %get3A_373 = arith.constant 0 : index
          %get3A_374 = tpu.vector_load %arg6[%get3A_372, %get3A_373] {strides = array<i32>} : memref<128x16xf32, #tpu.memory_space<vmem>>, vector<16xf32>,
          %mul3A_375 = arith.constant 16 : i32
          %mul3A_376 = arith.muli %scan3A_338, %mul3A_375 : i32
          %add3A_377 = arith.constant 5 : i32
          %add3A_378 = arith.addi %mul3A_376, %add3A_377 : i32
          %get3A_379 = arith.index_cast %add3A_378 : i32 to index
          %get3A_380 = arith.constant 0 : index
          %get3A_381 = tpu.vector_load %arg6[%get3A_379, %get3A_380] {strides = array<i32>} : memref<128x16xf32, #tpu.memory_space<vmem>>, vector<16xf32>,
          %mul3A_382 = arith.constant 16 : i32
          %mul3A_383 = arith.muli %scan3A_338, %mul3A_382 : i32
          %add3A_384 = arith.constant 6 : i32
          %add3A_385 = arith.addi %mul3A_383, %add3A_384 : i32
          %get3A_386 = arith.index_cast %add3A_385 : i32 to index
          %get3A_387 = arith.constant 0 : index
          %get3A_388 = tpu.vector_load %arg6[%get3A_386, %get3A_387] {strides = array<i32>} : memref<128x16xf32, #tpu.memory_space<vmem>>, vector<16xf32>,
          %mul3A_389 = arith.constant 16 : i32
          %mul3A_390 = arith.muli %scan3A_338, %mul3A_389 : i32
          %add3A_391 = arith.constant 7 : i32
          %add3A_392 = arith.addi %mul3A_390, %add3A_391 : i32
          %get3A_393 = arith.index_cast %add3A_392 : i32 to index
          %get3A_394 = arith.constant 0 : index
          %get3A_395 = tpu.vector_load %arg6[%get3A_393, %get3A_394] {strides = array<i32>} : memref<128x16xf32, #tpu.memory_space<vmem>>, vector<16xf32>,
          %mul3A_396 = arith.constant 16 : i32
          %mul3A_397 = arith.muli %scan3A_338, %mul3A_396 : i32
          %add3A_398 = arith.constant 8 : i32
          %add3A_399 = arith.addi %mul3A_397, %add3A_398 : i32
          %get3A_400 = arith.index_cast %add3A_399 : i32 to index
          %get3A_401 = arith.constant 0 : index
          %get3A_402 = tpu.vector_load %arg6[%get3A_400, %get3A_401] {strides = array<i32>} : memref<128x16xf32, #tpu.memory_space<vmem>>, vector<16xf32>,
          %mul3A_403 = arith.constant 16 : i32
          %mul3A_404 = arith.muli %scan3A_338, %mul3A_403 : i32
          %add3A_405 = arith.constant 9 : i32
          %add3A_406 = arith.addi %mul3A_404, %add3A_405 : i32
          %get3A_407 = arith.index_cast %add3A_406 : i32 to index
          %get3A_408 = arith.constant 0 : index
          %get3A_409 = tpu.vector_load %arg6[%get3A_407, %get3A_408] {strides = array<i32>} : memref<128x16xf32, #tpu.memory_space<vmem>>, vector<16xf32>,
          %mul3A_410 = arith.constant 16 : i32
          %mul3A_411 = arith.muli %scan3A_338, %mul3A_410 : i32
          %add3A_412 = arith.constant 10 : i32
          %add3A_413 = arith.addi %mul3A_411, %add3A_412 : i32
          %get3A_414 = arith.index_cast %add3A_413 : i32 to index
          %get3A_415 = arith.constant 0 : index
          %get3A_416 = tpu.vector_load %arg6[%get3A_414, %get3A_415] {strides = array<i32>} : memref<128x16xf32, #tpu.memory_space<vmem>>, vector<16xf32>,
          %mul3A_417 = arith.constant 16 : i32
          %mul3A_418 = arith.muli %scan3A_338, %mul3A_417 : i32
          %add3A_419 = arith.constant 11 : i32
          %add3A_420 = arith.addi %mul3A_418, %add3A_419 : i32
          %get3A_421 = arith.index_cast %add3A_420 : i32 to index
          %get3A_422 = arith.constant 0 : index
          %get3A_423 = tpu.vector_load %arg6[%get3A_421, %get3A_422] {strides = array<i32>} : memref<128x16xf32, #tpu.memory_space<vmem>>, vector<16xf32>,
          %mul3A_424 = arith.constant 16 : i32
          %mul3A_425 = arith.muli %scan3A_338, %mul3A_424 : i32
          %add3A_426 = arith.constant 12 : i32
          %add3A_427 = arith.addi %mul3A_425, %add3A_426 : i32
          %get3A_428 = arith.index_cast %add3A_427 : i32 to index
          %get3A_429 = arith.constant 0 : index
          %get3A_430 = tpu.vector_load %arg6[%get3A_428, %get3A_429] {strides = array<i32>} : memref<128x16xf32, #tpu.memory_space<vmem>>, vector<16xf32>,
          %mul3A_431 = arith.constant 16 : i32
          %mul3A_432 = arith.muli %scan3A_338, %mul3A_431 : i32
          %add3A_433 = arith.constant 13 : i32
          %add3A_434 = arith.addi %mul3A_432, %add3A_433 : i32
          %get3A_435 = arith.index_cast %add3A_434 : i32 to index
          %get3A_436 = arith.constant 0 : index
          %get3A_437 = tpu.vector_load %arg6[%get3A_435, %get3A_436] {strides = array<i32>} : memref<128x16xf32, #tpu.memory_space<vmem>>, vector<16xf32>,
          %mul3A_438 = arith.constant 16 : i32
          %mul3A_439 = arith.muli %scan3A_338, %mul3A_438 : i32
          %add3A_440 = arith.constant 14 : i32
          %add3A_441 = arith.addi %mul3A_439, %add3A_440 : i32
          %get3A_442 = arith.index_cast %add3A_441 : i32 to index
          %get3A_443 = arith.constant 0 : index
          %get3A_444 = tpu.vector_load %arg6[%get3A_442, %get3A_443] {strides = array<i32>} : memref<128x16xf32, #tpu.memory_space<vmem>>, vector<16xf32>,
          %mul3A_445 = arith.constant 16 : i32
          %mul3A_446 = arith.muli %scan3A_338, %mul3A_445 : i32
          %add3A_447 = arith.constant 15 : i32
          %add3A_448 = arith.addi %mul3A_446, %add3A_447 : i32
          %get3A_449 = arith.index_cast %add3A_448 : i32 to index
          %get3A_450 = arith.constant 0 : index
          %get3A_451 = tpu.vector_load %arg6[%get3A_449, %get3A_450] {strides = array<i32>} : memref<128x16xf32, #tpu.memory_space<vmem>>, vector<16xf32>,
          %ge3A = vector.broadcast %reduce_max3A_90 : f32 to vector<16xf32>
          %ge3A_452 = arith.cmpf oge, %get3A_346, %ge3A : vector<16xf32>
          %ge3A_453 = vector.broadcast %reduce_max3A_90 : f32 to vector<16xf32>
          %ge3A_454 = arith.cmpf oge, %get3A_353, %ge3A_453 : vector<16xf32>
          %ge3A_455 = vector.broadcast %reduce_max3A_90 : f32 to vector<16xf32>
          %ge3A_456 = arith.cmpf oge, %get3A_360, %ge3A_455 : vector<16xf32>
          %ge3A_457 = vector.broadcast %reduce_max3A_90 : f32 to vector<16xf32>
          %ge3A_458 = arith.cmpf oge, %get3A_367, %ge3A_457 : vector<16xf32>
          %ge3A_459 = vector.broadcast %reduce_max3A_90 : f32 to vector<16xf32>
          %ge3A_460 = arith.cmpf oge, %get3A_374, %ge3A_459 : vector<16xf32>
          %ge3A_461 = vector.broadcast %reduce_max3A_90 : f32 to vector<16xf32>
          %ge3A_462 = arith.cmpf oge, %get3A_381, %ge3A_461 : vector<16xf32>
          %ge3A_463 = vector.broadcast %reduce_max3A_90 : f32 to vector<16xf32>
          %ge3A_464 = arith.cmpf oge, %get3A_388, %ge3A_463 : vector<16xf32>
          %ge3A_465 = vector.broadcast %reduce_max3A_90 : f32 to vector<16xf32>
          %ge3A_466 = arith.cmpf oge, %get3A_395, %ge3A_465 : vector<16xf32>
          %ge3A_467 = vector.broadcast %reduce_max3A_90 : f32 to vector<16xf32>
          %ge3A_468 = arith.cmpf oge, %get3A_402, %ge3A_467 : vector<16xf32>
          %ge3A_469 = vector.broadcast %reduce_max3A_90 : f32 to vector<16xf32>
          %ge3A_470 = arith.cmpf oge, %get3A_409, %ge3A_469 : vector<16xf32>
          %ge3A_471 = vector.broadcast %reduce_max3A_90 : f32 to vector<16xf32>
          %ge3A_472 = arith.cmpf oge, %get3A_416, %ge3A_471 : vector<16xf32>
          %ge3A_473 = vector.broadcast %reduce_max3A_90 : f32 to vector<16xf32>
          %ge3A_474 = arith.cmpf oge, %get3A_423, %ge3A_473 : vector<16xf32>
          %ge3A_475 = vector.broadcast %reduce_max3A_90 : f32 to vector<16xf32>
          %ge3A_476 = arith.cmpf oge, %get3A_430, %ge3A_475 : vector<16xf32>
          %ge3A_477 = vector.broadcast %reduce_max3A_90 : f32 to vector<16xf32>
          %ge3A_478 = arith.cmpf oge, %get3A_437, %ge3A_477 : vector<16xf32>
          %ge3A_479 = vector.broadcast %reduce_max3A_90 : f32 to vector<16xf32>
          %ge3A_480 = arith.cmpf oge, %get3A_444, %ge3A_479 : vector<16xf32>
          %ge3A_481 = vector.broadcast %reduce_max3A_90 : f32 to vector<16xf32>
          %ge3A_482 = arith.cmpf oge, %get3A_451, %ge3A_481 : vector<16xf32>
          %jit3A_483 = arith.constant 1 : i32
          %jit3A_484 = arith.constant 0 : i32
          %broadcast_in_dim3A_485 = vector.broadcast %jit3A_483 : i32 to vector<16xi32>
          %broadcast_in_dim3A_486 = vector.broadcast %jit3A_484 : i32 to vector<16xi32>
          %select_n3A_487 = arith.select %ge3A_452, %broadcast_in_dim3A_485, %broadcast_in_dim3A_486 : vector<16xi1>, vector<16xi32>
          %jit3A_488 = arith.constant 1 : i32
          %jit3A_489 = arith.constant 0 : i32
          %broadcast_in_dim3A_490 = vector.broadcast %jit3A_488 : i32 to vector<16xi32>
          %broadcast_in_dim3A_491 = vector.broadcast %jit3A_489 : i32 to vector<16xi32>
          %select_n3A_492 = arith.select %ge3A_454, %broadcast_in_dim3A_490, %broadcast_in_dim3A_491 : vector<16xi1>, vector<16xi32>
          %jit3A_493 = arith.constant 1 : i32
          %jit3A_494 = arith.constant 0 : i32
          %broadcast_in_dim3A_495 = vector.broadcast %jit3A_493 : i32 to vector<16xi32>
          %broadcast_in_dim3A_496 = vector.broadcast %jit3A_494 : i32 to vector<16xi32>
          %select_n3A_497 = arith.select %ge3A_456, %broadcast_in_dim3A_495, %broadcast_in_dim3A_496 : vector<16xi1>, vector<16xi32>
          %jit3A_498 = arith.constant 1 : i32
          %jit3A_499 = arith.constant 0 : i32
          %broadcast_in_dim3A_500 = vector.broadcast %jit3A_498 : i32 to vector<16xi32>
          %broadcast_in_dim3A_501 = vector.broadcast %jit3A_499 : i32 to vector<16xi32>
          %select_n3A_502 = arith.select %ge3A_458, %broadcast_in_dim3A_500, %broadcast_in_dim3A_501 : vector<16xi1>, vector<16xi32>
          %jit3A_503 = arith.constant 1 : i32
          %jit3A_504 = arith.constant 0 : i32
          %broadcast_in_dim3A_505 = vector.broadcast %jit3A_503 : i32 to vector<16xi32>
          %broadcast_in_dim3A_506 = vector.broadcast %jit3A_504 : i32 to vector<16xi32>
          %select_n3A_507 = arith.select %ge3A_460, %broadcast_in_dim3A_505, %broadcast_in_dim3A_506 : vector<16xi1>, vector<16xi32>
          %jit3A_508 = arith.constant 1 : i32
          %jit3A_509 = arith.constant 0 : i32
          %broadcast_in_dim3A_510 = vector.broadcast %jit3A_508 : i32 to vector<16xi32>
          %broadcast_in_dim3A_511 = vector.broadcast %jit3A_509 : i32 to vector<16xi32>
          %select_n3A_512 = arith.select %ge3A_462, %broadcast_in_dim3A_510, %broadcast_in_dim3A_511 : vector<16xi1>, vector<16xi32>
          %jit3A_513 = arith.constant 1 : i32
          %jit3A_514 = arith.constant 0 : i32
          %broadcast_in_dim3A_515 = vector.broadcast %jit3A_513 : i32 to vector<16xi32>
          %broadcast_in_dim3A_516 = vector.broadcast %jit3A_514 : i32 to vector<16xi32>
          %select_n3A_517 = arith.select %ge3A_464, %broadcast_in_dim3A_515, %broadcast_in_dim3A_516 : vector<16xi1>, vector<16xi32>
          %jit3A_518 = arith.constant 1 : i32
          %jit3A_519 = arith.constant 0 : i32
          %broadcast_in_dim3A_520 = vector.broadcast %jit3A_518 : i32 to vector<16xi32>
          %broadcast_in_dim3A_521 = vector.broadcast %jit3A_519 : i32 to vector<16xi32>
          %select_n3A_522 = arith.select %ge3A_466, %broadcast_in_dim3A_520, %broadcast_in_dim3A_521 : vector<16xi1>, vector<16xi32>
          %jit3A_523 = arith.constant 1 : i32
          %jit3A_524 = arith.constant 0 : i32
          %broadcast_in_dim3A_525 = vector.broadcast %jit3A_523 : i32 to vector<16xi32>
          %broadcast_in_dim3A_526 = vector.broadcast %jit3A_524 : i32 to vector<16xi32>
          %select_n3A_527 = arith.select %ge3A_468, %broadcast_in_dim3A_525, %broadcast_in_dim3A_526 : vector<16xi1>, vector<16xi32>
          %jit3A_528 = arith.constant 1 : i32
          %jit3A_529 = arith.constant 0 : i32
          %broadcast_in_dim3A_530 = vector.broadcast %jit3A_528 : i32 to vector<16xi32>
          %broadcast_in_dim3A_531 = vector.broadcast %jit3A_529 : i32 to vector<16xi32>
          %select_n3A_532 = arith.select %ge3A_470, %broadcast_in_dim3A_530, %broadcast_in_dim3A_531 : vector<16xi1>, vector<16xi32>
          %jit3A_533 = arith.constant 1 : i32
          %jit3A_534 = arith.constant 0 : i32
          %broadcast_in_dim3A_535 = vector.broadcast %jit3A_533 : i32 to vector<16xi32>
          %broadcast_in_dim3A_536 = vector.broadcast %jit3A_534 : i32 to vector<16xi32>
          %select_n3A_537 = arith.select %ge3A_472, %broadcast_in_dim3A_535, %broadcast_in_dim3A_536 : vector<16xi1>, vector<16xi32>
          %jit3A_538 = arith.constant 1 : i32
          %jit3A_539 = arith.constant 0 : i32
          %broadcast_in_dim3A_540 = vector.broadcast %jit3A_538 : i32 to vector<16xi32>
          %broadcast_in_dim3A_541 = vector.broadcast %jit3A_539 : i32 to vector<16xi32>
          %select_n3A_542 = arith.select %ge3A_474, %broadcast_in_dim3A_540, %broadcast_in_dim3A_541 : vector<16xi1>, vector<16xi32>
          %jit3A_543 = arith.constant 1 : i32
          %jit3A_544 = arith.constant 0 : i32
          %broadcast_in_dim3A_545 = vector.broadcast %jit3A_543 : i32 to vector<16xi32>
          %broadcast_in_dim3A_546 = vector.broadcast %jit3A_544 : i32 to vector<16xi32>
          %select_n3A_547 = arith.select %ge3A_476, %broadcast_in_dim3A_545, %broadcast_in_dim3A_546 : vector<16xi1>, vector<16xi32>
          %jit3A_548 = arith.constant 1 : i32
          %jit3A_549 = arith.constant 0 : i32
          %broadcast_in_dim3A_550 = vector.broadcast %jit3A_548 : i32 to vector<16xi32>
          %broadcast_in_dim3A_551 = vector.broadcast %jit3A_549 : i32 to vector<16xi32>
          %select_n3A_552 = arith.select %ge3A_478, %broadcast_in_dim3A_550, %broadcast_in_dim3A_551 : vector<16xi1>, vector<16xi32>
          %jit3A_553 = arith.constant 1 : i32
          %jit3A_554 = arith.constant 0 : i32
          %broadcast_in_dim3A_555 = vector.broadcast %jit3A_553 : i32 to vector<16xi32>
          %broadcast_in_dim3A_556 = vector.broadcast %jit3A_554 : i32 to vector<16xi32>
          %select_n3A_557 = arith.select %ge3A_480, %broadcast_in_dim3A_555, %broadcast_in_dim3A_556 : vector<16xi1>, vector<16xi32>
          %jit3A_558 = arith.constant 1 : i32
          %jit3A_559 = arith.constant 0 : i32
          %broadcast_in_dim3A_560 = vector.broadcast %jit3A_558 : i32 to vector<16xi32>
          %broadcast_in_dim3A_561 = vector.broadcast %jit3A_559 : i32 to vector<16xi32>
          %select_n3A_562 = arith.select %ge3A_482, %broadcast_in_dim3A_560, %broadcast_in_dim3A_561 : vector<16xi1>, vector<16xi32>
          %add3A_563 = arith.constant 0 : i32
          %add3A_564 = vector.broadcast %add3A_563 : i32 to vector<16xi32>
          %add3A_565 = arith.addi %scan3A_340, %add3A_564 : vector<16xi32>
          tpu.vector_store_idx %arg7[%scan3A_339], %add3A_565 masked %ge3A_452 : memref<2048xi32, #tpu.memory_space<vmem>>[vector<16xi32>], vector<16xi32>, vector<16xi1>
          %add3A_566 = arith.addi %scan3A_339, %select_n3A_487 : vector<16xi32>
          %add3A_567 = arith.constant 128 : i32
          %add3A_568 = vector.broadcast %add3A_567 : i32 to vector<16xi32>
          %add3A_569 = arith.addi %scan3A_340, %add3A_568 : vector<16xi32>
          tpu.vector_store_idx %arg7[%add3A_566], %add3A_569 masked %ge3A_454 : memref<2048xi32, #tpu.memory_space<vmem>>[vector<16xi32>], vector<16xi32>, vector<16xi1>
          %add3A_570 = arith.addi %add3A_566, %select_n3A_492 : vector<16xi32>
          %add3A_571 = arith.constant 256 : i32
          %add3A_572 = vector.broadcast %add3A_571 : i32 to vector<16xi32>
          %add3A_573 = arith.addi %scan3A_340, %add3A_572 : vector<16xi32>
          tpu.vector_store_idx %arg7[%add3A_570], %add3A_573 masked %ge3A_456 : memref<2048xi32, #tpu.memory_space<vmem>>[vector<16xi32>], vector<16xi32>, vector<16xi1>
          %add3A_574 = arith.addi %add3A_570, %select_n3A_497 : vector<16xi32>
          %add3A_575 = arith.constant 384 : i32
          %add3A_576 = vector.broadcast %add3A_575 : i32 to vector<16xi32>
          %add3A_577 = arith.addi %scan3A_340, %add3A_576 : vector<16xi32>
          tpu.vector_store_idx %arg7[%add3A_574], %add3A_577 masked %ge3A_458 : memref<2048xi32, #tpu.memory_space<vmem>>[vector<16xi32>], vector<16xi32>, vector<16xi1>
          %add3A_578 = arith.addi %add3A_574, %select_n3A_502 : vector<16xi32>
          %add3A_579 = arith.constant 512 : i32
          %add3A_580 = vector.broadcast %add3A_579 : i32 to vector<16xi32>
          %add3A_581 = arith.addi %scan3A_340, %add3A_580 : vector<16xi32>
          tpu.vector_store_idx %arg7[%add3A_578], %add3A_581 masked %ge3A_460 : memref<2048xi32, #tpu.memory_space<vmem>>[vector<16xi32>], vector<16xi32>, vector<16xi1>
          %add3A_582 = arith.addi %add3A_578, %select_n3A_507 : vector<16xi32>
          %add3A_583 = arith.constant 640 : i32
          %add3A_584 = vector.broadcast %add3A_583 : i32 to vector<16xi32>
          %add3A_585 = arith.addi %scan3A_340, %add3A_584 : vector<16xi32>
          tpu.vector_store_idx %arg7[%add3A_582], %add3A_585 masked %ge3A_462 : memref<2048xi32, #tpu.memory_space<vmem>>[vector<16xi32>], vector<16xi32>, vector<16xi1>
          %add3A_586 = arith.addi %add3A_582, %select_n3A_512 : vector<16xi32>
          %add3A_587 = arith.constant 768 : i32
          %add3A_588 = vector.broadcast %add3A_587 : i32 to vector<16xi32>
          %add3A_589 = arith.addi %scan3A_340, %add3A_588 : vector<16xi32>
          tpu.vector_store_idx %arg7[%add3A_586], %add3A_589 masked %ge3A_464 : memref<2048xi32, #tpu.memory_space<vmem>>[vector<16xi32>], vector<16xi32>, vector<16xi1>
          %add3A_590 = arith.addi %add3A_586, %select_n3A_517 : vector<16xi32>
          %add3A_591 = arith.constant 896 : i32
          %add3A_592 = vector.broadcast %add3A_591 : i32 to vector<16xi32>
          %add3A_593 = arith.addi %scan3A_340, %add3A_592 : vector<16xi32>
          tpu.vector_store_idx %arg7[%add3A_590], %add3A_593 masked %ge3A_466 : memref<2048xi32, #tpu.memory_space<vmem>>[vector<16xi32>], vector<16xi32>, vector<16xi1>
          %add3A_594 = arith.addi %add3A_590, %select_n3A_522 : vector<16xi32>
          %add3A_595 = arith.constant 1024 : i32
          %add3A_596 = vector.broadcast %add3A_595 : i32 to vector<16xi32>
          %add3A_597 = arith.addi %scan3A_340, %add3A_596 : vector<16xi32>
          tpu.vector_store_idx %arg7[%add3A_594], %add3A_597 masked %ge3A_468 : memref<2048xi32, #tpu.memory_space<vmem>>[vector<16xi32>], vector<16xi32>, vector<16xi1>
          %add3A_598 = arith.addi %add3A_594, %select_n3A_527 : vector<16xi32>
          %add3A_599 = arith.constant 1152 : i32
          %add3A_600 = vector.broadcast %add3A_599 : i32 to vector<16xi32>
          %add3A_601 = arith.addi %scan3A_340, %add3A_600 : vector<16xi32>
          tpu.vector_store_idx %arg7[%add3A_598], %add3A_601 masked %ge3A_470 : memref<2048xi32, #tpu.memory_space<vmem>>[vector<16xi32>], vector<16xi32>, vector<16xi1>
          %add3A_602 = arith.addi %add3A_598, %select_n3A_532 : vector<16xi32>
          %add3A_603 = arith.constant 1280 : i32
          %add3A_604 = vector.broadcast %add3A_603 : i32 to vector<16xi32>
          %add3A_605 = arith.addi %scan3A_340, %add3A_604 : vector<16xi32>
          tpu.vector_store_idx %arg7[%add3A_602], %add3A_605 masked %ge3A_472 : memref<2048xi32, #tpu.memory_space<vmem>>[vector<16xi32>], vector<16xi32>, vector<16xi1>
          %add3A_606 = arith.addi %add3A_602, %select_n3A_537 : vector<16xi32>
          %add3A_607 = arith.constant 1408 : i32
          %add3A_608 = vector.broadcast %add3A_607 : i32 to vector<16xi32>
          %add3A_609 = arith.addi %scan3A_340, %add3A_608 : vector<16xi32>
          tpu.vector_store_idx %arg7[%add3A_606], %add3A_609 masked %ge3A_474 : memref<2048xi32, #tpu.memory_space<vmem>>[vector<16xi32>], vector<16xi32>, vector<16xi1>
          %add3A_610 = arith.addi %add3A_606, %select_n3A_542 : vector<16xi32>
          %add3A_611 = arith.constant 1536 : i32
          %add3A_612 = vector.broadcast %add3A_611 : i32 to vector<16xi32>
          %add3A_613 = arith.addi %scan3A_340, %add3A_612 : vector<16xi32>
          tpu.vector_store_idx %arg7[%add3A_610], %add3A_613 masked %ge3A_476 : memref<2048xi32, #tpu.memory_space<vmem>>[vector<16xi32>], vector<16xi32>, vector<16xi1>
          %add3A_614 = arith.addi %add3A_610, %select_n3A_547 : vector<16xi32>
          %add3A_615 = arith.constant 1664 : i32
          %add3A_616 = vector.broadcast %add3A_615 : i32 to vector<16xi32>
          %add3A_617 = arith.addi %scan3A_340, %add3A_616 : vector<16xi32>
          tpu.vector_store_idx %arg7[%add3A_614], %add3A_617 masked %ge3A_478 : memref<2048xi32, #tpu.memory_space<vmem>>[vector<16xi32>], vector<16xi32>, vector<16xi1>
          %add3A_618 = arith.addi %add3A_614, %select_n3A_552 : vector<16xi32>
          %add3A_619 = arith.constant 1792 : i32
          %add3A_620 = vector.broadcast %add3A_619 : i32 to vector<16xi32>
          %add3A_621 = arith.addi %scan3A_340, %add3A_620 : vector<16xi32>
          tpu.vector_store_idx %arg7[%add3A_618], %add3A_621 masked %ge3A_480 : memref<2048xi32, #tpu.memory_space<vmem>>[vector<16xi32>], vector<16xi32>, vector<16xi1>
          %add3A_622 = arith.addi %add3A_618, %select_n3A_557 : vector<16xi32>
          %add3A_623 = arith.constant 1920 : i32
          %add3A_624 = vector.broadcast %add3A_623 : i32 to vector<16xi32>
          %add3A_625 = arith.addi %scan3A_340, %add3A_624 : vector<16xi32>
          tpu.vector_store_idx %arg7[%add3A_622], %add3A_625 masked %ge3A_482 : memref<2048xi32, #tpu.memory_space<vmem>>[vector<16xi32>], vector<16xi32>, vector<16xi1>
          %add3A_626 = arith.addi %add3A_622, %select_n3A_562 : vector<16xi32>
          %add3A_627 = arith.constant 2048 : i32
          %add3A_628 = vector.broadcast %add3A_627 : i32 to vector<16xi32>
          %add3A_629 = arith.addi %scan3A_340, %add3A_628 : vector<16xi32>
          scf.yield %add3A_626, %add3A_629 : vector<16xi32>, vector<16xi32>
        }
        %scan3A_99 = arith.constant 8 : i32
        %sub3A_100 = arith.subi %scan3A_98#0, %mul3A_93 : vector<16xi32>
        %reduce_sum3A = arith.constant true
        %reduce_sum3A_101 = vector.broadcast %reduce_sum3A : i1 to vector<16xi1>
        %reduce_sum3A_102 = tpu.scan <sum>, %sub3A_100 masked %reduce_sum3A_101 : vector<16xi32>, vector<16xi1> -> vector<16xi32>
        %reduce_sum3A_103 = vector.extract %reduce_sum3A_102[15] : i32 from vector<16xi32>
        %reduce_max3A_104 = arith.constant true
        %reduce_max3A_105 = vector.broadcast %reduce_max3A_104 : i1 to vector<16xi1>
        %reduce_max3A_106 = arith.constant -2147483648 : i32
        %reduce_max3A_107 = vector.broadcast %reduce_max3A_106 : i32 to vector<16xi32>
        %reduce_max3A_108 = arith.xori %sub3A_100, %reduce_max3A_107 : vector<16xi32>
        %reduce_max3A_109 = tpu.scan <max>, %reduce_max3A_108 masked %reduce_max3A_105 : vector<16xi32>, vector<16xi1> -> vector<16xi32>
        %reduce_max3A_110 = arith.xori %reduce_max3A_109, %reduce_max3A_107 : vector<16xi32>
        %reduce_max3A_111 = vector.extract %reduce_max3A_110[15] : i32 from vector<16xi32>
        %broadcast_in_dim3A_112 = arith.constant true
        %broadcast_in_dim3A_113 = vector.broadcast %broadcast_in_dim3A_112 : i1 to vector<16xi1>
        %masked_cumsum3A = tpu.scan <sum>, %sub3A_100 masked %broadcast_in_dim3A_113 : vector<16xi32>, vector<16xi1> -> vector<16xi32>
        %sub3A_114 = arith.subi %masked_cumsum3A, %sub3A_100 : vector<16xi32>
        %add3A_115 = arith.constant 16 : i32
        %add3A_116 = arith.addi %reduce_sum3A_103, %add3A_115 : i32
        %sub3A_117 = arith.constant 1 : i32
        %sub3A_118 = arith.subi %add3A_116, %sub3A_117 : i32
        %jit3A_119 = arith.constant 16 : i32
        %div3A_120 = arith.divsi %sub3A_118, %jit3A_119 : i32
        %sign3A_121 = arith.constant 0 : i32
        %sign3A_122 = arith.cmpi sgt, %sub3A_118, %sign3A_121 : i32
        %sign3A_123 = arith.extui %sign3A_122 : i1 to i32
        %sign3A_124 = arith.constant 0 : i32
        %sign3A_125 = arith.cmpi slt, %sub3A_118, %sign3A_124 : i32
        %sign3A_126 = arith.extui %sign3A_125 : i1 to i32
        %sign3A_127 = arith.subi %sign3A_123, %sign3A_126 : i32
        %sign3A_128 = arith.constant 0 : i32
        %sign3A_129 = arith.cmpi sgt, %jit3A_119, %sign3A_128 : i32
        %sign3A_130 = arith.extui %sign3A_129 : i1 to i32
        %sign3A_131 = arith.constant 0 : i32
        %sign3A_132 = arith.cmpi slt, %jit3A_119, %sign3A_131 : i32
        %sign3A_133 = arith.extui %sign3A_132 : i1 to i32
        %sign3A_134 = arith.subi %sign3A_130, %sign3A_133 : i32
        %ne3A_135 = arith.cmpi ne, %sign3A_127, %sign3A_134 : i32
        %rem3A_136 = arith.remsi %sub3A_118, %jit3A_119 : i32
        %ne3A_137 = arith.constant 0 : i32
        %ne3A_138 = arith.cmpi ne, %rem3A_136, %ne3A_137 : i32
        %and3A_139 = arith.andi %ne3A_135, %ne3A_138 : i1
        %sub3A_140 = arith.constant 1 : i32
        %sub3A_141 = arith.subi %div3A_120, %sub3A_140 : i32
        %select_n3A_142 = arith.select %and3A_139, %sub3A_141, %div3A_120 : i32
        %while3A = arith.constant 0 : i32
        %while3A_143 = arith.constant 0 : i32
        %while3A_144 = arith.subi %select_n3A_142, %while3A : i32
        %while3A_145 = arith.addi %while3A, %while3A_144 : i32
        %while3A_146 = arith.constant 1 : i32
        %while3A_147 = arith.divsi %while3A_144, %while3A_146 : i32
        %while3A_148 = arith.muli %while3A_147, %while3A_146 : i32
        %while3A_149 = arith.addi %while3A, %while3A_148 : i32
        %while3A_150 = arith.constant 1 : i32
        %while3A_151 = scf.for %while3A_338 = %while3A to %while3A_149 step %while3A_150 iter_args(%while3A_339 = %while3A_143) -> (i32)  : i32 {
          %broadcast_in_dim3A_340 = arith.constant 0 : i32
          %broadcast_in_dim3A_341 = vector.broadcast %broadcast_in_dim3A_340 : i32 to vector<16xi32>
          %mul3A_342 = arith.constant 16 : i32
          %mul3A_343 = arith.muli %while3A_338, %mul3A_342 : i32
          %swap3A = arith.index_cast %mul3A_343 : i32 to index
          %swap3A_344 = tpu.vector_load %arg9[%swap3A] {strides = array<i32>} : memref<16384xi32, #tpu.memory_space<vmem>>, vector<16xi32>,
          tpu.vector_store %arg9[%swap3A], %broadcast_in_dim3A_341 {strides = array<i32>} : memref<16384xi32, #tpu.memory_space<vmem>>, vector<16xi32>,
          %while3A_345 = arith.constant 0 : i32
          scf.yield %while3A_345 : i32
        }
        %while3A_152 = arith.constant 1 : i32
        %while3A_153 = scf.for %while3A_338 = %while3A_149 to %while3A_145 step %while3A_152 iter_args(%while3A_339 = %while3A_151) -> (i32)  : i32 {
          %broadcast_in_dim3A_340 = arith.constant 0 : i32
          %broadcast_in_dim3A_341 = vector.broadcast %broadcast_in_dim3A_340 : i32 to vector<16xi32>
          %mul3A_342 = arith.constant 16 : i32
          %mul3A_343 = arith.muli %while3A_338, %mul3A_342 : i32
          %swap3A = arith.index_cast %mul3A_343 : i32 to index
          %swap3A_344 = tpu.vector_load %arg9[%swap3A] {strides = array<i32>} : memref<16384xi32, #tpu.memory_space<vmem>>, vector<16xi32>,
          tpu.vector_store %arg9[%swap3A], %broadcast_in_dim3A_341 {strides = array<i32>} : memref<16384xi32, #tpu.memory_space<vmem>>, vector<16xi32>,
          %while3A_345 = arith.constant 0 : i32
          scf.yield %while3A_345 : i32
        }
        %while3A_154 = arith.constant 0 : i32
        %while3A_155 = arith.constant 0 : i32
        %while3A_156 = arith.subi %reduce_max3A_111, %while3A_154 : i32
        %while3A_157 = arith.addi %while3A_154, %while3A_156 : i32
        %while3A_158 = arith.constant 1 : i32
        %while3A_159 = arith.divsi %while3A_156, %while3A_158 : i32
        %while3A_160 = arith.muli %while3A_159, %while3A_158 : i32
        %while3A_161 = arith.addi %while3A_154, %while3A_160 : i32
        %while3A_162 = arith.constant 1 : i32
        %while3A_163 = scf.for %while3A_338 = %while3A_154 to %while3A_161 step %while3A_162 iter_args(%while3A_339 = %while3A_155) -> (i32)  : i32 {
          %gt3A_340 = vector.broadcast %while3A_338 : i32 to vector<16xi32>
          %gt3A_341 = arith.cmpi sgt, %sub3A_100, %gt3A_340 : vector<16xi32>
          %add3A_342 = vector.broadcast %while3A_338 : i32 to vector<16xi32>
          %add3A_343 = arith.addi %mul3A_93, %add3A_342 : vector<16xi32>
          %gather3A_344 = tpu.vector_load_idx %arg7[%add3A_343] : memref<2048xi32, #tpu.memory_space<vmem>>[vector<16xi32>], vector<16xi32>,
          %add3A_345 = vector.broadcast %while3A_338 : i32 to vector<16xi32>
          %add3A_346 = arith.addi %sub3A_114, %add3A_345 : vector<16xi32>
          tpu.vector_store_idx %arg9[%add3A_346], %gather3A_344 masked %gt3A_341 : memref<16384xi32, #tpu.memory_space<vmem>>[vector<16xi32>], vector<16xi32>, vector<16xi1>
          %while3A_347 = arith.constant 0 : i32
          scf.yield %while3A_347 : i32
        }
        %while3A_164 = arith.constant 1 : i32
        %while3A_165 = scf.for %while3A_338 = %while3A_161 to %while3A_157 step %while3A_164 iter_args(%while3A_339 = %while3A_163) -> (i32)  : i32 {
          %gt3A_340 = vector.broadcast %while3A_338 : i32 to vector<16xi32>
          %gt3A_341 = arith.cmpi sgt, %sub3A_100, %gt3A_340 : vector<16xi32>
          %add3A_342 = vector.broadcast %while3A_338 : i32 to vector<16xi32>
          %add3A_343 = arith.addi %mul3A_93, %add3A_342 : vector<16xi32>
          %gather3A_344 = tpu.vector_load_idx %arg7[%add3A_343] : memref<2048xi32, #tpu.memory_space<vmem>>[vector<16xi32>], vector<16xi32>,
          %add3A_345 = vector.broadcast %while3A_338 : i32 to vector<16xi32>
          %add3A_346 = arith.addi %sub3A_114, %add3A_345 : vector<16xi32>
          tpu.vector_store_idx %arg9[%add3A_346], %gather3A_344 masked %gt3A_341 : memref<16384xi32, #tpu.memory_space<vmem>>[vector<16xi32>], vector<16xi32>, vector<16xi1>
          %while3A_347 = arith.constant 0 : i32
          scf.yield %while3A_347 : i32
        }
        %while3A_166 = arith.constant 0 : i32
        %while3A_167 = arith.subi %select_n3A_142, %while3A_166 : i32
        %while3A_168 = arith.addi %while3A_166, %while3A_167 : i32
        %while3A_169 = arith.constant 1 : i32
        %while3A_170 = arith.divsi %while3A_167, %while3A_169 : i32
        %while3A_171 = arith.muli %while3A_170, %while3A_169 : i32
        %while3A_172 = arith.addi %while3A_166, %while3A_171 : i32
        %while3A_173 = arith.constant 1 : i32
        %while3A_174 = scf.for %while3A_338 = %while3A_166 to %while3A_172 step %while3A_173 iter_args(%while3A_339 = %mul3A_24) -> (vector<16xi32>)  : i32 {
          %mul3A_340 = arith.constant 16 : i32
          %mul3A_341 = arith.muli %while3A_338, %mul3A_340 : i32
          %get3A = arith.index_cast %mul3A_341 : i32 to index
          %get3A_342 = tpu.vector_load %arg9[%get3A] {strides = array<i32>} : memref<16384xi32, #tpu.memory_space<vmem>>, vector<16xi32>,
          %mul3A_343 = arith.constant 16 : i32
          %mul3A_344 = arith.muli %while3A_338, %mul3A_343 : i32
          %add3A_345 = vector.broadcast %mul3A_344 : i32 to vector<16xi32>
          %add3A_346 = arith.addi %add3A_345, %iota3A : vector<16xi32>
          %lt3A_347 = vector.broadcast %reduce_sum3A_103 : i32 to vector<16xi32>
          %lt3A_348 = arith.cmpi slt, %add3A_346, %lt3A_347 : vector<16xi32>
          %shift_right_arithmetic3A_349 = arith.constant 7 : i32
          %shift_right_arithmetic3A_350 = vector.broadcast %shift_right_arithmetic3A_349 : i32 to vector<16xi32>
          %shift_right_arithmetic3A_351 = arith.shrsi %get3A_342, %shift_right_arithmetic3A_350 : vector<16xi32>
          %and3A_352 = arith.constant 127 : i32
          %and3A_353 = vector.broadcast %and3A_352 : i32 to vector<16xi32>
          %and3A_354 = arith.andi %get3A_342, %and3A_353 : vector<16xi32>
          %add3A_355 = arith.constant 0 : i32
          %add3A_356 = vector.broadcast %add3A_355 : i32 to vector<16xi32>
          %add3A_357 = arith.addi %get3A_342, %add3A_356 : vector<16xi32>
          %add3A_358 = arith.constant 16 : i32
          %add3A_359 = vector.broadcast %add3A_358 : i32 to vector<16xi32>
          %add3A_360 = arith.addi %get3A_342, %add3A_359 : vector<16xi32>
          %add3A_361 = arith.constant 32 : i32
          %add3A_362 = vector.broadcast %add3A_361 : i32 to vector<16xi32>
          %add3A_363 = arith.addi %get3A_342, %add3A_362 : vector<16xi32>
          %add3A_364 = arith.constant 48 : i32
          %add3A_365 = vector.broadcast %add3A_364 : i32 to vector<16xi32>
          %add3A_366 = arith.addi %get3A_342, %add3A_365 : vector<16xi32>
          %add3A_367 = arith.constant 64 : i32
          %add3A_368 = vector.broadcast %add3A_367 : i32 to vector<16xi32>
          %add3A_369 = arith.addi %get3A_342, %add3A_368 : vector<16xi32>
          %add3A_370 = arith.constant 80 : i32
          %add3A_371 = vector.broadcast %add3A_370 : i32 to vector<16xi32>
          %add3A_372 = arith.addi %get3A_342, %add3A_371 : vector<16xi32>
          %add3A_373 = arith.constant 96 : i32
          %add3A_374 = vector.broadcast %add3A_373 : i32 to vector<16xi32>
          %add3A_375 = arith.addi %get3A_342, %add3A_374 : vector<16xi32>
          %add3A_376 = arith.constant 112 : i32
          %add3A_377 = vector.broadcast %add3A_376 : i32 to vector<16xi32>
          %add3A_378 = arith.addi %get3A_342, %add3A_377 : vector<16xi32>
          %add3A_379 = arith.constant 0 : i32
          %add3A_380 = vector.broadcast %add3A_379 : i32 to vector<16xi32>
          %add3A_381 = arith.addi %and3A_354, %add3A_380 : vector<16xi32>
          %gather3A_382 = tpu.vector_load_idx %arg4[%shift_right_arithmetic3A_351, %add3A_381] : memref<128x128xf32, #tpu.memory_space<vmem>>[vector<16xi32>, vector<16xi32>], vector<16xf32>,
          %add3A_383 = arith.constant 16 : i32
          %add3A_384 = vector.broadcast %add3A_383 : i32 to vector<16xi32>
          %add3A_385 = arith.addi %and3A_354, %add3A_384 : vector<16xi32>
          %gather3A_386 = tpu.vector_load_idx %arg4[%shift_right_arithmetic3A_351, %add3A_385] : memref<128x128xf32, #tpu.memory_space<vmem>>[vector<16xi32>, vector<16xi32>], vector<16xf32>,
          %add3A_387 = arith.constant 32 : i32
          %add3A_388 = vector.broadcast %add3A_387 : i32 to vector<16xi32>
          %add3A_389 = arith.addi %and3A_354, %add3A_388 : vector<16xi32>
          %gather3A_390 = tpu.vector_load_idx %arg4[%shift_right_arithmetic3A_351, %add3A_389] : memref<128x128xf32, #tpu.memory_space<vmem>>[vector<16xi32>, vector<16xi32>], vector<16xf32>,
          %add3A_391 = arith.constant 48 : i32
          %add3A_392 = vector.broadcast %add3A_391 : i32 to vector<16xi32>
          %add3A_393 = arith.addi %and3A_354, %add3A_392 : vector<16xi32>
          %gather3A_394 = tpu.vector_load_idx %arg4[%shift_right_arithmetic3A_351, %add3A_393] : memref<128x128xf32, #tpu.memory_space<vmem>>[vector<16xi32>, vector<16xi32>], vector<16xf32>,
          %add3A_395 = arith.constant 64 : i32
          %add3A_396 = vector.broadcast %add3A_395 : i32 to vector<16xi32>
          %add3A_397 = arith.addi %and3A_354, %add3A_396 : vector<16xi32>
          %gather3A_398 = tpu.vector_load_idx %arg4[%shift_right_arithmetic3A_351, %add3A_397] : memref<128x128xf32, #tpu.memory_space<vmem>>[vector<16xi32>, vector<16xi32>], vector<16xf32>,
          %add3A_399 = arith.constant 80 : i32
          %add3A_400 = vector.broadcast %add3A_399 : i32 to vector<16xi32>
          %add3A_401 = arith.addi %and3A_354, %add3A_400 : vector<16xi32>
          %gather3A_402 = tpu.vector_load_idx %arg4[%shift_right_arithmetic3A_351, %add3A_401] : memref<128x128xf32, #tpu.memory_space<vmem>>[vector<16xi32>, vector<16xi32>], vector<16xf32>,
          %add3A_403 = arith.constant 96 : i32
          %add3A_404 = vector.broadcast %add3A_403 : i32 to vector<16xi32>
          %add3A_405 = arith.addi %and3A_354, %add3A_404 : vector<16xi32>
          %gather3A_406 = tpu.vector_load_idx %arg4[%shift_right_arithmetic3A_351, %add3A_405] : memref<128x128xf32, #tpu.memory_space<vmem>>[vector<16xi32>, vector<16xi32>], vector<16xf32>,
          %add3A_407 = arith.constant 112 : i32
          %add3A_408 = vector.broadcast %add3A_407 : i32 to vector<16xi32>
          %add3A_409 = arith.addi %and3A_354, %add3A_408 : vector<16xi32>
          %gather3A_410 = tpu.vector_load_idx %arg4[%shift_right_arithmetic3A_351, %add3A_409] : memref<128x128xf32, #tpu.memory_space<vmem>>[vector<16xi32>, vector<16xi32>], vector<16xf32>,
          %ge3A = vector.broadcast %reduce_max3A_90 : f32 to vector<16xf32>
          %ge3A_411 = arith.cmpf oge, %gather3A_382, %ge3A : vector<16xf32>
          %and3A_412 = arith.andi %ge3A_411, %lt3A_348 : vector<16xi1>
          %ge3A_413 = vector.broadcast %reduce_max3A_90 : f32 to vector<16xf32>
          %ge3A_414 = arith.cmpf oge, %gather3A_386, %ge3A_413 : vector<16xf32>
          %and3A_415 = arith.andi %ge3A_414, %lt3A_348 : vector<16xi1>
          %ge3A_416 = vector.broadcast %reduce_max3A_90 : f32 to vector<16xf32>
          %ge3A_417 = arith.cmpf oge, %gather3A_390, %ge3A_416 : vector<16xf32>
          %and3A_418 = arith.andi %ge3A_417, %lt3A_348 : vector<16xi1>
          %ge3A_419 = vector.broadcast %reduce_max3A_90 : f32 to vector<16xf32>
          %ge3A_420 = arith.cmpf oge, %gather3A_394, %ge3A_419 : vector<16xf32>
          %and3A_421 = arith.andi %ge3A_420, %lt3A_348 : vector<16xi1>
          %ge3A_422 = vector.broadcast %reduce_max3A_90 : f32 to vector<16xf32>
          %ge3A_423 = arith.cmpf oge, %gather3A_398, %ge3A_422 : vector<16xf32>
          %and3A_424 = arith.andi %ge3A_423, %lt3A_348 : vector<16xi1>
          %ge3A_425 = vector.broadcast %reduce_max3A_90 : f32 to vector<16xf32>
          %ge3A_426 = arith.cmpf oge, %gather3A_402, %ge3A_425 : vector<16xf32>
          %and3A_427 = arith.andi %ge3A_426, %lt3A_348 : vector<16xi1>
          %ge3A_428 = vector.broadcast %reduce_max3A_90 : f32 to vector<16xf32>
          %ge3A_429 = arith.cmpf oge, %gather3A_406, %ge3A_428 : vector<16xf32>
          %and3A_430 = arith.andi %ge3A_429, %lt3A_348 : vector<16xi1>
          %ge3A_431 = vector.broadcast %reduce_max3A_90 : f32 to vector<16xf32>
          %ge3A_432 = arith.cmpf oge, %gather3A_410, %ge3A_431 : vector<16xf32>
          %and3A_433 = arith.andi %ge3A_432, %lt3A_348 : vector<16xi1>
          %jit3A_434 = arith.constant 1 : i32
          %jit3A_435 = arith.constant 0 : i32
          %broadcast_in_dim3A_436 = vector.broadcast %jit3A_434 : i32 to vector<16xi32>
          %broadcast_in_dim3A_437 = vector.broadcast %jit3A_435 : i32 to vector<16xi32>
          %select_n3A_438 = arith.select %and3A_412, %broadcast_in_dim3A_436, %broadcast_in_dim3A_437 : vector<16xi1>, vector<16xi32>
          %jit3A_439 = arith.constant 1 : i32
          %jit3A_440 = arith.constant 0 : i32
          %broadcast_in_dim3A_441 = vector.broadcast %jit3A_439 : i32 to vector<16xi32>
          %broadcast_in_dim3A_442 = vector.broadcast %jit3A_440 : i32 to vector<16xi32>
          %select_n3A_443 = arith.select %and3A_415, %broadcast_in_dim3A_441, %broadcast_in_dim3A_442 : vector<16xi1>, vector<16xi32>
          %jit3A_444 = arith.constant 1 : i32
          %jit3A_445 = arith.constant 0 : i32
          %broadcast_in_dim3A_446 = vector.broadcast %jit3A_444 : i32 to vector<16xi32>
          %broadcast_in_dim3A_447 = vector.broadcast %jit3A_445 : i32 to vector<16xi32>
          %select_n3A_448 = arith.select %and3A_418, %broadcast_in_dim3A_446, %broadcast_in_dim3A_447 : vector<16xi1>, vector<16xi32>
          %jit3A_449 = arith.constant 1 : i32
          %jit3A_450 = arith.constant 0 : i32
          %broadcast_in_dim3A_451 = vector.broadcast %jit3A_449 : i32 to vector<16xi32>
          %broadcast_in_dim3A_452 = vector.broadcast %jit3A_450 : i32 to vector<16xi32>
          %select_n3A_453 = arith.select %and3A_421, %broadcast_in_dim3A_451, %broadcast_in_dim3A_452 : vector<16xi1>, vector<16xi32>
          %jit3A_454 = arith.constant 1 : i32
          %jit3A_455 = arith.constant 0 : i32
          %broadcast_in_dim3A_456 = vector.broadcast %jit3A_454 : i32 to vector<16xi32>
          %broadcast_in_dim3A_457 = vector.broadcast %jit3A_455 : i32 to vector<16xi32>
          %select_n3A_458 = arith.select %and3A_424, %broadcast_in_dim3A_456, %broadcast_in_dim3A_457 : vector<16xi1>, vector<16xi32>
          %jit3A_459 = arith.constant 1 : i32
          %jit3A_460 = arith.constant 0 : i32
          %broadcast_in_dim3A_461 = vector.broadcast %jit3A_459 : i32 to vector<16xi32>
          %broadcast_in_dim3A_462 = vector.broadcast %jit3A_460 : i32 to vector<16xi32>
          %select_n3A_463 = arith.select %and3A_427, %broadcast_in_dim3A_461, %broadcast_in_dim3A_462 : vector<16xi1>, vector<16xi32>
          %jit3A_464 = arith.constant 1 : i32
          %jit3A_465 = arith.constant 0 : i32
          %broadcast_in_dim3A_466 = vector.broadcast %jit3A_464 : i32 to vector<16xi32>
          %broadcast_in_dim3A_467 = vector.broadcast %jit3A_465 : i32 to vector<16xi32>
          %select_n3A_468 = arith.select %and3A_430, %broadcast_in_dim3A_466, %broadcast_in_dim3A_467 : vector<16xi1>, vector<16xi32>
          %jit3A_469 = arith.constant 1 : i32
          %jit3A_470 = arith.constant 0 : i32
          %broadcast_in_dim3A_471 = vector.broadcast %jit3A_469 : i32 to vector<16xi32>
          %broadcast_in_dim3A_472 = vector.broadcast %jit3A_470 : i32 to vector<16xi32>
          %select_n3A_473 = arith.select %and3A_433, %broadcast_in_dim3A_471, %broadcast_in_dim3A_472 : vector<16xi1>, vector<16xi32>
          tpu.vector_store_idx %arg8[%while3A_339], %add3A_357 masked %and3A_412 : memref<16384xi32, #tpu.memory_space<vmem>>[vector<16xi32>], vector<16xi32>, vector<16xi1>
          %add3A_474 = arith.addi %while3A_339, %select_n3A_438 : vector<16xi32>
          tpu.vector_store_idx %arg8[%add3A_474], %add3A_360 masked %and3A_415 : memref<16384xi32, #tpu.memory_space<vmem>>[vector<16xi32>], vector<16xi32>, vector<16xi1>
          %add3A_475 = arith.addi %add3A_474, %select_n3A_443 : vector<16xi32>
          tpu.vector_store_idx %arg8[%add3A_475], %add3A_363 masked %and3A_418 : memref<16384xi32, #tpu.memory_space<vmem>>[vector<16xi32>], vector<16xi32>, vector<16xi1>
          %add3A_476 = arith.addi %add3A_475, %select_n3A_448 : vector<16xi32>
          tpu.vector_store_idx %arg8[%add3A_476], %add3A_366 masked %and3A_421 : memref<16384xi32, #tpu.memory_space<vmem>>[vector<16xi32>], vector<16xi32>, vector<16xi1>
          %add3A_477 = arith.addi %add3A_476, %select_n3A_453 : vector<16xi32>
          tpu.vector_store_idx %arg8[%add3A_477], %add3A_369 masked %and3A_424 : memref<16384xi32, #tpu.memory_space<vmem>>[vector<16xi32>], vector<16xi32>, vector<16xi1>
          %add3A_478 = arith.addi %add3A_477, %select_n3A_458 : vector<16xi32>
          tpu.vector_store_idx %arg8[%add3A_478], %add3A_372 masked %and3A_427 : memref<16384xi32, #tpu.memory_space<vmem>>[vector<16xi32>], vector<16xi32>, vector<16xi1>
          %add3A_479 = arith.addi %add3A_478, %select_n3A_463 : vector<16xi32>
          tpu.vector_store_idx %arg8[%add3A_479], %add3A_375 masked %and3A_430 : memref<16384xi32, #tpu.memory_space<vmem>>[vector<16xi32>], vector<16xi32>, vector<16xi1>
          %add3A_480 = arith.addi %add3A_479, %select_n3A_468 : vector<16xi32>
          tpu.vector_store_idx %arg8[%add3A_480], %add3A_378 masked %and3A_433 : memref<16384xi32, #tpu.memory_space<vmem>>[vector<16xi32>], vector<16xi32>, vector<16xi1>
          %add3A_481 = arith.addi %add3A_480, %select_n3A_473 : vector<16xi32>
          scf.yield %add3A_481 : vector<16xi32>
        }
        %while3A_175 = arith.constant 1 : i32
        %while3A_176 = scf.for %while3A_338 = %while3A_172 to %while3A_168 step %while3A_175 iter_args(%while3A_339 = %while3A_174) -> (vector<16xi32>)  : i32 {
          %mul3A_340 = arith.constant 16 : i32
          %mul3A_341 = arith.muli %while3A_338, %mul3A_340 : i32
          %get3A = arith.index_cast %mul3A_341 : i32 to index
          %get3A_342 = tpu.vector_load %arg9[%get3A] {strides = array<i32>} : memref<16384xi32, #tpu.memory_space<vmem>>, vector<16xi32>,
          %mul3A_343 = arith.constant 16 : i32
          %mul3A_344 = arith.muli %while3A_338, %mul3A_343 : i32
          %add3A_345 = vector.broadcast %mul3A_344 : i32 to vector<16xi32>
          %add3A_346 = arith.addi %add3A_345, %iota3A : vector<16xi32>
          %lt3A_347 = vector.broadcast %reduce_sum3A_103 : i32 to vector<16xi32>
          %lt3A_348 = arith.cmpi slt, %add3A_346, %lt3A_347 : vector<16xi32>
          %shift_right_arithmetic3A_349 = arith.constant 7 : i32
          %shift_right_arithmetic3A_350 = vector.broadcast %shift_right_arithmetic3A_349 : i32 to vector<16xi32>
          %shift_right_arithmetic3A_351 = arith.shrsi %get3A_342, %shift_right_arithmetic3A_350 : vector<16xi32>
          %and3A_352 = arith.constant 127 : i32
          %and3A_353 = vector.broadcast %and3A_352 : i32 to vector<16xi32>
          %and3A_354 = arith.andi %get3A_342, %and3A_353 : vector<16xi32>
          %add3A_355 = arith.constant 0 : i32
          %add3A_356 = vector.broadcast %add3A_355 : i32 to vector<16xi32>
          %add3A_357 = arith.addi %get3A_342, %add3A_356 : vector<16xi32>
          %add3A_358 = arith.constant 16 : i32
          %add3A_359 = vector.broadcast %add3A_358 : i32 to vector<16xi32>
          %add3A_360 = arith.addi %get3A_342, %add3A_359 : vector<16xi32>
          %add3A_361 = arith.constant 32 : i32
          %add3A_362 = vector.broadcast %add3A_361 : i32 to vector<16xi32>
          %add3A_363 = arith.addi %get3A_342, %add3A_362 : vector<16xi32>
          %add3A_364 = arith.constant 48 : i32
          %add3A_365 = vector.broadcast %add3A_364 : i32 to vector<16xi32>
          %add3A_366 = arith.addi %get3A_342, %add3A_365 : vector<16xi32>
          %add3A_367 = arith.constant 64 : i32
          %add3A_368 = vector.broadcast %add3A_367 : i32 to vector<16xi32>
          %add3A_369 = arith.addi %get3A_342, %add3A_368 : vector<16xi32>
          %add3A_370 = arith.constant 80 : i32
          %add3A_371 = vector.broadcast %add3A_370 : i32 to vector<16xi32>
          %add3A_372 = arith.addi %get3A_342, %add3A_371 : vector<16xi32>
          %add3A_373 = arith.constant 96 : i32
          %add3A_374 = vector.broadcast %add3A_373 : i32 to vector<16xi32>
          %add3A_375 = arith.addi %get3A_342, %add3A_374 : vector<16xi32>
          %add3A_376 = arith.constant 112 : i32
          %add3A_377 = vector.broadcast %add3A_376 : i32 to vector<16xi32>
          %add3A_378 = arith.addi %get3A_342, %add3A_377 : vector<16xi32>
          %add3A_379 = arith.constant 0 : i32
          %add3A_380 = vector.broadcast %add3A_379 : i32 to vector<16xi32>
          %add3A_381 = arith.addi %and3A_354, %add3A_380 : vector<16xi32>
          %gather3A_382 = tpu.vector_load_idx %arg4[%shift_right_arithmetic3A_351, %add3A_381] : memref<128x128xf32, #tpu.memory_space<vmem>>[vector<16xi32>, vector<16xi32>], vector<16xf32>,
          %add3A_383 = arith.constant 16 : i32
          %add3A_384 = vector.broadcast %add3A_383 : i32 to vector<16xi32>
          %add3A_385 = arith.addi %and3A_354, %add3A_384 : vector<16xi32>
          %gather3A_386 = tpu.vector_load_idx %arg4[%shift_right_arithmetic3A_351, %add3A_385] : memref<128x128xf32, #tpu.memory_space<vmem>>[vector<16xi32>, vector<16xi32>], vector<16xf32>,
          %add3A_387 = arith.constant 32 : i32
          %add3A_388 = vector.broadcast %add3A_387 : i32 to vector<16xi32>
          %add3A_389 = arith.addi %and3A_354, %add3A_388 : vector<16xi32>
          %gather3A_390 = tpu.vector_load_idx %arg4[%shift_right_arithmetic3A_351, %add3A_389] : memref<128x128xf32, #tpu.memory_space<vmem>>[vector<16xi32>, vector<16xi32>], vector<16xf32>,
          %add3A_391 = arith.constant 48 : i32
          %add3A_392 = vector.broadcast %add3A_391 : i32 to vector<16xi32>
          %add3A_393 = arith.addi %and3A_354, %add3A_392 : vector<16xi32>
          %gather3A_394 = tpu.vector_load_idx %arg4[%shift_right_arithmetic3A_351, %add3A_393] : memref<128x128xf32, #tpu.memory_space<vmem>>[vector<16xi32>, vector<16xi32>], vector<16xf32>,
          %add3A_395 = arith.constant 64 : i32
          %add3A_396 = vector.broadcast %add3A_395 : i32 to vector<16xi32>
          %add3A_397 = arith.addi %and3A_354, %add3A_396 : vector<16xi32>
          %gather3A_398 = tpu.vector_load_idx %arg4[%shift_right_arithmetic3A_351, %add3A_397] : memref<128x128xf32, #tpu.memory_space<vmem>>[vector<16xi32>, vector<16xi32>], vector<16xf32>,
          %add3A_399 = arith.constant 80 : i32
          %add3A_400 = vector.broadcast %add3A_399 : i32 to vector<16xi32>
          %add3A_401 = arith.addi %and3A_354, %add3A_400 : vector<16xi32>
          %gather3A_402 = tpu.vector_load_idx %arg4[%shift_right_arithmetic3A_351, %add3A_401] : memref<128x128xf32, #tpu.memory_space<vmem>>[vector<16xi32>, vector<16xi32>], vector<16xf32>,
          %add3A_403 = arith.constant 96 : i32
          %add3A_404 = vector.broadcast %add3A_403 : i32 to vector<16xi32>
          %add3A_405 = arith.addi %and3A_354, %add3A_404 : vector<16xi32>
          %gather3A_406 = tpu.vector_load_idx %arg4[%shift_right_arithmetic3A_351, %add3A_405] : memref<128x128xf32, #tpu.memory_space<vmem>>[vector<16xi32>, vector<16xi32>], vector<16xf32>,
          %add3A_407 = arith.constant 112 : i32
          %add3A_408 = vector.broadcast %add3A_407 : i32 to vector<16xi32>
          %add3A_409 = arith.addi %and3A_354, %add3A_408 : vector<16xi32>
          %gather3A_410 = tpu.vector_load_idx %arg4[%shift_right_arithmetic3A_351, %add3A_409] : memref<128x128xf32, #tpu.memory_space<vmem>>[vector<16xi32>, vector<16xi32>], vector<16xf32>,
          %ge3A = vector.broadcast %reduce_max3A_90 : f32 to vector<16xf32>
          %ge3A_411 = arith.cmpf oge, %gather3A_382, %ge3A : vector<16xf32>
          %and3A_412 = arith.andi %ge3A_411, %lt3A_348 : vector<16xi1>
          %ge3A_413 = vector.broadcast %reduce_max3A_90 : f32 to vector<16xf32>
          %ge3A_414 = arith.cmpf oge, %gather3A_386, %ge3A_413 : vector<16xf32>
          %and3A_415 = arith.andi %ge3A_414, %lt3A_348 : vector<16xi1>
          %ge3A_416 = vector.broadcast %reduce_max3A_90 : f32 to vector<16xf32>
          %ge3A_417 = arith.cmpf oge, %gather3A_390, %ge3A_416 : vector<16xf32>
          %and3A_418 = arith.andi %ge3A_417, %lt3A_348 : vector<16xi1>
          %ge3A_419 = vector.broadcast %reduce_max3A_90 : f32 to vector<16xf32>
          %ge3A_420 = arith.cmpf oge, %gather3A_394, %ge3A_419 : vector<16xf32>
          %and3A_421 = arith.andi %ge3A_420, %lt3A_348 : vector<16xi1>
          %ge3A_422 = vector.broadcast %reduce_max3A_90 : f32 to vector<16xf32>
          %ge3A_423 = arith.cmpf oge, %gather3A_398, %ge3A_422 : vector<16xf32>
          %and3A_424 = arith.andi %ge3A_423, %lt3A_348 : vector<16xi1>
          %ge3A_425 = vector.broadcast %reduce_max3A_90 : f32 to vector<16xf32>
          %ge3A_426 = arith.cmpf oge, %gather3A_402, %ge3A_425 : vector<16xf32>
          %and3A_427 = arith.andi %ge3A_426, %lt3A_348 : vector<16xi1>
          %ge3A_428 = vector.broadcast %reduce_max3A_90 : f32 to vector<16xf32>
          %ge3A_429 = arith.cmpf oge, %gather3A_406, %ge3A_428 : vector<16xf32>
          %and3A_430 = arith.andi %ge3A_429, %lt3A_348 : vector<16xi1>
          %ge3A_431 = vector.broadcast %reduce_max3A_90 : f32 to vector<16xf32>
          %ge3A_432 = arith.cmpf oge, %gather3A_410, %ge3A_431 : vector<16xf32>
          %and3A_433 = arith.andi %ge3A_432, %lt3A_348 : vector<16xi1>
          %jit3A_434 = arith.constant 1 : i32
          %jit3A_435 = arith.constant 0 : i32
          %broadcast_in_dim3A_436 = vector.broadcast %jit3A_434 : i32 to vector<16xi32>
          %broadcast_in_dim3A_437 = vector.broadcast %jit3A_435 : i32 to vector<16xi32>
          %select_n3A_438 = arith.select %and3A_412, %broadcast_in_dim3A_436, %broadcast_in_dim3A_437 : vector<16xi1>, vector<16xi32>
          %jit3A_439 = arith.constant 1 : i32
          %jit3A_440 = arith.constant 0 : i32
          %broadcast_in_dim3A_441 = vector.broadcast %jit3A_439 : i32 to vector<16xi32>
          %broadcast_in_dim3A_442 = vector.broadcast %jit3A_440 : i32 to vector<16xi32>
          %select_n3A_443 = arith.select %and3A_415, %broadcast_in_dim3A_441, %broadcast_in_dim3A_442 : vector<16xi1>, vector<16xi32>
          %jit3A_444 = arith.constant 1 : i32
          %jit3A_445 = arith.constant 0 : i32
          %broadcast_in_dim3A_446 = vector.broadcast %jit3A_444 : i32 to vector<16xi32>
          %broadcast_in_dim3A_447 = vector.broadcast %jit3A_445 : i32 to vector<16xi32>
          %select_n3A_448 = arith.select %and3A_418, %broadcast_in_dim3A_446, %broadcast_in_dim3A_447 : vector<16xi1>, vector<16xi32>
          %jit3A_449 = arith.constant 1 : i32
          %jit3A_450 = arith.constant 0 : i32
          %broadcast_in_dim3A_451 = vector.broadcast %jit3A_449 : i32 to vector<16xi32>
          %broadcast_in_dim3A_452 = vector.broadcast %jit3A_450 : i32 to vector<16xi32>
          %select_n3A_453 = arith.select %and3A_421, %broadcast_in_dim3A_451, %broadcast_in_dim3A_452 : vector<16xi1>, vector<16xi32>
          %jit3A_454 = arith.constant 1 : i32
          %jit3A_455 = arith.constant 0 : i32
          %broadcast_in_dim3A_456 = vector.broadcast %jit3A_454 : i32 to vector<16xi32>
          %broadcast_in_dim3A_457 = vector.broadcast %jit3A_455 : i32 to vector<16xi32>
          %select_n3A_458 = arith.select %and3A_424, %broadcast_in_dim3A_456, %broadcast_in_dim3A_457 : vector<16xi1>, vector<16xi32>
          %jit3A_459 = arith.constant 1 : i32
          %jit3A_460 = arith.constant 0 : i32
          %broadcast_in_dim3A_461 = vector.broadcast %jit3A_459 : i32 to vector<16xi32>
          %broadcast_in_dim3A_462 = vector.broadcast %jit3A_460 : i32 to vector<16xi32>
          %select_n3A_463 = arith.select %and3A_427, %broadcast_in_dim3A_461, %broadcast_in_dim3A_462 : vector<16xi1>, vector<16xi32>
          %jit3A_464 = arith.constant 1 : i32
          %jit3A_465 = arith.constant 0 : i32
          %broadcast_in_dim3A_466 = vector.broadcast %jit3A_464 : i32 to vector<16xi32>
          %broadcast_in_dim3A_467 = vector.broadcast %jit3A_465 : i32 to vector<16xi32>
          %select_n3A_468 = arith.select %and3A_430, %broadcast_in_dim3A_466, %broadcast_in_dim3A_467 : vector<16xi1>, vector<16xi32>
          %jit3A_469 = arith.constant 1 : i32
          %jit3A_470 = arith.constant 0 : i32
          %broadcast_in_dim3A_471 = vector.broadcast %jit3A_469 : i32 to vector<16xi32>
          %broadcast_in_dim3A_472 = vector.broadcast %jit3A_470 : i32 to vector<16xi32>
          %select_n3A_473 = arith.select %and3A_433, %broadcast_in_dim3A_471, %broadcast_in_dim3A_472 : vector<16xi1>, vector<16xi32>
          tpu.vector_store_idx %arg8[%while3A_339], %add3A_357 masked %and3A_412 : memref<16384xi32, #tpu.memory_space<vmem>>[vector<16xi32>], vector<16xi32>, vector<16xi1>
          %add3A_474 = arith.addi %while3A_339, %select_n3A_438 : vector<16xi32>
          tpu.vector_store_idx %arg8[%add3A_474], %add3A_360 masked %and3A_415 : memref<16384xi32, #tpu.memory_space<vmem>>[vector<16xi32>], vector<16xi32>, vector<16xi1>
          %add3A_475 = arith.addi %add3A_474, %select_n3A_443 : vector<16xi32>
          tpu.vector_store_idx %arg8[%add3A_475], %add3A_363 masked %and3A_418 : memref<16384xi32, #tpu.memory_space<vmem>>[vector<16xi32>], vector<16xi32>, vector<16xi1>
          %add3A_476 = arith.addi %add3A_475, %select_n3A_448 : vector<16xi32>
          tpu.vector_store_idx %arg8[%add3A_476], %add3A_366 masked %and3A_421 : memref<16384xi32, #tpu.memory_space<vmem>>[vector<16xi32>], vector<16xi32>, vector<16xi1>
          %add3A_477 = arith.addi %add3A_476, %select_n3A_453 : vector<16xi32>
          tpu.vector_store_idx %arg8[%add3A_477], %add3A_369 masked %and3A_424 : memref<16384xi32, #tpu.memory_space<vmem>>[vector<16xi32>], vector<16xi32>, vector<16xi1>
          %add3A_478 = arith.addi %add3A_477, %select_n3A_458 : vector<16xi32>
          tpu.vector_store_idx %arg8[%add3A_478], %add3A_372 masked %and3A_427 : memref<16384xi32, #tpu.memory_space<vmem>>[vector<16xi32>], vector<16xi32>, vector<16xi1>
          %add3A_479 = arith.addi %add3A_478, %select_n3A_463 : vector<16xi32>
          tpu.vector_store_idx %arg8[%add3A_479], %add3A_375 masked %and3A_430 : memref<16384xi32, #tpu.memory_space<vmem>>[vector<16xi32>], vector<16xi32>, vector<16xi1>
          %add3A_480 = arith.addi %add3A_479, %select_n3A_468 : vector<16xi32>
          tpu.vector_store_idx %arg8[%add3A_480], %add3A_378 masked %and3A_433 : memref<16384xi32, #tpu.memory_space<vmem>>[vector<16xi32>], vector<16xi32>, vector<16xi1>
          %add3A_481 = arith.addi %add3A_480, %select_n3A_473 : vector<16xi32>
          scf.yield %add3A_481 : vector<16xi32>
        }
        %sub3A_177 = arith.subi %while3A_176, %mul3A_24 : vector<16xi32>
        %reduce_max3A_178 = arith.constant true
        %reduce_max3A_179 = vector.broadcast %reduce_max3A_178 : i1 to vector<16xi1>
        %reduce_max3A_180 = arith.constant -2147483648 : i32
        %reduce_max3A_181 = vector.broadcast %reduce_max3A_180 : i32 to vector<16xi32>
        %reduce_max3A_182 = arith.xori %sub3A_177, %reduce_max3A_181 : vector<16xi32>
        %reduce_max3A_183 = tpu.scan <max>, %reduce_max3A_182 masked %reduce_max3A_179 : vector<16xi32>, vector<16xi1> -> vector<16xi32>
        %reduce_max3A_184 = arith.xori %reduce_max3A_183, %reduce_max3A_181 : vector<16xi32>
        %reduce_max3A_185 = vector.extract %reduce_max3A_184[15] : i32 from vector<16xi32>
        %add3A_186 = arith.constant 0 : i32
        %add3A_187 = vector.broadcast %add3A_186 : i32 to vector<16xi32>
        %add3A_188 = arith.addi %mul3A_24, %add3A_187 : vector<16xi32>
        %gather3A = tpu.vector_load_idx %arg8[%add3A_188] : memref<16384xi32, #tpu.memory_space<vmem>>[vector<16xi32>], vector<16xi32>,
        %gt3A = arith.constant 0 : i32
        %gt3A_189 = vector.broadcast %gt3A : i32 to vector<16xi32>
        %gt3A_190 = arith.cmpi sgt, %sub3A_177, %gt3A_189 : vector<16xi32>
        %shift_right_arithmetic3A = arith.constant 7 : i32
        %shift_right_arithmetic3A_191 = vector.broadcast %shift_right_arithmetic3A : i32 to vector<16xi32>
        %shift_right_arithmetic3A_192 = arith.shrsi %gather3A, %shift_right_arithmetic3A_191 : vector<16xi32>
        %and3A_193 = arith.constant 127 : i32
        %and3A_194 = vector.broadcast %and3A_193 : i32 to vector<16xi32>
        %and3A_195 = arith.andi %shift_right_arithmetic3A_192, %and3A_194 : vector<16xi32>
        %and3A_196 = arith.constant 127 : i32
        %and3A_197 = vector.broadcast %and3A_196 : i32 to vector<16xi32>
        %and3A_198 = arith.andi %gather3A, %and3A_197 : vector<16xi32>
        %gather3A_199 = tpu.vector_load_idx %arg4[%and3A_195, %and3A_198] : memref<128x128xf32, #tpu.memory_space<vmem>>[vector<16xi32>, vector<16xi32>], vector<16xf32>,
        %jit3A_200 = arith.constant -9.99999968E+37 : f32
        %broadcast_in_dim3A_201 = vector.broadcast %jit3A_200 : f32 to vector<16xf32>
        %select_n3A_202 = arith.select %gt3A_190, %gather3A_199, %broadcast_in_dim3A_201 : vector<16xi1>, vector<16xf32>
        %masked_sort3A = arith.constant dense<true> : vector<16xi1>
        %masked_sort3A_203, %masked_sort3A_204, %masked_sort3A_205 = tpu.sort %select_n3A_202, %gather3A masked %masked_sort3A : (vector<16xf32>, vector<16xi32>, vector<16xi1>) -> (vector<16xi1>, vector<16xf32>, vector<16xi32>)
        %while3A_206 = arith.constant 1 : i32
        %while3A_207 = arith.subi %reduce_max3A_185, %while3A_206 : i32
        %while3A_208 = arith.addi %while3A_206, %while3A_207 : i32
        %while3A_209 = arith.constant 1 : i32
        %while3A_210 = arith.divsi %while3A_207, %while3A_209 : i32
        %while3A_211 = arith.muli %while3A_210, %while3A_209 : i32
        %while3A_212 = arith.addi %while3A_206, %while3A_211 : i32
        %while3A_213 = arith.constant 1 : i32
        %while3A_214:2 = scf.for %while3A_338 = %while3A_206 to %while3A_212 step %while3A_213 iter_args(%while3A_339 = %masked_sort3A_204, %while3A_340 = %masked_sort3A_205) -> (vector<16xf32>, vector<16xi32>)  : i32 {
          %add3A_341 = vector.broadcast %while3A_338 : i32 to vector<16xi32>
          %add3A_342 = arith.addi %mul3A_24, %add3A_341 : vector<16xi32>
          %gather3A_343 = tpu.vector_load_idx %arg8[%add3A_342] : memref<16384xi32, #tpu.memory_space<vmem>>[vector<16xi32>], vector<16xi32>,
          %gt3A_344 = vector.broadcast %while3A_338 : i32 to vector<16xi32>
          %gt3A_345 = arith.cmpi sgt, %sub3A_177, %gt3A_344 : vector<16xi32>
          %shift_right_arithmetic3A_346 = arith.constant 7 : i32
          %shift_right_arithmetic3A_347 = vector.broadcast %shift_right_arithmetic3A_346 : i32 to vector<16xi32>
          %shift_right_arithmetic3A_348 = arith.shrsi %gather3A_343, %shift_right_arithmetic3A_347 : vector<16xi32>
          %and3A_349 = arith.constant 127 : i32
          %and3A_350 = vector.broadcast %and3A_349 : i32 to vector<16xi32>
          %and3A_351 = arith.andi %shift_right_arithmetic3A_348, %and3A_350 : vector<16xi32>
          %and3A_352 = arith.constant 127 : i32
          %and3A_353 = vector.broadcast %and3A_352 : i32 to vector<16xi32>
          %and3A_354 = arith.andi %gather3A_343, %and3A_353 : vector<16xi32>
          %gather3A_355 = tpu.vector_load_idx %arg4[%and3A_351, %and3A_354] : memref<128x128xf32, #tpu.memory_space<vmem>>[vector<16xi32>, vector<16xi32>], vector<16xf32>,
          %jit3A_356 = arith.constant -9.99999968E+37 : f32
          %broadcast_in_dim3A_357 = vector.broadcast %jit3A_356 : f32 to vector<16xf32>
          %select_n3A_358 = arith.select %gt3A_345, %gather3A_355, %broadcast_in_dim3A_357 : vector<16xi1>, vector<16xf32>
          %masked_sort3A_359 = arith.constant dense<true> : vector<16xi1>
          %masked_sort3A_360, %masked_sort3A_361, %masked_sort3A_362 = tpu.sort %select_n3A_358, %gather3A_343 masked %masked_sort3A_359 {descending = true} : (vector<16xf32>, vector<16xi32>, vector<16xi1>) -> (vector<16xi1>, vector<16xf32>, vector<16xi32>)
          %ge3A = arith.cmpf oge, %while3A_339, %masked_sort3A_361 : vector<16xf32>
          %select_n3A_363 = arith.select %ge3A, %while3A_339, %masked_sort3A_361 : vector<16xi1>, vector<16xf32>
          %select_n3A_364 = arith.select %ge3A, %while3A_340, %masked_sort3A_362 : vector<16xi1>, vector<16xi32>
          %masked_sort3A_365 = arith.constant dense<true> : vector<16xi1>
          %masked_sort3A_366, %masked_sort3A_367, %masked_sort3A_368 = tpu.sort %select_n3A_363, %select_n3A_364 masked %masked_sort3A_365 : (vector<16xf32>, vector<16xi32>, vector<16xi1>) -> (vector<16xi1>, vector<16xf32>, vector<16xi32>)
          scf.yield %masked_sort3A_367, %masked_sort3A_368 : vector<16xf32>, vector<16xi32>
        }
        %while3A_215 = arith.constant 1 : i32
        %while3A_216:2 = scf.for %while3A_338 = %while3A_212 to %while3A_208 step %while3A_215 iter_args(%while3A_339 = %while3A_214#0, %while3A_340 = %while3A_214#1) -> (vector<16xf32>, vector<16xi32>)  : i32 {
          %add3A_341 = vector.broadcast %while3A_338 : i32 to vector<16xi32>
          %add3A_342 = arith.addi %mul3A_24, %add3A_341 : vector<16xi32>
          %gather3A_343 = tpu.vector_load_idx %arg8[%add3A_342] : memref<16384xi32, #tpu.memory_space<vmem>>[vector<16xi32>], vector<16xi32>,
          %gt3A_344 = vector.broadcast %while3A_338 : i32 to vector<16xi32>
          %gt3A_345 = arith.cmpi sgt, %sub3A_177, %gt3A_344 : vector<16xi32>
          %shift_right_arithmetic3A_346 = arith.constant 7 : i32
          %shift_right_arithmetic3A_347 = vector.broadcast %shift_right_arithmetic3A_346 : i32 to vector<16xi32>
          %shift_right_arithmetic3A_348 = arith.shrsi %gather3A_343, %shift_right_arithmetic3A_347 : vector<16xi32>
          %and3A_349 = arith.constant 127 : i32
          %and3A_350 = vector.broadcast %and3A_349 : i32 to vector<16xi32>
          %and3A_351 = arith.andi %shift_right_arithmetic3A_348, %and3A_350 : vector<16xi32>
          %and3A_352 = arith.constant 127 : i32
          %and3A_353 = vector.broadcast %and3A_352 : i32 to vector<16xi32>
          %and3A_354 = arith.andi %gather3A_343, %and3A_353 : vector<16xi32>
          %gather3A_355 = tpu.vector_load_idx %arg4[%and3A_351, %and3A_354] : memref<128x128xf32, #tpu.memory_space<vmem>>[vector<16xi32>, vector<16xi32>], vector<16xf32>,
          %jit3A_356 = arith.constant -9.99999968E+37 : f32
          %broadcast_in_dim3A_357 = vector.broadcast %jit3A_356 : f32 to vector<16xf32>
          %select_n3A_358 = arith.select %gt3A_345, %gather3A_355, %broadcast_in_dim3A_357 : vector<16xi1>, vector<16xf32>
          %masked_sort3A_359 = arith.constant dense<true> : vector<16xi1>
          %masked_sort3A_360, %masked_sort3A_361, %masked_sort3A_362 = tpu.sort %select_n3A_358, %gather3A_343 masked %masked_sort3A_359 {descending = true} : (vector<16xf32>, vector<16xi32>, vector<16xi1>) -> (vector<16xi1>, vector<16xf32>, vector<16xi32>)
          %ge3A = arith.cmpf oge, %while3A_339, %masked_sort3A_361 : vector<16xf32>
          %select_n3A_363 = arith.select %ge3A, %while3A_339, %masked_sort3A_361 : vector<16xi1>, vector<16xf32>
          %select_n3A_364 = arith.select %ge3A, %while3A_340, %masked_sort3A_362 : vector<16xi1>, vector<16xi32>
          %masked_sort3A_365 = arith.constant dense<true> : vector<16xi1>
          %masked_sort3A_366, %masked_sort3A_367, %masked_sort3A_368 = tpu.sort %select_n3A_363, %select_n3A_364 masked %masked_sort3A_365 : (vector<16xf32>, vector<16xi32>, vector<16xi1>) -> (vector<16xi1>, vector<16xf32>, vector<16xi32>)
          scf.yield %masked_sort3A_367, %masked_sort3A_368 : vector<16xf32>, vector<16xi32>
        }
        %reduce_max3A_217 = arith.constant true
        %reduce_max3A_218 = vector.broadcast %reduce_max3A_217 : i1 to vector<16xi1>
        %reduce_max3A_219 = tpu.scan <max>, %while3A_216#0 masked %reduce_max3A_218 : vector<16xf32>, vector<16xi1> -> vector<16xf32>
        %reduce_max3A_220 = vector.extract %reduce_max3A_219[15] : f32 from vector<16xf32>
        %eq3A_221 = arith.constant 7 : i32
        %eq3A_222 = vector.broadcast %eq3A_221 : i32 to vector<16xi32>
        %eq3A_223 = arith.cmpi eq, %iota3A, %eq3A_222 : vector<16xi32>
        %jit3A_224 = arith.constant -9.99999968E+37 : f32
        %broadcast_in_dim3A_225 = vector.broadcast %jit3A_224 : f32 to vector<16xf32>
        %select_n3A_226 = arith.select %eq3A_223, %while3A_216#0, %broadcast_in_dim3A_225 : vector<16xi1>, vector<16xf32>
        %reduce_max3A_227 = arith.constant true
        %reduce_max3A_228 = vector.broadcast %reduce_max3A_227 : i1 to vector<16xi1>
        %reduce_max3A_229 = tpu.scan <max>, %select_n3A_226 masked %reduce_max3A_228 : vector<16xf32>, vector<16xi1> -> vector<16xf32>
        %reduce_max3A_230 = vector.extract %reduce_max3A_229[15] : f32 from vector<16xf32>
        %gt3A_231 = vector.broadcast %reduce_max3A_230 : f32 to vector<16xf32>
        %gt3A_232 = arith.cmpf ogt, %while3A_216#0, %gt3A_231 : vector<16xf32>
        %jit3A_233 = arith.constant 1 : i32
        %jit3A_234 = arith.constant 0 : i32
        %broadcast_in_dim3A_235 = vector.broadcast %jit3A_233 : i32 to vector<16xi32>
        %broadcast_in_dim3A_236 = vector.broadcast %jit3A_234 : i32 to vector<16xi32>
        %select_n3A_237 = arith.select %gt3A_232, %broadcast_in_dim3A_235, %broadcast_in_dim3A_236 : vector<16xi1>, vector<16xi32>
        %reduce_sum3A_238 = arith.constant true
        %reduce_sum3A_239 = vector.broadcast %reduce_sum3A_238 : i1 to vector<16xi1>
        %reduce_sum3A_240 = tpu.scan <sum>, %select_n3A_237 masked %reduce_sum3A_239 : vector<16xi32>, vector<16xi1> -> vector<16xi32>
        %reduce_sum3A_241 = vector.extract %reduce_sum3A_240[15] : i32 from vector<16xi32>
        %sub3A_242 = arith.constant 9 : i32
        %sub3A_243 = arith.subi %sub3A_242, %reduce_sum3A_241 : i32
        %eq3A_244 = vector.broadcast %reduce_max3A_230 : f32 to vector<16xf32>
        %eq3A_245 = arith.cmpf oeq, %select_n3A_202, %eq3A_244 : vector<16xf32>
        %jit3A_246 = arith.constant 1048576 : i32
        %broadcast_in_dim3A_247 = vector.broadcast %jit3A_246 : i32 to vector<16xi32>
        %select_n3A_248 = arith.select %eq3A_245, %gather3A, %broadcast_in_dim3A_247 : vector<16xi1>, vector<16xi32>
        %sort3A_249 = arith.constant dense<true> : vector<16xi1>
        %sort3A_250, %sort3A_251, %sort3A_252 = tpu.sort %select_n3A_248, %select_n3A_248 masked %sort3A_249 : (vector<16xi32>, vector<16xi32>, vector<16xi1>) -> (vector<16xi1>, vector<16xi32>, vector<16xi32>)
        %while3A_253 = arith.constant 1 : i32
        %while3A_254 = arith.subi %reduce_max3A_185, %while3A_253 : i32
        %while3A_255 = arith.addi %while3A_253, %while3A_254 : i32
        %while3A_256 = arith.constant 1 : i32
        %while3A_257 = arith.divsi %while3A_254, %while3A_256 : i32
        %while3A_258 = arith.muli %while3A_257, %while3A_256 : i32
        %while3A_259 = arith.addi %while3A_253, %while3A_258 : i32
        %while3A_260 = arith.constant 1 : i32
        %while3A_261 = scf.for %while3A_338 = %while3A_253 to %while3A_259 step %while3A_260 iter_args(%while3A_339 = %sort3A_251) -> (vector<16xi32>)  : i32 {
          %add3A_340 = vector.broadcast %while3A_338 : i32 to vector<16xi32>
          %add3A_341 = arith.addi %mul3A_24, %add3A_340 : vector<16xi32>
          %gather3A_342 = tpu.vector_load_idx %arg8[%add3A_341] : memref<16384xi32, #tpu.memory_space<vmem>>[vector<16xi32>], vector<16xi32>,
          %gt3A_343 = vector.broadcast %while3A_338 : i32 to vector<16xi32>
          %gt3A_344 = arith.cmpi sgt, %sub3A_177, %gt3A_343 : vector<16xi32>
          %shift_right_arithmetic3A_345 = arith.constant 7 : i32
          %shift_right_arithmetic3A_346 = vector.broadcast %shift_right_arithmetic3A_345 : i32 to vector<16xi32>
          %shift_right_arithmetic3A_347 = arith.shrsi %gather3A_342, %shift_right_arithmetic3A_346 : vector<16xi32>
          %and3A_348 = arith.constant 127 : i32
          %and3A_349 = vector.broadcast %and3A_348 : i32 to vector<16xi32>
          %and3A_350 = arith.andi %shift_right_arithmetic3A_347, %and3A_349 : vector<16xi32>
          %and3A_351 = arith.constant 127 : i32
          %and3A_352 = vector.broadcast %and3A_351 : i32 to vector<16xi32>
          %and3A_353 = arith.andi %gather3A_342, %and3A_352 : vector<16xi32>
          %gather3A_354 = tpu.vector_load_idx %arg4[%and3A_350, %and3A_353] : memref<128x128xf32, #tpu.memory_space<vmem>>[vector<16xi32>, vector<16xi32>], vector<16xf32>,
          %jit3A_355 = arith.constant -9.99999968E+37 : f32
          %broadcast_in_dim3A_356 = vector.broadcast %jit3A_355 : f32 to vector<16xf32>
          %select_n3A_357 = arith.select %gt3A_344, %gather3A_354, %broadcast_in_dim3A_356 : vector<16xi1>, vector<16xf32>
          %eq3A_358 = vector.broadcast %reduce_max3A_230 : f32 to vector<16xf32>
          %eq3A_359 = arith.cmpf oeq, %select_n3A_357, %eq3A_358 : vector<16xf32>
          %jit3A_360 = arith.constant 1048576 : i32
          %broadcast_in_dim3A_361 = vector.broadcast %jit3A_360 : i32 to vector<16xi32>
          %select_n3A_362 = arith.select %eq3A_359, %gather3A_342, %broadcast_in_dim3A_361 : vector<16xi1>, vector<16xi32>
          %sort3A_363 = arith.constant dense<true> : vector<16xi1>
          %sort3A_364, %sort3A_365, %sort3A_366 = tpu.sort %select_n3A_362, %select_n3A_362 masked %sort3A_363 : (vector<16xi32>, vector<16xi32>, vector<16xi1>) -> (vector<16xi1>, vector<16xi32>, vector<16xi32>)
          %rev3A = arith.constant 15 : i32
          %rev3A_367 = vector.broadcast %rev3A : i32 to vector<16xi32>
          %rev3A_368 = tpu.iota {dimensions = array<i32: 0>} : vector<16xi32>
          %rev3A_369 = arith.subi %rev3A_367, %rev3A_368 : vector<16xi32>
          %rev3A_370 = tpu.dynamic_gather %sort3A_365[%rev3A_369] in [0] : vector<16xi32>, vector<16xi32> -> vector<16xi32>
          %min3A = arith.minsi %while3A_339, %rev3A_370 : vector<16xi32>
          %sort3A_371 = arith.constant dense<true> : vector<16xi1>
          %sort3A_372, %sort3A_373, %sort3A_374 = tpu.sort %min3A, %min3A masked %sort3A_371 : (vector<16xi32>, vector<16xi32>, vector<16xi1>) -> (vector<16xi1>, vector<16xi32>, vector<16xi32>)
          scf.yield %sort3A_373 : vector<16xi32>
        }
        %while3A_262 = arith.constant 1 : i32
        %while3A_263 = scf.for %while3A_338 = %while3A_259 to %while3A_255 step %while3A_262 iter_args(%while3A_339 = %while3A_261) -> (vector<16xi32>)  : i32 {
          %add3A_340 = vector.broadcast %while3A_338 : i32 to vector<16xi32>
          %add3A_341 = arith.addi %mul3A_24, %add3A_340 : vector<16xi32>
          %gather3A_342 = tpu.vector_load_idx %arg8[%add3A_341] : memref<16384xi32, #tpu.memory_space<vmem>>[vector<16xi32>], vector<16xi32>,
          %gt3A_343 = vector.broadcast %while3A_338 : i32 to vector<16xi32>
          %gt3A_344 = arith.cmpi sgt, %sub3A_177, %gt3A_343 : vector<16xi32>
          %shift_right_arithmetic3A_345 = arith.constant 7 : i32
          %shift_right_arithmetic3A_346 = vector.broadcast %shift_right_arithmetic3A_345 : i32 to vector<16xi32>
          %shift_right_arithmetic3A_347 = arith.shrsi %gather3A_342, %shift_right_arithmetic3A_346 : vector<16xi32>
          %and3A_348 = arith.constant 127 : i32
          %and3A_349 = vector.broadcast %and3A_348 : i32 to vector<16xi32>
          %and3A_350 = arith.andi %shift_right_arithmetic3A_347, %and3A_349 : vector<16xi32>
          %and3A_351 = arith.constant 127 : i32
          %and3A_352 = vector.broadcast %and3A_351 : i32 to vector<16xi32>
          %and3A_353 = arith.andi %gather3A_342, %and3A_352 : vector<16xi32>
          %gather3A_354 = tpu.vector_load_idx %arg4[%and3A_350, %and3A_353] : memref<128x128xf32, #tpu.memory_space<vmem>>[vector<16xi32>, vector<16xi32>], vector<16xf32>,
          %jit3A_355 = arith.constant -9.99999968E+37 : f32
          %broadcast_in_dim3A_356 = vector.broadcast %jit3A_355 : f32 to vector<16xf32>
          %select_n3A_357 = arith.select %gt3A_344, %gather3A_354, %broadcast_in_dim3A_356 : vector<16xi1>, vector<16xf32>
          %eq3A_358 = vector.broadcast %reduce_max3A_230 : f32 to vector<16xf32>
          %eq3A_359 = arith.cmpf oeq, %select_n3A_357, %eq3A_358 : vector<16xf32>
          %jit3A_360 = arith.constant 1048576 : i32
          %broadcast_in_dim3A_361 = vector.broadcast %jit3A_360 : i32 to vector<16xi32>
          %select_n3A_362 = arith.select %eq3A_359, %gather3A_342, %broadcast_in_dim3A_361 : vector<16xi1>, vector<16xi32>
          %sort3A_363 = arith.constant dense<true> : vector<16xi1>
          %sort3A_364, %sort3A_365, %sort3A_366 = tpu.sort %select_n3A_362, %select_n3A_362 masked %sort3A_363 : (vector<16xi32>, vector<16xi32>, vector<16xi1>) -> (vector<16xi1>, vector<16xi32>, vector<16xi32>)
          %rev3A = arith.constant 15 : i32
          %rev3A_367 = vector.broadcast %rev3A : i32 to vector<16xi32>
          %rev3A_368 = tpu.iota {dimensions = array<i32: 0>} : vector<16xi32>
          %rev3A_369 = arith.subi %rev3A_367, %rev3A_368 : vector<16xi32>
          %rev3A_370 = tpu.dynamic_gather %sort3A_365[%rev3A_369] in [0] : vector<16xi32>, vector<16xi32> -> vector<16xi32>
          %min3A = arith.minsi %while3A_339, %rev3A_370 : vector<16xi32>
          %sort3A_371 = arith.constant dense<true> : vector<16xi1>
          %sort3A_372, %sort3A_373, %sort3A_374 = tpu.sort %min3A, %min3A masked %sort3A_371 : (vector<16xi32>, vector<16xi32>, vector<16xi1>) -> (vector<16xi1>, vector<16xi32>, vector<16xi32>)
          scf.yield %sort3A_373 : vector<16xi32>
        }
        %sub3A_264 = vector.broadcast %reduce_max3A_220 : f32 to vector<16xf32>
        %sub3A_265 = arith.subf %while3A_216#0, %sub3A_264 : vector<16xf32>
        %exp3A = math.exp %sub3A_265 : vector<16xf32>
        %jit3A_266 = arith.constant 0.000000e+00 : f32
        %broadcast_in_dim3A_267 = vector.broadcast %jit3A_266 : f32 to vector<16xf32>
        %select_n3A_268 = arith.select %gt3A_232, %exp3A, %broadcast_in_dim3A_267 : vector<16xi1>, vector<16xf32>
        %broadcast_in_dim3A_269 = vector.broadcast %reduce_max3A_230 : f32 to vector<16xf32>
        %broadcast_in_dim3A_270 = vector.broadcast %reduce_max3A_220 : f32 to vector<16xf32>
        %sub3A_271 = arith.subf %broadcast_in_dim3A_269, %broadcast_in_dim3A_270 : vector<16xf32>
        %exp3A_272 = math.exp %sub3A_271 : vector<16xf32>
        %lt3A_273 = vector.broadcast %sub3A_243 : i32 to vector<16xi32>
        %lt3A_274 = arith.cmpi slt, %iota3A, %lt3A_273 : vector<16xi32>
        %jit3A_275 = arith.constant 0.000000e+00 : f32
        %broadcast_in_dim3A_276 = vector.broadcast %jit3A_275 : f32 to vector<16xf32>
        %select_n3A_277 = arith.select %lt3A_274, %exp3A_272, %broadcast_in_dim3A_276 : vector<16xi1>, vector<16xf32>
        %and3A_278 = arith.constant 127 : i32
        %and3A_279 = vector.broadcast %and3A_278 : i32 to vector<16xi32>
        %and3A_280 = arith.andi %while3A_216#1, %and3A_279 : vector<16xi32>
        %convert_element_type3A_281 = arith.sitofp %and3A_280 : vector<16xi32> to vector<16xf32>
        %shift_right_arithmetic3A_282 = arith.constant 7 : i32
        %shift_right_arithmetic3A_283 = vector.broadcast %shift_right_arithmetic3A_282 : i32 to vector<16xi32>
        %shift_right_arithmetic3A_284 = arith.shrsi %while3A_216#1, %shift_right_arithmetic3A_283 : vector<16xi32>
        %convert_element_type3A_285 = arith.sitofp %shift_right_arithmetic3A_284 : vector<16xi32> to vector<16xf32>
        %and3A_286 = arith.constant 127 : i32
        %and3A_287 = vector.broadcast %and3A_286 : i32 to vector<16xi32>
        %and3A_288 = arith.andi %while3A_263, %and3A_287 : vector<16xi32>
        %convert_element_type3A_289 = arith.sitofp %and3A_288 : vector<16xi32> to vector<16xf32>
        %shift_right_arithmetic3A_290 = arith.constant 7 : i32
        %shift_right_arithmetic3A_291 = vector.broadcast %shift_right_arithmetic3A_290 : i32 to vector<16xi32>
        %shift_right_arithmetic3A_292 = arith.shrsi %while3A_263, %shift_right_arithmetic3A_291 : vector<16xi32>
        %convert_element_type3A_293 = arith.sitofp %shift_right_arithmetic3A_292 : vector<16xi32> to vector<16xf32>
        %add3A_294 = arith.addf %select_n3A_268, %select_n3A_277 : vector<16xf32>
        %mul3A_295 = arith.mulf %select_n3A_268, %convert_element_type3A_281 : vector<16xf32>
        %mul3A_296 = arith.mulf %select_n3A_277, %convert_element_type3A_289 : vector<16xf32>
        %add3A_297 = arith.addf %mul3A_295, %mul3A_296 : vector<16xf32>
        %mul3A_298 = arith.mulf %select_n3A_268, %convert_element_type3A_285 : vector<16xf32>
        %mul3A_299 = arith.mulf %select_n3A_277, %convert_element_type3A_293 : vector<16xf32>
        %add3A_300 = arith.addf %mul3A_298, %mul3A_299 : vector<16xf32>
        %reduce_sum3A_301 = arith.constant true
        %reduce_sum3A_302 = vector.broadcast %reduce_sum3A_301 : i1 to vector<16xi1>
        %reduce_sum3A_303 = tpu.scan <sum>, %add3A_294 masked %reduce_sum3A_302 : vector<16xf32>, vector<16xi1> -> vector<16xf32>
        %reduce_sum3A_304 = vector.extract %reduce_sum3A_303[15] : f32 from vector<16xf32>
        %eq3A_305 = arith.constant 0 : i32
        %eq3A_306 = vector.broadcast %eq3A_305 : i32 to vector<16xi32>
        %eq3A_307 = arith.cmpi eq, %iota3A, %eq3A_306 : vector<16xi32>
        %reduce_sum3A_308 = arith.constant true
        %reduce_sum3A_309 = vector.broadcast %reduce_sum3A_308 : i1 to vector<16xi1>
        %reduce_sum3A_310 = tpu.scan <sum>, %add3A_297 masked %reduce_sum3A_309 : vector<16xf32>, vector<16xi1> -> vector<16xf32>
        %reduce_sum3A_311 = vector.extract %reduce_sum3A_310[15] : f32 from vector<16xf32>
        %reduce_sum3A_312 = arith.constant true
        %reduce_sum3A_313 = vector.broadcast %reduce_sum3A_312 : i1 to vector<16xi1>
        %reduce_sum3A_314 = tpu.scan <sum>, %add3A_300 masked %reduce_sum3A_313 : vector<16xf32>, vector<16xi1> -> vector<16xf32>
        %reduce_sum3A_315 = vector.extract %reduce_sum3A_314[15] : f32 from vector<16xf32>
        %broadcast_in_dim3A_316 = vector.broadcast %reduce_sum3A_311 : f32 to vector<16xf32>
        %broadcast_in_dim3A_317 = vector.broadcast %reduce_sum3A_315 : f32 to vector<16xf32>
        %select_n3A_318 = arith.select %eq3A_307, %broadcast_in_dim3A_316, %broadcast_in_dim3A_317 : vector<16xi1>, vector<16xf32>
        %mul3A_319 = arith.constant 4.000000e+00 : f32
        %mul3A_320 = vector.broadcast %mul3A_319 : f32 to vector<16xf32>
        %mul3A_321 = arith.mulf %select_n3A_318, %mul3A_320 : vector<16xf32>
        %broadcast_in_dim3A_322 = vector.broadcast %reduce_sum3A_304 : f32 to vector<16xf32>
        %div3A_323 = arith.divf %mul3A_321, %broadcast_in_dim3A_322 : vector<16xf32>
        %mul3A_324 = arith.constant 2 : i32
        %mul3A_325 = arith.muli %add3A_44, %mul3A_324 : i32
        %shift_right_arithmetic3A_326 = arith.constant 7 : i32
        %shift_right_arithmetic3A_327 = arith.shrsi %mul3A_325, %shift_right_arithmetic3A_326 : i32
        %broadcast_in_dim3A_328 = vector.broadcast %shift_right_arithmetic3A_327 : i32 to vector<16xi32>
        %mul3A_329 = arith.constant 2 : i32
        %mul3A_330 = arith.muli %add3A_44, %mul3A_329 : i32
        %and3A_331 = arith.constant 127 : i32
        %and3A_332 = arith.andi %mul3A_330, %and3A_331 : i32
        %add3A_333 = vector.broadcast %and3A_332 : i32 to vector<16xi32>
        %add3A_334 = arith.addi %add3A_333, %iota3A : vector<16xi32>
        %lt3A_335 = arith.constant 2 : i32
        %lt3A_336 = vector.broadcast %lt3A_335 : i32 to vector<16xi32>
        %lt3A_337 = arith.cmpi slt, %iota3A, %lt3A_336 : vector<16xi32>
        tpu.vector_store_idx %arg10[%broadcast_in_dim3A_328, %add3A_334], %div3A_323 masked %lt3A_337 : memref<8x128xf32, #tpu.memory_space<vmem>>[vector<16xi32>, vector<16xi32>], vector<16xf32>, vector<16xi1>
      } else {
      }
      %mul3A_47 = arith.constant 2 : i32
      %mul3A_48 = arith.muli %scan3A_39, %mul3A_47 : i32
      %add3A_49 = arith.constant 1 : i32
      %add3A_50 = arith.addi %mul3A_48, %add3A_49 : i32
      %lt3A_51 = arith.constant 49 : i32
      %lt3A_52 = arith.cmpi slt, %add3A_50, %lt3A_51 : i32
      %convert_element_type3A_53 = arith.extui %lt3A_52 : i1 to i32
      %cond3A_54 = arith.constant 0 : i32
      %cond3A_55 = arith.cmpi ne, %convert_element_type3A_53, %cond3A_54 : i32
      scf.if %cond3A_55 {
        %add3A_57 = arith.constant 1 : i32
        %add3A_58 = arith.addi %add3A_50, %add3A_57 : i32
        %lt3A_59 = arith.constant 49 : i32
        %lt3A_60 = arith.cmpi slt, %add3A_58, %lt3A_59 : i32
        %convert_element_type3A_61 = arith.extui %lt3A_60 : i1 to i32
        %cond3A_62 = arith.constant 0 : i32
        %cond3A_63 = arith.cmpi ne, %convert_element_type3A_61, %cond3A_62 : i32
        scf.if %cond3A_63 {
          %add3A_338 = arith.addi %mul3A_21, %add3A_50 : i32
          %add3A_339 = arith.constant 1 : i32
          %add3A_340 = arith.addi %add3A_338, %add3A_339 : i32
          %dma_start3A_341 = arith.constant 1 : i32
          %dma_start3A_342 = arith.constant 0 : i32
          %dma_start3A_343 = arith.constant 0 : i32
          %dma_start3A_344 = tpu.memref_slice %arg2[%select_n3A, %dma_start3A_341, %add3A_340, %dma_start3A_342, %dma_start3A_343] : memref<16x2x98x128x128xf32, #tpu.memory_space<hbm>> -> memref<1x1x1x128x128xf32, #tpu.memory_space<hbm>>
          %dma_start3A_345 = tpu.memref_squeeze %dma_start3A_344 : memref<1x1x1x128x128xf32, #tpu.memory_space<hbm>> -> memref<128x128xf32, #tpu.memory_space<hbm>>
          %dma_start3A_346 = arith.constant 0 : i32
          %dma_start3A_347 = arith.constant 0 : i32
          %dma_start3A_348 = tpu.memref_slice %arg2[%select_n3A, %dma_start3A_341, %add3A_340, %dma_start3A_346, %dma_start3A_347] : memref<16x2x98x128x128xf32, #tpu.memory_space<hbm>> -> memref<1x1x1x128x128xf32, #tpu.memory_space<hbm>>
          %dma_start3A_349 = tpu.memref_squeeze %dma_start3A_348 : memref<1x1x1x128x128xf32, #tpu.memory_space<hbm>> -> memref<128x128xf32, #tpu.memory_space<hbm>>
          tpu.enqueue_dma source(%dma_start3A_349 : memref<128x128xf32, #tpu.memory_space<hbm>>) target(%arg4 : memref<128x128xf32, #tpu.memory_space<vmem>>) target_semaphore(%arg11 : memref<!tpu.dma_semaphore, #tpu.memory_space<semaphore_mem>>)
        } else {
        }
        %add3A_64 = arith.addi %mul3A_21, %add3A_50 : i32
        %dma_wait3A = arith.constant 1 : i32
        %dma_wait3A_65 = arith.constant 0 : i32
        %dma_wait3A_66 = arith.constant 0 : i32
        %dma_wait3A_67 = tpu.memref_slice %arg2[%select_n3A, %dma_wait3A, %add3A_64, %dma_wait3A_65, %dma_wait3A_66] : memref<16x2x98x128x128xf32, #tpu.memory_space<hbm>> -> memref<1x1x1x128x128xf32, #tpu.memory_space<hbm>>
        %dma_wait3A_68 = tpu.memref_squeeze %dma_wait3A_67 : memref<1x1x1x128x128xf32, #tpu.memory_space<hbm>> -> memref<128x128xf32, #tpu.memory_space<hbm>>
        %dma_wait3A_69 = arith.constant 0 : i32
        %dma_wait3A_70 = arith.constant 0 : i32
        %dma_wait3A_71 = tpu.memref_slice %arg2[%select_n3A, %dma_wait3A, %add3A_64, %dma_wait3A_69, %dma_wait3A_70] : memref<16x2x98x128x128xf32, #tpu.memory_space<hbm>> -> memref<1x1x1x128x128xf32, #tpu.memory_space<hbm>>
        %dma_wait3A_72 = tpu.memref_squeeze %dma_wait3A_71 : memref<1x1x1x128x128xf32, #tpu.memory_space<hbm>> -> memref<128x128xf32, #tpu.memory_space<hbm>>
        tpu.wait_dma2 semaphore(%arg12 : memref<!tpu.dma_semaphore, #tpu.memory_space<semaphore_mem>>) src(%dma_wait3A_72 : memref<128x128xf32, #tpu.memory_space<hbm>>) dst(%arg5 : memref<128x128xf32, #tpu.memory_space<vmem>>)
        %broadcast_in_dim3A = arith.constant -9.99999968E+37 : f32
        %broadcast_in_dim3A_73 = vector.broadcast %broadcast_in_dim3A : f32 to vector<16xf32>
        %scan3A_74 = arith.constant 0 : i32
        %scan3A_75 = arith.constant 128 : i32
        %scan3A_76 = arith.addi %scan3A_74, %scan3A_75 : i32
        %scan3A_77 = arith.constant 1 : i32
        %scan3A_78 = scf.for %scan3A_338 = %scan3A_74 to %scan3A_76 step %scan3A_77 iter_args(%scan3A_339 = %broadcast_in_dim3A_73) -> (vector<16xf32>)  : i32 {
          %get3A = arith.index_cast %scan3A_338 : i32 to index
          %get3A_340 = arith.constant 0 : index
          %get3A_341 = tpu.vector_load %arg5[%get3A, %get3A_340] {strides = array<i32>} : memref<128x128xf32, #tpu.memory_space<vmem>>, vector<16xf32>,
          %get3A_342 = arith.index_cast %scan3A_338 : i32 to index
          %get3A_343 = arith.constant 16 : index
          %get3A_344 = tpu.vector_load %arg5[%get3A_342, %get3A_343] {strides = array<i32>} : memref<128x128xf32, #tpu.memory_space<vmem>>, vector<16xf32>,
          %get3A_345 = arith.index_cast %scan3A_338 : i32 to index
          %get3A_346 = arith.constant 32 : index
          %get3A_347 = tpu.vector_load %arg5[%get3A_345, %get3A_346] {strides = array<i32>} : memref<128x128xf32, #tpu.memory_space<vmem>>, vector<16xf32>,
          %get3A_348 = arith.index_cast %scan3A_338 : i32 to index
          %get3A_349 = arith.constant 48 : index
          %get3A_350 = tpu.vector_load %arg5[%get3A_348, %get3A_349] {strides = array<i32>} : memref<128x128xf32, #tpu.memory_space<vmem>>, vector<16xf32>,
          %get3A_351 = arith.index_cast %scan3A_338 : i32 to index
          %get3A_352 = arith.constant 64 : index
          %get3A_353 = tpu.vector_load %arg5[%get3A_351, %get3A_352] {strides = array<i32>} : memref<128x128xf32, #tpu.memory_space<vmem>>, vector<16xf32>,
          %get3A_354 = arith.index_cast %scan3A_338 : i32 to index
          %get3A_355 = arith.constant 80 : index
          %get3A_356 = tpu.vector_load %arg5[%get3A_354, %get3A_355] {strides = array<i32>} : memref<128x128xf32, #tpu.memory_space<vmem>>, vector<16xf32>,
          %get3A_357 = arith.index_cast %scan3A_338 : i32 to index
          %get3A_358 = arith.constant 96 : index
          %get3A_359 = tpu.vector_load %arg5[%get3A_357, %get3A_358] {strides = array<i32>} : memref<128x128xf32, #tpu.memory_space<vmem>>, vector<16xf32>,
          %get3A_360 = arith.index_cast %scan3A_338 : i32 to index
          %get3A_361 = arith.constant 112 : index
          %get3A_362 = tpu.vector_load %arg5[%get3A_360, %get3A_361] {strides = array<i32>} : memref<128x128xf32, #tpu.memory_space<vmem>>, vector<16xf32>,
          %max3A = arith.maximumf %get3A_341, %get3A_344 : vector<16xf32>
          %max3A_363 = arith.maximumf %get3A_347, %get3A_350 : vector<16xf32>
          %max3A_364 = arith.maximumf %max3A, %max3A_363 : vector<16xf32>
          %max3A_365 = arith.maximumf %get3A_353, %get3A_356 : vector<16xf32>
          %max3A_366 = arith.maximumf %get3A_359, %get3A_362 : vector<16xf32>
          %max3A_367 = arith.maximumf %max3A_365, %max3A_366 : vector<16xf32>
          %max3A_368 = arith.maximumf %max3A_364, %max3A_367 : vector<16xf32>
          %swap3A = arith.index_cast %scan3A_338 : i32 to index
          %swap3A_369 = arith.constant 0 : index
          %swap3A_370 = tpu.vector_load %arg6[%swap3A, %swap3A_369] {strides = array<i32>} : memref<128x16xf32, #tpu.memory_space<vmem>>, vector<16xf32>,
          tpu.vector_store %arg6[%swap3A, %swap3A_369], %max3A_368 {strides = array<i32>} : memref<128x16xf32, #tpu.memory_space<vmem>>, vector<16xf32>,
          %max3A_371 = arith.maximumf %scan3A_339, %max3A_368 : vector<16xf32>
          scf.yield %max3A_371 : vector<16xf32>
        }
        %scan3A_79 = arith.constant 128 : i32
        %sort3A = arith.constant dense<true> : vector<16xi1>
        %sort3A_80, %sort3A_81, %sort3A_82 = tpu.sort %scan3A_78, %scan3A_78 masked %sort3A : (vector<16xf32>, vector<16xf32>, vector<16xi1>) -> (vector<16xi1>, vector<16xf32>, vector<16xf32>)
        %eq3A = arith.constant 7 : i32
        %eq3A_83 = vector.broadcast %eq3A : i32 to vector<16xi32>
        %eq3A_84 = arith.cmpi eq, %iota3A, %eq3A_83 : vector<16xi32>
        %jit3A_85 = arith.constant -9.99999968E+37 : f32
        %broadcast_in_dim3A_86 = vector.broadcast %jit3A_85 : f32 to vector<16xf32>
        %select_n3A_87 = arith.select %eq3A_84, %sort3A_81, %broadcast_in_dim3A_86 : vector<16xi1>, vector<16xf32>
        %reduce_max3A = arith.constant true
        %reduce_max3A_88 = vector.broadcast %reduce_max3A : i1 to vector<16xi1>
        %reduce_max3A_89 = tpu.scan <max>, %select_n3A_87 masked %reduce_max3A_88 : vector<16xf32>, vector<16xi1> -> vector<16xf32>
        %reduce_max3A_90 = vector.extract %reduce_max3A_89[15] : f32 from vector<16xf32>
        %mul3A_91 = arith.constant 128 : i32
        %mul3A_92 = vector.broadcast %mul3A_91 : i32 to vector<16xi32>
        %mul3A_93 = arith.muli %iota3A, %mul3A_92 : vector<16xi32>
        %scan3A_94 = arith.constant 0 : i32
        %scan3A_95 = arith.constant 8 : i32
        %scan3A_96 = arith.addi %scan3A_94, %scan3A_95 : i32
        %scan3A_97 = arith.constant 1 : i32
        %scan3A_98:2 = scf.for %scan3A_338 = %scan3A_94 to %scan3A_96 step %scan3A_97 iter_args(%scan3A_339 = %mul3A_93, %scan3A_340 = %iota3A) -> (vector<16xi32>, vector<16xi32>)  : i32 {
          %mul3A_341 = arith.constant 16 : i32
          %mul3A_342 = arith.muli %scan3A_338, %mul3A_341 : i32
          %add3A_343 = arith.constant 0 : i32
          %add3A_344 = arith.addi %mul3A_342, %add3A_343 : i32
          %get3A = arith.index_cast %add3A_344 : i32 to index
          %get3A_345 = arith.constant 0 : index
          %get3A_346 = tpu.vector_load %arg6[%get3A, %get3A_345] {strides = array<i32>} : memref<128x16xf32, #tpu.memory_space<vmem>>, vector<16xf32>,
          %mul3A_347 = arith.constant 16 : i32
          %mul3A_348 = arith.muli %scan3A_338, %mul3A_347 : i32
          %add3A_349 = arith.constant 1 : i32
          %add3A_350 = arith.addi %mul3A_348, %add3A_349 : i32
          %get3A_351 = arith.index_cast %add3A_350 : i32 to index
          %get3A_352 = arith.constant 0 : index
          %get3A_353 = tpu.vector_load %arg6[%get3A_351, %get3A_352] {strides = array<i32>} : memref<128x16xf32, #tpu.memory_space<vmem>>, vector<16xf32>,
          %mul3A_354 = arith.constant 16 : i32
          %mul3A_355 = arith.muli %scan3A_338, %mul3A_354 : i32
          %add3A_356 = arith.constant 2 : i32
          %add3A_357 = arith.addi %mul3A_355, %add3A_356 : i32
          %get3A_358 = arith.index_cast %add3A_357 : i32 to index
          %get3A_359 = arith.constant 0 : index
          %get3A_360 = tpu.vector_load %arg6[%get3A_358, %get3A_359] {strides = array<i32>} : memref<128x16xf32, #tpu.memory_space<vmem>>, vector<16xf32>,
          %mul3A_361 = arith.constant 16 : i32
          %mul3A_362 = arith.muli %scan3A_338, %mul3A_361 : i32
          %add3A_363 = arith.constant 3 : i32
          %add3A_364 = arith.addi %mul3A_362, %add3A_363 : i32
          %get3A_365 = arith.index_cast %add3A_364 : i32 to index
          %get3A_366 = arith.constant 0 : index
          %get3A_367 = tpu.vector_load %arg6[%get3A_365, %get3A_366] {strides = array<i32>} : memref<128x16xf32, #tpu.memory_space<vmem>>, vector<16xf32>,
          %mul3A_368 = arith.constant 16 : i32
          %mul3A_369 = arith.muli %scan3A_338, %mul3A_368 : i32
          %add3A_370 = arith.constant 4 : i32
          %add3A_371 = arith.addi %mul3A_369, %add3A_370 : i32
          %get3A_372 = arith.index_cast %add3A_371 : i32 to index
          %get3A_373 = arith.constant 0 : index
          %get3A_374 = tpu.vector_load %arg6[%get3A_372, %get3A_373] {strides = array<i32>} : memref<128x16xf32, #tpu.memory_space<vmem>>, vector<16xf32>,
          %mul3A_375 = arith.constant 16 : i32
          %mul3A_376 = arith.muli %scan3A_338, %mul3A_375 : i32
          %add3A_377 = arith.constant 5 : i32
          %add3A_378 = arith.addi %mul3A_376, %add3A_377 : i32
          %get3A_379 = arith.index_cast %add3A_378 : i32 to index
          %get3A_380 = arith.constant 0 : index
          %get3A_381 = tpu.vector_load %arg6[%get3A_379, %get3A_380] {strides = array<i32>} : memref<128x16xf32, #tpu.memory_space<vmem>>, vector<16xf32>,
          %mul3A_382 = arith.constant 16 : i32
          %mul3A_383 = arith.muli %scan3A_338, %mul3A_382 : i32
          %add3A_384 = arith.constant 6 : i32
          %add3A_385 = arith.addi %mul3A_383, %add3A_384 : i32
          %get3A_386 = arith.index_cast %add3A_385 : i32 to index
          %get3A_387 = arith.constant 0 : index
          %get3A_388 = tpu.vector_load %arg6[%get3A_386, %get3A_387] {strides = array<i32>} : memref<128x16xf32, #tpu.memory_space<vmem>>, vector<16xf32>,
          %mul3A_389 = arith.constant 16 : i32
          %mul3A_390 = arith.muli %scan3A_338, %mul3A_389 : i32
          %add3A_391 = arith.constant 7 : i32
          %add3A_392 = arith.addi %mul3A_390, %add3A_391 : i32
          %get3A_393 = arith.index_cast %add3A_392 : i32 to index
          %get3A_394 = arith.constant 0 : index
          %get3A_395 = tpu.vector_load %arg6[%get3A_393, %get3A_394] {strides = array<i32>} : memref<128x16xf32, #tpu.memory_space<vmem>>, vector<16xf32>,
          %mul3A_396 = arith.constant 16 : i32
          %mul3A_397 = arith.muli %scan3A_338, %mul3A_396 : i32
          %add3A_398 = arith.constant 8 : i32
          %add3A_399 = arith.addi %mul3A_397, %add3A_398 : i32
          %get3A_400 = arith.index_cast %add3A_399 : i32 to index
          %get3A_401 = arith.constant 0 : index
          %get3A_402 = tpu.vector_load %arg6[%get3A_400, %get3A_401] {strides = array<i32>} : memref<128x16xf32, #tpu.memory_space<vmem>>, vector<16xf32>,
          %mul3A_403 = arith.constant 16 : i32
          %mul3A_404 = arith.muli %scan3A_338, %mul3A_403 : i32
          %add3A_405 = arith.constant 9 : i32
          %add3A_406 = arith.addi %mul3A_404, %add3A_405 : i32
          %get3A_407 = arith.index_cast %add3A_406 : i32 to index
          %get3A_408 = arith.constant 0 : index
          %get3A_409 = tpu.vector_load %arg6[%get3A_407, %get3A_408] {strides = array<i32>} : memref<128x16xf32, #tpu.memory_space<vmem>>, vector<16xf32>,
          %mul3A_410 = arith.constant 16 : i32
          %mul3A_411 = arith.muli %scan3A_338, %mul3A_410 : i32
          %add3A_412 = arith.constant 10 : i32
          %add3A_413 = arith.addi %mul3A_411, %add3A_412 : i32
          %get3A_414 = arith.index_cast %add3A_413 : i32 to index
          %get3A_415 = arith.constant 0 : index
          %get3A_416 = tpu.vector_load %arg6[%get3A_414, %get3A_415] {strides = array<i32>} : memref<128x16xf32, #tpu.memory_space<vmem>>, vector<16xf32>,
          %mul3A_417 = arith.constant 16 : i32
          %mul3A_418 = arith.muli %scan3A_338, %mul3A_417 : i32
          %add3A_419 = arith.constant 11 : i32
          %add3A_420 = arith.addi %mul3A_418, %add3A_419 : i32
          %get3A_421 = arith.index_cast %add3A_420 : i32 to index
          %get3A_422 = arith.constant 0 : index
          %get3A_423 = tpu.vector_load %arg6[%get3A_421, %get3A_422] {strides = array<i32>} : memref<128x16xf32, #tpu.memory_space<vmem>>, vector<16xf32>,
          %mul3A_424 = arith.constant 16 : i32
          %mul3A_425 = arith.muli %scan3A_338, %mul3A_424 : i32
          %add3A_426 = arith.constant 12 : i32
          %add3A_427 = arith.addi %mul3A_425, %add3A_426 : i32
          %get3A_428 = arith.index_cast %add3A_427 : i32 to index
          %get3A_429 = arith.constant 0 : index
          %get3A_430 = tpu.vector_load %arg6[%get3A_428, %get3A_429] {strides = array<i32>} : memref<128x16xf32, #tpu.memory_space<vmem>>, vector<16xf32>,
          %mul3A_431 = arith.constant 16 : i32
          %mul3A_432 = arith.muli %scan3A_338, %mul3A_431 : i32
          %add3A_433 = arith.constant 13 : i32
          %add3A_434 = arith.addi %mul3A_432, %add3A_433 : i32
          %get3A_435 = arith.index_cast %add3A_434 : i32 to index
          %get3A_436 = arith.constant 0 : index
          %get3A_437 = tpu.vector_load %arg6[%get3A_435, %get3A_436] {strides = array<i32>} : memref<128x16xf32, #tpu.memory_space<vmem>>, vector<16xf32>,
          %mul3A_438 = arith.constant 16 : i32
          %mul3A_439 = arith.muli %scan3A_338, %mul3A_438 : i32
          %add3A_440 = arith.constant 14 : i32
          %add3A_441 = arith.addi %mul3A_439, %add3A_440 : i32
          %get3A_442 = arith.index_cast %add3A_441 : i32 to index
          %get3A_443 = arith.constant 0 : index
          %get3A_444 = tpu.vector_load %arg6[%get3A_442, %get3A_443] {strides = array<i32>} : memref<128x16xf32, #tpu.memory_space<vmem>>, vector<16xf32>,
          %mul3A_445 = arith.constant 16 : i32
          %mul3A_446 = arith.muli %scan3A_338, %mul3A_445 : i32
          %add3A_447 = arith.constant 15 : i32
          %add3A_448 = arith.addi %mul3A_446, %add3A_447 : i32
          %get3A_449 = arith.index_cast %add3A_448 : i32 to index
          %get3A_450 = arith.constant 0 : index
          %get3A_451 = tpu.vector_load %arg6[%get3A_449, %get3A_450] {strides = array<i32>} : memref<128x16xf32, #tpu.memory_space<vmem>>, vector<16xf32>,
          %ge3A = vector.broadcast %reduce_max3A_90 : f32 to vector<16xf32>
          %ge3A_452 = arith.cmpf oge, %get3A_346, %ge3A : vector<16xf32>
          %ge3A_453 = vector.broadcast %reduce_max3A_90 : f32 to vector<16xf32>
          %ge3A_454 = arith.cmpf oge, %get3A_353, %ge3A_453 : vector<16xf32>
          %ge3A_455 = vector.broadcast %reduce_max3A_90 : f32 to vector<16xf32>
          %ge3A_456 = arith.cmpf oge, %get3A_360, %ge3A_455 : vector<16xf32>
          %ge3A_457 = vector.broadcast %reduce_max3A_90 : f32 to vector<16xf32>
          %ge3A_458 = arith.cmpf oge, %get3A_367, %ge3A_457 : vector<16xf32>
          %ge3A_459 = vector.broadcast %reduce_max3A_90 : f32 to vector<16xf32>
          %ge3A_460 = arith.cmpf oge, %get3A_374, %ge3A_459 : vector<16xf32>
          %ge3A_461 = vector.broadcast %reduce_max3A_90 : f32 to vector<16xf32>
          %ge3A_462 = arith.cmpf oge, %get3A_381, %ge3A_461 : vector<16xf32>
          %ge3A_463 = vector.broadcast %reduce_max3A_90 : f32 to vector<16xf32>
          %ge3A_464 = arith.cmpf oge, %get3A_388, %ge3A_463 : vector<16xf32>
          %ge3A_465 = vector.broadcast %reduce_max3A_90 : f32 to vector<16xf32>
          %ge3A_466 = arith.cmpf oge, %get3A_395, %ge3A_465 : vector<16xf32>
          %ge3A_467 = vector.broadcast %reduce_max3A_90 : f32 to vector<16xf32>
          %ge3A_468 = arith.cmpf oge, %get3A_402, %ge3A_467 : vector<16xf32>
          %ge3A_469 = vector.broadcast %reduce_max3A_90 : f32 to vector<16xf32>
          %ge3A_470 = arith.cmpf oge, %get3A_409, %ge3A_469 : vector<16xf32>
          %ge3A_471 = vector.broadcast %reduce_max3A_90 : f32 to vector<16xf32>
          %ge3A_472 = arith.cmpf oge, %get3A_416, %ge3A_471 : vector<16xf32>
          %ge3A_473 = vector.broadcast %reduce_max3A_90 : f32 to vector<16xf32>
          %ge3A_474 = arith.cmpf oge, %get3A_423, %ge3A_473 : vector<16xf32>
          %ge3A_475 = vector.broadcast %reduce_max3A_90 : f32 to vector<16xf32>
          %ge3A_476 = arith.cmpf oge, %get3A_430, %ge3A_475 : vector<16xf32>
          %ge3A_477 = vector.broadcast %reduce_max3A_90 : f32 to vector<16xf32>
          %ge3A_478 = arith.cmpf oge, %get3A_437, %ge3A_477 : vector<16xf32>
          %ge3A_479 = vector.broadcast %reduce_max3A_90 : f32 to vector<16xf32>
          %ge3A_480 = arith.cmpf oge, %get3A_444, %ge3A_479 : vector<16xf32>
          %ge3A_481 = vector.broadcast %reduce_max3A_90 : f32 to vector<16xf32>
          %ge3A_482 = arith.cmpf oge, %get3A_451, %ge3A_481 : vector<16xf32>
          %jit3A_483 = arith.constant 1 : i32
          %jit3A_484 = arith.constant 0 : i32
          %broadcast_in_dim3A_485 = vector.broadcast %jit3A_483 : i32 to vector<16xi32>
          %broadcast_in_dim3A_486 = vector.broadcast %jit3A_484 : i32 to vector<16xi32>
          %select_n3A_487 = arith.select %ge3A_452, %broadcast_in_dim3A_485, %broadcast_in_dim3A_486 : vector<16xi1>, vector<16xi32>
          %jit3A_488 = arith.constant 1 : i32
          %jit3A_489 = arith.constant 0 : i32
          %broadcast_in_dim3A_490 = vector.broadcast %jit3A_488 : i32 to vector<16xi32>
          %broadcast_in_dim3A_491 = vector.broadcast %jit3A_489 : i32 to vector<16xi32>
          %select_n3A_492 = arith.select %ge3A_454, %broadcast_in_dim3A_490, %broadcast_in_dim3A_491 : vector<16xi1>, vector<16xi32>
          %jit3A_493 = arith.constant 1 : i32
          %jit3A_494 = arith.constant 0 : i32
          %broadcast_in_dim3A_495 = vector.broadcast %jit3A_493 : i32 to vector<16xi32>
          %broadcast_in_dim3A_496 = vector.broadcast %jit3A_494 : i32 to vector<16xi32>
          %select_n3A_497 = arith.select %ge3A_456, %broadcast_in_dim3A_495, %broadcast_in_dim3A_496 : vector<16xi1>, vector<16xi32>
          %jit3A_498 = arith.constant 1 : i32
          %jit3A_499 = arith.constant 0 : i32
          %broadcast_in_dim3A_500 = vector.broadcast %jit3A_498 : i32 to vector<16xi32>
          %broadcast_in_dim3A_501 = vector.broadcast %jit3A_499 : i32 to vector<16xi32>
          %select_n3A_502 = arith.select %ge3A_458, %broadcast_in_dim3A_500, %broadcast_in_dim3A_501 : vector<16xi1>, vector<16xi32>
          %jit3A_503 = arith.constant 1 : i32
          %jit3A_504 = arith.constant 0 : i32
          %broadcast_in_dim3A_505 = vector.broadcast %jit3A_503 : i32 to vector<16xi32>
          %broadcast_in_dim3A_506 = vector.broadcast %jit3A_504 : i32 to vector<16xi32>
          %select_n3A_507 = arith.select %ge3A_460, %broadcast_in_dim3A_505, %broadcast_in_dim3A_506 : vector<16xi1>, vector<16xi32>
          %jit3A_508 = arith.constant 1 : i32
          %jit3A_509 = arith.constant 0 : i32
          %broadcast_in_dim3A_510 = vector.broadcast %jit3A_508 : i32 to vector<16xi32>
          %broadcast_in_dim3A_511 = vector.broadcast %jit3A_509 : i32 to vector<16xi32>
          %select_n3A_512 = arith.select %ge3A_462, %broadcast_in_dim3A_510, %broadcast_in_dim3A_511 : vector<16xi1>, vector<16xi32>
          %jit3A_513 = arith.constant 1 : i32
          %jit3A_514 = arith.constant 0 : i32
          %broadcast_in_dim3A_515 = vector.broadcast %jit3A_513 : i32 to vector<16xi32>
          %broadcast_in_dim3A_516 = vector.broadcast %jit3A_514 : i32 to vector<16xi32>
          %select_n3A_517 = arith.select %ge3A_464, %broadcast_in_dim3A_515, %broadcast_in_dim3A_516 : vector<16xi1>, vector<16xi32>
          %jit3A_518 = arith.constant 1 : i32
          %jit3A_519 = arith.constant 0 : i32
          %broadcast_in_dim3A_520 = vector.broadcast %jit3A_518 : i32 to vector<16xi32>
          %broadcast_in_dim3A_521 = vector.broadcast %jit3A_519 : i32 to vector<16xi32>
          %select_n3A_522 = arith.select %ge3A_466, %broadcast_in_dim3A_520, %broadcast_in_dim3A_521 : vector<16xi1>, vector<16xi32>
          %jit3A_523 = arith.constant 1 : i32
          %jit3A_524 = arith.constant 0 : i32
          %broadcast_in_dim3A_525 = vector.broadcast %jit3A_523 : i32 to vector<16xi32>
          %broadcast_in_dim3A_526 = vector.broadcast %jit3A_524 : i32 to vector<16xi32>
          %select_n3A_527 = arith.select %ge3A_468, %broadcast_in_dim3A_525, %broadcast_in_dim3A_526 : vector<16xi1>, vector<16xi32>
          %jit3A_528 = arith.constant 1 : i32
          %jit3A_529 = arith.constant 0 : i32
          %broadcast_in_dim3A_530 = vector.broadcast %jit3A_528 : i32 to vector<16xi32>
          %broadcast_in_dim3A_531 = vector.broadcast %jit3A_529 : i32 to vector<16xi32>
          %select_n3A_532 = arith.select %ge3A_470, %broadcast_in_dim3A_530, %broadcast_in_dim3A_531 : vector<16xi1>, vector<16xi32>
          %jit3A_533 = arith.constant 1 : i32
          %jit3A_534 = arith.constant 0 : i32
          %broadcast_in_dim3A_535 = vector.broadcast %jit3A_533 : i32 to vector<16xi32>
          %broadcast_in_dim3A_536 = vector.broadcast %jit3A_534 : i32 to vector<16xi32>
          %select_n3A_537 = arith.select %ge3A_472, %broadcast_in_dim3A_535, %broadcast_in_dim3A_536 : vector<16xi1>, vector<16xi32>
          %jit3A_538 = arith.constant 1 : i32
          %jit3A_539 = arith.constant 0 : i32
          %broadcast_in_dim3A_540 = vector.broadcast %jit3A_538 : i32 to vector<16xi32>
          %broadcast_in_dim3A_541 = vector.broadcast %jit3A_539 : i32 to vector<16xi32>
          %select_n3A_542 = arith.select %ge3A_474, %broadcast_in_dim3A_540, %broadcast_in_dim3A_541 : vector<16xi1>, vector<16xi32>
          %jit3A_543 = arith.constant 1 : i32
          %jit3A_544 = arith.constant 0 : i32
          %broadcast_in_dim3A_545 = vector.broadcast %jit3A_543 : i32 to vector<16xi32>
          %broadcast_in_dim3A_546 = vector.broadcast %jit3A_544 : i32 to vector<16xi32>
          %select_n3A_547 = arith.select %ge3A_476, %broadcast_in_dim3A_545, %broadcast_in_dim3A_546 : vector<16xi1>, vector<16xi32>
          %jit3A_548 = arith.constant 1 : i32
          %jit3A_549 = arith.constant 0 : i32
          %broadcast_in_dim3A_550 = vector.broadcast %jit3A_548 : i32 to vector<16xi32>
          %broadcast_in_dim3A_551 = vector.broadcast %jit3A_549 : i32 to vector<16xi32>
          %select_n3A_552 = arith.select %ge3A_478, %broadcast_in_dim3A_550, %broadcast_in_dim3A_551 : vector<16xi1>, vector<16xi32>
          %jit3A_553 = arith.constant 1 : i32
          %jit3A_554 = arith.constant 0 : i32
          %broadcast_in_dim3A_555 = vector.broadcast %jit3A_553 : i32 to vector<16xi32>
          %broadcast_in_dim3A_556 = vector.broadcast %jit3A_554 : i32 to vector<16xi32>
          %select_n3A_557 = arith.select %ge3A_480, %broadcast_in_dim3A_555, %broadcast_in_dim3A_556 : vector<16xi1>, vector<16xi32>
          %jit3A_558 = arith.constant 1 : i32
          %jit3A_559 = arith.constant 0 : i32
          %broadcast_in_dim3A_560 = vector.broadcast %jit3A_558 : i32 to vector<16xi32>
          %broadcast_in_dim3A_561 = vector.broadcast %jit3A_559 : i32 to vector<16xi32>
          %select_n3A_562 = arith.select %ge3A_482, %broadcast_in_dim3A_560, %broadcast_in_dim3A_561 : vector<16xi1>, vector<16xi32>
          %add3A_563 = arith.constant 0 : i32
          %add3A_564 = vector.broadcast %add3A_563 : i32 to vector<16xi32>
          %add3A_565 = arith.addi %scan3A_340, %add3A_564 : vector<16xi32>
          tpu.vector_store_idx %arg7[%scan3A_339], %add3A_565 masked %ge3A_452 : memref<2048xi32, #tpu.memory_space<vmem>>[vector<16xi32>], vector<16xi32>, vector<16xi1>
          %add3A_566 = arith.addi %scan3A_339, %select_n3A_487 : vector<16xi32>
          %add3A_567 = arith.constant 128 : i32
          %add3A_568 = vector.broadcast %add3A_567 : i32 to vector<16xi32>
          %add3A_569 = arith.addi %scan3A_340, %add3A_568 : vector<16xi32>
          tpu.vector_store_idx %arg7[%add3A_566], %add3A_569 masked %ge3A_454 : memref<2048xi32, #tpu.memory_space<vmem>>[vector<16xi32>], vector<16xi32>, vector<16xi1>
          %add3A_570 = arith.addi %add3A_566, %select_n3A_492 : vector<16xi32>
          %add3A_571 = arith.constant 256 : i32
          %add3A_572 = vector.broadcast %add3A_571 : i32 to vector<16xi32>
          %add3A_573 = arith.addi %scan3A_340, %add3A_572 : vector<16xi32>
          tpu.vector_store_idx %arg7[%add3A_570], %add3A_573 masked %ge3A_456 : memref<2048xi32, #tpu.memory_space<vmem>>[vector<16xi32>], vector<16xi32>, vector<16xi1>
          %add3A_574 = arith.addi %add3A_570, %select_n3A_497 : vector<16xi32>
          %add3A_575 = arith.constant 384 : i32
          %add3A_576 = vector.broadcast %add3A_575 : i32 to vector<16xi32>
          %add3A_577 = arith.addi %scan3A_340, %add3A_576 : vector<16xi32>
          tpu.vector_store_idx %arg7[%add3A_574], %add3A_577 masked %ge3A_458 : memref<2048xi32, #tpu.memory_space<vmem>>[vector<16xi32>], vector<16xi32>, vector<16xi1>
          %add3A_578 = arith.addi %add3A_574, %select_n3A_502 : vector<16xi32>
          %add3A_579 = arith.constant 512 : i32
          %add3A_580 = vector.broadcast %add3A_579 : i32 to vector<16xi32>
          %add3A_581 = arith.addi %scan3A_340, %add3A_580 : vector<16xi32>
          tpu.vector_store_idx %arg7[%add3A_578], %add3A_581 masked %ge3A_460 : memref<2048xi32, #tpu.memory_space<vmem>>[vector<16xi32>], vector<16xi32>, vector<16xi1>
          %add3A_582 = arith.addi %add3A_578, %select_n3A_507 : vector<16xi32>
          %add3A_583 = arith.constant 640 : i32
          %add3A_584 = vector.broadcast %add3A_583 : i32 to vector<16xi32>
          %add3A_585 = arith.addi %scan3A_340, %add3A_584 : vector<16xi32>
          tpu.vector_store_idx %arg7[%add3A_582], %add3A_585 masked %ge3A_462 : memref<2048xi32, #tpu.memory_space<vmem>>[vector<16xi32>], vector<16xi32>, vector<16xi1>
          %add3A_586 = arith.addi %add3A_582, %select_n3A_512 : vector<16xi32>
          %add3A_587 = arith.constant 768 : i32
          %add3A_588 = vector.broadcast %add3A_587 : i32 to vector<16xi32>
          %add3A_589 = arith.addi %scan3A_340, %add3A_588 : vector<16xi32>
          tpu.vector_store_idx %arg7[%add3A_586], %add3A_589 masked %ge3A_464 : memref<2048xi32, #tpu.memory_space<vmem>>[vector<16xi32>], vector<16xi32>, vector<16xi1>
          %add3A_590 = arith.addi %add3A_586, %select_n3A_517 : vector<16xi32>
          %add3A_591 = arith.constant 896 : i32
          %add3A_592 = vector.broadcast %add3A_591 : i32 to vector<16xi32>
          %add3A_593 = arith.addi %scan3A_340, %add3A_592 : vector<16xi32>
          tpu.vector_store_idx %arg7[%add3A_590], %add3A_593 masked %ge3A_466 : memref<2048xi32, #tpu.memory_space<vmem>>[vector<16xi32>], vector<16xi32>, vector<16xi1>
          %add3A_594 = arith.addi %add3A_590, %select_n3A_522 : vector<16xi32>
          %add3A_595 = arith.constant 1024 : i32
          %add3A_596 = vector.broadcast %add3A_595 : i32 to vector<16xi32>
          %add3A_597 = arith.addi %scan3A_340, %add3A_596 : vector<16xi32>
          tpu.vector_store_idx %arg7[%add3A_594], %add3A_597 masked %ge3A_468 : memref<2048xi32, #tpu.memory_space<vmem>>[vector<16xi32>], vector<16xi32>, vector<16xi1>
          %add3A_598 = arith.addi %add3A_594, %select_n3A_527 : vector<16xi32>
          %add3A_599 = arith.constant 1152 : i32
          %add3A_600 = vector.broadcast %add3A_599 : i32 to vector<16xi32>
          %add3A_601 = arith.addi %scan3A_340, %add3A_600 : vector<16xi32>
          tpu.vector_store_idx %arg7[%add3A_598], %add3A_601 masked %ge3A_470 : memref<2048xi32, #tpu.memory_space<vmem>>[vector<16xi32>], vector<16xi32>, vector<16xi1>
          %add3A_602 = arith.addi %add3A_598, %select_n3A_532 : vector<16xi32>
          %add3A_603 = arith.constant 1280 : i32
          %add3A_604 = vector.broadcast %add3A_603 : i32 to vector<16xi32>
          %add3A_605 = arith.addi %scan3A_340, %add3A_604 : vector<16xi32>
          tpu.vector_store_idx %arg7[%add3A_602], %add3A_605 masked %ge3A_472 : memref<2048xi32, #tpu.memory_space<vmem>>[vector<16xi32>], vector<16xi32>, vector<16xi1>
          %add3A_606 = arith.addi %add3A_602, %select_n3A_537 : vector<16xi32>
          %add3A_607 = arith.constant 1408 : i32
          %add3A_608 = vector.broadcast %add3A_607 : i32 to vector<16xi32>
          %add3A_609 = arith.addi %scan3A_340, %add3A_608 : vector<16xi32>
          tpu.vector_store_idx %arg7[%add3A_606], %add3A_609 masked %ge3A_474 : memref<2048xi32, #tpu.memory_space<vmem>>[vector<16xi32>], vector<16xi32>, vector<16xi1>
          %add3A_610 = arith.addi %add3A_606, %select_n3A_542 : vector<16xi32>
          %add3A_611 = arith.constant 1536 : i32
          %add3A_612 = vector.broadcast %add3A_611 : i32 to vector<16xi32>
          %add3A_613 = arith.addi %scan3A_340, %add3A_612 : vector<16xi32>
          tpu.vector_store_idx %arg7[%add3A_610], %add3A_613 masked %ge3A_476 : memref<2048xi32, #tpu.memory_space<vmem>>[vector<16xi32>], vector<16xi32>, vector<16xi1>
          %add3A_614 = arith.addi %add3A_610, %select_n3A_547 : vector<16xi32>
          %add3A_615 = arith.constant 1664 : i32
          %add3A_616 = vector.broadcast %add3A_615 : i32 to vector<16xi32>
          %add3A_617 = arith.addi %scan3A_340, %add3A_616 : vector<16xi32>
          tpu.vector_store_idx %arg7[%add3A_614], %add3A_617 masked %ge3A_478 : memref<2048xi32, #tpu.memory_space<vmem>>[vector<16xi32>], vector<16xi32>, vector<16xi1>
          %add3A_618 = arith.addi %add3A_614, %select_n3A_552 : vector<16xi32>
          %add3A_619 = arith.constant 1792 : i32
          %add3A_620 = vector.broadcast %add3A_619 : i32 to vector<16xi32>
          %add3A_621 = arith.addi %scan3A_340, %add3A_620 : vector<16xi32>
          tpu.vector_store_idx %arg7[%add3A_618], %add3A_621 masked %ge3A_480 : memref<2048xi32, #tpu.memory_space<vmem>>[vector<16xi32>], vector<16xi32>, vector<16xi1>
          %add3A_622 = arith.addi %add3A_618, %select_n3A_557 : vector<16xi32>
          %add3A_623 = arith.constant 1920 : i32
          %add3A_624 = vector.broadcast %add3A_623 : i32 to vector<16xi32>
          %add3A_625 = arith.addi %scan3A_340, %add3A_624 : vector<16xi32>
          tpu.vector_store_idx %arg7[%add3A_622], %add3A_625 masked %ge3A_482 : memref<2048xi32, #tpu.memory_space<vmem>>[vector<16xi32>], vector<16xi32>, vector<16xi1>
          %add3A_626 = arith.addi %add3A_622, %select_n3A_562 : vector<16xi32>
          %add3A_627 = arith.constant 2048 : i32
          %add3A_628 = vector.broadcast %add3A_627 : i32 to vector<16xi32>
          %add3A_629 = arith.addi %scan3A_340, %add3A_628 : vector<16xi32>
          scf.yield %add3A_626, %add3A_629 : vector<16xi32>, vector<16xi32>
        }
        %scan3A_99 = arith.constant 8 : i32
        %sub3A_100 = arith.subi %scan3A_98#0, %mul3A_93 : vector<16xi32>
        %reduce_sum3A = arith.constant true
        %reduce_sum3A_101 = vector.broadcast %reduce_sum3A : i1 to vector<16xi1>
        %reduce_sum3A_102 = tpu.scan <sum>, %sub3A_100 masked %reduce_sum3A_101 : vector<16xi32>, vector<16xi1> -> vector<16xi32>
        %reduce_sum3A_103 = vector.extract %reduce_sum3A_102[15] : i32 from vector<16xi32>
        %reduce_max3A_104 = arith.constant true
        %reduce_max3A_105 = vector.broadcast %reduce_max3A_104 : i1 to vector<16xi1>
        %reduce_max3A_106 = arith.constant -2147483648 : i32
        %reduce_max3A_107 = vector.broadcast %reduce_max3A_106 : i32 to vector<16xi32>
        %reduce_max3A_108 = arith.xori %sub3A_100, %reduce_max3A_107 : vector<16xi32>
        %reduce_max3A_109 = tpu.scan <max>, %reduce_max3A_108 masked %reduce_max3A_105 : vector<16xi32>, vector<16xi1> -> vector<16xi32>
        %reduce_max3A_110 = arith.xori %reduce_max3A_109, %reduce_max3A_107 : vector<16xi32>
        %reduce_max3A_111 = vector.extract %reduce_max3A_110[15] : i32 from vector<16xi32>
        %broadcast_in_dim3A_112 = arith.constant true
        %broadcast_in_dim3A_113 = vector.broadcast %broadcast_in_dim3A_112 : i1 to vector<16xi1>
        %masked_cumsum3A = tpu.scan <sum>, %sub3A_100 masked %broadcast_in_dim3A_113 : vector<16xi32>, vector<16xi1> -> vector<16xi32>
        %sub3A_114 = arith.subi %masked_cumsum3A, %sub3A_100 : vector<16xi32>
        %add3A_115 = arith.constant 16 : i32
        %add3A_116 = arith.addi %reduce_sum3A_103, %add3A_115 : i32
        %sub3A_117 = arith.constant 1 : i32
        %sub3A_118 = arith.subi %add3A_116, %sub3A_117 : i32
        %jit3A_119 = arith.constant 16 : i32
        %div3A_120 = arith.divsi %sub3A_118, %jit3A_119 : i32
        %sign3A_121 = arith.constant 0 : i32
        %sign3A_122 = arith.cmpi sgt, %sub3A_118, %sign3A_121 : i32
        %sign3A_123 = arith.extui %sign3A_122 : i1 to i32
        %sign3A_124 = arith.constant 0 : i32
        %sign3A_125 = arith.cmpi slt, %sub3A_118, %sign3A_124 : i32
        %sign3A_126 = arith.extui %sign3A_125 : i1 to i32
        %sign3A_127 = arith.subi %sign3A_123, %sign3A_126 : i32
        %sign3A_128 = arith.constant 0 : i32
        %sign3A_129 = arith.cmpi sgt, %jit3A_119, %sign3A_128 : i32
        %sign3A_130 = arith.extui %sign3A_129 : i1 to i32
        %sign3A_131 = arith.constant 0 : i32
        %sign3A_132 = arith.cmpi slt, %jit3A_119, %sign3A_131 : i32
        %sign3A_133 = arith.extui %sign3A_132 : i1 to i32
        %sign3A_134 = arith.subi %sign3A_130, %sign3A_133 : i32
        %ne3A_135 = arith.cmpi ne, %sign3A_127, %sign3A_134 : i32
        %rem3A_136 = arith.remsi %sub3A_118, %jit3A_119 : i32
        %ne3A_137 = arith.constant 0 : i32
        %ne3A_138 = arith.cmpi ne, %rem3A_136, %ne3A_137 : i32
        %and3A_139 = arith.andi %ne3A_135, %ne3A_138 : i1
        %sub3A_140 = arith.constant 1 : i32
        %sub3A_141 = arith.subi %div3A_120, %sub3A_140 : i32
        %select_n3A_142 = arith.select %and3A_139, %sub3A_141, %div3A_120 : i32
        %while3A = arith.constant 0 : i32
        %while3A_143 = arith.constant 0 : i32
        %while3A_144 = arith.subi %select_n3A_142, %while3A : i32
        %while3A_145 = arith.addi %while3A, %while3A_144 : i32
        %while3A_146 = arith.constant 1 : i32
        %while3A_147 = arith.divsi %while3A_144, %while3A_146 : i32
        %while3A_148 = arith.muli %while3A_147, %while3A_146 : i32
        %while3A_149 = arith.addi %while3A, %while3A_148 : i32
        %while3A_150 = arith.constant 1 : i32
        %while3A_151 = scf.for %while3A_338 = %while3A to %while3A_149 step %while3A_150 iter_args(%while3A_339 = %while3A_143) -> (i32)  : i32 {
          %broadcast_in_dim3A_340 = arith.constant 0 : i32
          %broadcast_in_dim3A_341 = vector.broadcast %broadcast_in_dim3A_340 : i32 to vector<16xi32>
          %mul3A_342 = arith.constant 16 : i32
          %mul3A_343 = arith.muli %while3A_338, %mul3A_342 : i32
          %swap3A = arith.index_cast %mul3A_343 : i32 to index
          %swap3A_344 = tpu.vector_load %arg9[%swap3A] {strides = array<i32>} : memref<16384xi32, #tpu.memory_space<vmem>>, vector<16xi32>,
          tpu.vector_store %arg9[%swap3A], %broadcast_in_dim3A_341 {strides = array<i32>} : memref<16384xi32, #tpu.memory_space<vmem>>, vector<16xi32>,
          %while3A_345 = arith.constant 0 : i32
          scf.yield %while3A_345 : i32
        }
        %while3A_152 = arith.constant 1 : i32
        %while3A_153 = scf.for %while3A_338 = %while3A_149 to %while3A_145 step %while3A_152 iter_args(%while3A_339 = %while3A_151) -> (i32)  : i32 {
          %broadcast_in_dim3A_340 = arith.constant 0 : i32
          %broadcast_in_dim3A_341 = vector.broadcast %broadcast_in_dim3A_340 : i32 to vector<16xi32>
          %mul3A_342 = arith.constant 16 : i32
          %mul3A_343 = arith.muli %while3A_338, %mul3A_342 : i32
          %swap3A = arith.index_cast %mul3A_343 : i32 to index
          %swap3A_344 = tpu.vector_load %arg9[%swap3A] {strides = array<i32>} : memref<16384xi32, #tpu.memory_space<vmem>>, vector<16xi32>,
          tpu.vector_store %arg9[%swap3A], %broadcast_in_dim3A_341 {strides = array<i32>} : memref<16384xi32, #tpu.memory_space<vmem>>, vector<16xi32>,
          %while3A_345 = arith.constant 0 : i32
          scf.yield %while3A_345 : i32
        }
        %while3A_154 = arith.constant 0 : i32
        %while3A_155 = arith.constant 0 : i32
        %while3A_156 = arith.subi %reduce_max3A_111, %while3A_154 : i32
        %while3A_157 = arith.addi %while3A_154, %while3A_156 : i32
        %while3A_158 = arith.constant 1 : i32
        %while3A_159 = arith.divsi %while3A_156, %while3A_158 : i32
        %while3A_160 = arith.muli %while3A_159, %while3A_158 : i32
        %while3A_161 = arith.addi %while3A_154, %while3A_160 : i32
        %while3A_162 = arith.constant 1 : i32
        %while3A_163 = scf.for %while3A_338 = %while3A_154 to %while3A_161 step %while3A_162 iter_args(%while3A_339 = %while3A_155) -> (i32)  : i32 {
          %gt3A_340 = vector.broadcast %while3A_338 : i32 to vector<16xi32>
          %gt3A_341 = arith.cmpi sgt, %sub3A_100, %gt3A_340 : vector<16xi32>
          %add3A_342 = vector.broadcast %while3A_338 : i32 to vector<16xi32>
          %add3A_343 = arith.addi %mul3A_93, %add3A_342 : vector<16xi32>
          %gather3A_344 = tpu.vector_load_idx %arg7[%add3A_343] : memref<2048xi32, #tpu.memory_space<vmem>>[vector<16xi32>], vector<16xi32>,
          %add3A_345 = vector.broadcast %while3A_338 : i32 to vector<16xi32>
          %add3A_346 = arith.addi %sub3A_114, %add3A_345 : vector<16xi32>
          tpu.vector_store_idx %arg9[%add3A_346], %gather3A_344 masked %gt3A_341 : memref<16384xi32, #tpu.memory_space<vmem>>[vector<16xi32>], vector<16xi32>, vector<16xi1>
          %while3A_347 = arith.constant 0 : i32
          scf.yield %while3A_347 : i32
        }
        %while3A_164 = arith.constant 1 : i32
        %while3A_165 = scf.for %while3A_338 = %while3A_161 to %while3A_157 step %while3A_164 iter_args(%while3A_339 = %while3A_163) -> (i32)  : i32 {
          %gt3A_340 = vector.broadcast %while3A_338 : i32 to vector<16xi32>
          %gt3A_341 = arith.cmpi sgt, %sub3A_100, %gt3A_340 : vector<16xi32>
          %add3A_342 = vector.broadcast %while3A_338 : i32 to vector<16xi32>
          %add3A_343 = arith.addi %mul3A_93, %add3A_342 : vector<16xi32>
          %gather3A_344 = tpu.vector_load_idx %arg7[%add3A_343] : memref<2048xi32, #tpu.memory_space<vmem>>[vector<16xi32>], vector<16xi32>,
          %add3A_345 = vector.broadcast %while3A_338 : i32 to vector<16xi32>
          %add3A_346 = arith.addi %sub3A_114, %add3A_345 : vector<16xi32>
          tpu.vector_store_idx %arg9[%add3A_346], %gather3A_344 masked %gt3A_341 : memref<16384xi32, #tpu.memory_space<vmem>>[vector<16xi32>], vector<16xi32>, vector<16xi1>
          %while3A_347 = arith.constant 0 : i32
          scf.yield %while3A_347 : i32
        }
        %while3A_166 = arith.constant 0 : i32
        %while3A_167 = arith.subi %select_n3A_142, %while3A_166 : i32
        %while3A_168 = arith.addi %while3A_166, %while3A_167 : i32
        %while3A_169 = arith.constant 1 : i32
        %while3A_170 = arith.divsi %while3A_167, %while3A_169 : i32
        %while3A_171 = arith.muli %while3A_170, %while3A_169 : i32
        %while3A_172 = arith.addi %while3A_166, %while3A_171 : i32
        %while3A_173 = arith.constant 1 : i32
        %while3A_174 = scf.for %while3A_338 = %while3A_166 to %while3A_172 step %while3A_173 iter_args(%while3A_339 = %mul3A_24) -> (vector<16xi32>)  : i32 {
          %mul3A_340 = arith.constant 16 : i32
          %mul3A_341 = arith.muli %while3A_338, %mul3A_340 : i32
          %get3A = arith.index_cast %mul3A_341 : i32 to index
          %get3A_342 = tpu.vector_load %arg9[%get3A] {strides = array<i32>} : memref<16384xi32, #tpu.memory_space<vmem>>, vector<16xi32>,
          %mul3A_343 = arith.constant 16 : i32
          %mul3A_344 = arith.muli %while3A_338, %mul3A_343 : i32
          %add3A_345 = vector.broadcast %mul3A_344 : i32 to vector<16xi32>
          %add3A_346 = arith.addi %add3A_345, %iota3A : vector<16xi32>
          %lt3A_347 = vector.broadcast %reduce_sum3A_103 : i32 to vector<16xi32>
          %lt3A_348 = arith.cmpi slt, %add3A_346, %lt3A_347 : vector<16xi32>
          %shift_right_arithmetic3A_349 = arith.constant 7 : i32
          %shift_right_arithmetic3A_350 = vector.broadcast %shift_right_arithmetic3A_349 : i32 to vector<16xi32>
          %shift_right_arithmetic3A_351 = arith.shrsi %get3A_342, %shift_right_arithmetic3A_350 : vector<16xi32>
          %and3A_352 = arith.constant 127 : i32
          %and3A_353 = vector.broadcast %and3A_352 : i32 to vector<16xi32>
          %and3A_354 = arith.andi %get3A_342, %and3A_353 : vector<16xi32>
          %add3A_355 = arith.constant 0 : i32
          %add3A_356 = vector.broadcast %add3A_355 : i32 to vector<16xi32>
          %add3A_357 = arith.addi %get3A_342, %add3A_356 : vector<16xi32>
          %add3A_358 = arith.constant 16 : i32
          %add3A_359 = vector.broadcast %add3A_358 : i32 to vector<16xi32>
          %add3A_360 = arith.addi %get3A_342, %add3A_359 : vector<16xi32>
          %add3A_361 = arith.constant 32 : i32
          %add3A_362 = vector.broadcast %add3A_361 : i32 to vector<16xi32>
          %add3A_363 = arith.addi %get3A_342, %add3A_362 : vector<16xi32>
          %add3A_364 = arith.constant 48 : i32
          %add3A_365 = vector.broadcast %add3A_364 : i32 to vector<16xi32>
          %add3A_366 = arith.addi %get3A_342, %add3A_365 : vector<16xi32>
          %add3A_367 = arith.constant 64 : i32
          %add3A_368 = vector.broadcast %add3A_367 : i32 to vector<16xi32>
          %add3A_369 = arith.addi %get3A_342, %add3A_368 : vector<16xi32>
          %add3A_370 = arith.constant 80 : i32
          %add3A_371 = vector.broadcast %add3A_370 : i32 to vector<16xi32>
          %add3A_372 = arith.addi %get3A_342, %add3A_371 : vector<16xi32>
          %add3A_373 = arith.constant 96 : i32
          %add3A_374 = vector.broadcast %add3A_373 : i32 to vector<16xi32>
          %add3A_375 = arith.addi %get3A_342, %add3A_374 : vector<16xi32>
          %add3A_376 = arith.constant 112 : i32
          %add3A_377 = vector.broadcast %add3A_376 : i32 to vector<16xi32>
          %add3A_378 = arith.addi %get3A_342, %add3A_377 : vector<16xi32>
          %add3A_379 = arith.constant 0 : i32
          %add3A_380 = vector.broadcast %add3A_379 : i32 to vector<16xi32>
          %add3A_381 = arith.addi %and3A_354, %add3A_380 : vector<16xi32>
          %gather3A_382 = tpu.vector_load_idx %arg5[%shift_right_arithmetic3A_351, %add3A_381] : memref<128x128xf32, #tpu.memory_space<vmem>>[vector<16xi32>, vector<16xi32>], vector<16xf32>,
          %add3A_383 = arith.constant 16 : i32
          %add3A_384 = vector.broadcast %add3A_383 : i32 to vector<16xi32>
          %add3A_385 = arith.addi %and3A_354, %add3A_384 : vector<16xi32>
          %gather3A_386 = tpu.vector_load_idx %arg5[%shift_right_arithmetic3A_351, %add3A_385] : memref<128x128xf32, #tpu.memory_space<vmem>>[vector<16xi32>, vector<16xi32>], vector<16xf32>,
          %add3A_387 = arith.constant 32 : i32
          %add3A_388 = vector.broadcast %add3A_387 : i32 to vector<16xi32>
          %add3A_389 = arith.addi %and3A_354, %add3A_388 : vector<16xi32>
          %gather3A_390 = tpu.vector_load_idx %arg5[%shift_right_arithmetic3A_351, %add3A_389] : memref<128x128xf32, #tpu.memory_space<vmem>>[vector<16xi32>, vector<16xi32>], vector<16xf32>,
          %add3A_391 = arith.constant 48 : i32
          %add3A_392 = vector.broadcast %add3A_391 : i32 to vector<16xi32>
          %add3A_393 = arith.addi %and3A_354, %add3A_392 : vector<16xi32>
          %gather3A_394 = tpu.vector_load_idx %arg5[%shift_right_arithmetic3A_351, %add3A_393] : memref<128x128xf32, #tpu.memory_space<vmem>>[vector<16xi32>, vector<16xi32>], vector<16xf32>,
          %add3A_395 = arith.constant 64 : i32
          %add3A_396 = vector.broadcast %add3A_395 : i32 to vector<16xi32>
          %add3A_397 = arith.addi %and3A_354, %add3A_396 : vector<16xi32>
          %gather3A_398 = tpu.vector_load_idx %arg5[%shift_right_arithmetic3A_351, %add3A_397] : memref<128x128xf32, #tpu.memory_space<vmem>>[vector<16xi32>, vector<16xi32>], vector<16xf32>,
          %add3A_399 = arith.constant 80 : i32
          %add3A_400 = vector.broadcast %add3A_399 : i32 to vector<16xi32>
          %add3A_401 = arith.addi %and3A_354, %add3A_400 : vector<16xi32>
          %gather3A_402 = tpu.vector_load_idx %arg5[%shift_right_arithmetic3A_351, %add3A_401] : memref<128x128xf32, #tpu.memory_space<vmem>>[vector<16xi32>, vector<16xi32>], vector<16xf32>,
          %add3A_403 = arith.constant 96 : i32
          %add3A_404 = vector.broadcast %add3A_403 : i32 to vector<16xi32>
          %add3A_405 = arith.addi %and3A_354, %add3A_404 : vector<16xi32>
          %gather3A_406 = tpu.vector_load_idx %arg5[%shift_right_arithmetic3A_351, %add3A_405] : memref<128x128xf32, #tpu.memory_space<vmem>>[vector<16xi32>, vector<16xi32>], vector<16xf32>,
          %add3A_407 = arith.constant 112 : i32
          %add3A_408 = vector.broadcast %add3A_407 : i32 to vector<16xi32>
          %add3A_409 = arith.addi %and3A_354, %add3A_408 : vector<16xi32>
          %gather3A_410 = tpu.vector_load_idx %arg5[%shift_right_arithmetic3A_351, %add3A_409] : memref<128x128xf32, #tpu.memory_space<vmem>>[vector<16xi32>, vector<16xi32>], vector<16xf32>,
          %ge3A = vector.broadcast %reduce_max3A_90 : f32 to vector<16xf32>
          %ge3A_411 = arith.cmpf oge, %gather3A_382, %ge3A : vector<16xf32>
          %and3A_412 = arith.andi %ge3A_411, %lt3A_348 : vector<16xi1>
          %ge3A_413 = vector.broadcast %reduce_max3A_90 : f32 to vector<16xf32>
          %ge3A_414 = arith.cmpf oge, %gather3A_386, %ge3A_413 : vector<16xf32>
          %and3A_415 = arith.andi %ge3A_414, %lt3A_348 : vector<16xi1>
          %ge3A_416 = vector.broadcast %reduce_max3A_90 : f32 to vector<16xf32>
          %ge3A_417 = arith.cmpf oge, %gather3A_390, %ge3A_416 : vector<16xf32>
          %and3A_418 = arith.andi %ge3A_417, %lt3A_348 : vector<16xi1>
          %ge3A_419 = vector.broadcast %reduce_max3A_90 : f32 to vector<16xf32>
          %ge3A_420 = arith.cmpf oge, %gather3A_394, %ge3A_419 : vector<16xf32>
          %and3A_421 = arith.andi %ge3A_420, %lt3A_348 : vector<16xi1>
          %ge3A_422 = vector.broadcast %reduce_max3A_90 : f32 to vector<16xf32>
          %ge3A_423 = arith.cmpf oge, %gather3A_398, %ge3A_422 : vector<16xf32>
          %and3A_424 = arith.andi %ge3A_423, %lt3A_348 : vector<16xi1>
          %ge3A_425 = vector.broadcast %reduce_max3A_90 : f32 to vector<16xf32>
          %ge3A_426 = arith.cmpf oge, %gather3A_402, %ge3A_425 : vector<16xf32>
          %and3A_427 = arith.andi %ge3A_426, %lt3A_348 : vector<16xi1>
          %ge3A_428 = vector.broadcast %reduce_max3A_90 : f32 to vector<16xf32>
          %ge3A_429 = arith.cmpf oge, %gather3A_406, %ge3A_428 : vector<16xf32>
          %and3A_430 = arith.andi %ge3A_429, %lt3A_348 : vector<16xi1>
          %ge3A_431 = vector.broadcast %reduce_max3A_90 : f32 to vector<16xf32>
          %ge3A_432 = arith.cmpf oge, %gather3A_410, %ge3A_431 : vector<16xf32>
          %and3A_433 = arith.andi %ge3A_432, %lt3A_348 : vector<16xi1>
          %jit3A_434 = arith.constant 1 : i32
          %jit3A_435 = arith.constant 0 : i32
          %broadcast_in_dim3A_436 = vector.broadcast %jit3A_434 : i32 to vector<16xi32>
          %broadcast_in_dim3A_437 = vector.broadcast %jit3A_435 : i32 to vector<16xi32>
          %select_n3A_438 = arith.select %and3A_412, %broadcast_in_dim3A_436, %broadcast_in_dim3A_437 : vector<16xi1>, vector<16xi32>
          %jit3A_439 = arith.constant 1 : i32
          %jit3A_440 = arith.constant 0 : i32
          %broadcast_in_dim3A_441 = vector.broadcast %jit3A_439 : i32 to vector<16xi32>
          %broadcast_in_dim3A_442 = vector.broadcast %jit3A_440 : i32 to vector<16xi32>
          %select_n3A_443 = arith.select %and3A_415, %broadcast_in_dim3A_441, %broadcast_in_dim3A_442 : vector<16xi1>, vector<16xi32>
          %jit3A_444 = arith.constant 1 : i32
          %jit3A_445 = arith.constant 0 : i32
          %broadcast_in_dim3A_446 = vector.broadcast %jit3A_444 : i32 to vector<16xi32>
          %broadcast_in_dim3A_447 = vector.broadcast %jit3A_445 : i32 to vector<16xi32>
          %select_n3A_448 = arith.select %and3A_418, %broadcast_in_dim3A_446, %broadcast_in_dim3A_447 : vector<16xi1>, vector<16xi32>
          %jit3A_449 = arith.constant 1 : i32
          %jit3A_450 = arith.constant 0 : i32
          %broadcast_in_dim3A_451 = vector.broadcast %jit3A_449 : i32 to vector<16xi32>
          %broadcast_in_dim3A_452 = vector.broadcast %jit3A_450 : i32 to vector<16xi32>
          %select_n3A_453 = arith.select %and3A_421, %broadcast_in_dim3A_451, %broadcast_in_dim3A_452 : vector<16xi1>, vector<16xi32>
          %jit3A_454 = arith.constant 1 : i32
          %jit3A_455 = arith.constant 0 : i32
          %broadcast_in_dim3A_456 = vector.broadcast %jit3A_454 : i32 to vector<16xi32>
          %broadcast_in_dim3A_457 = vector.broadcast %jit3A_455 : i32 to vector<16xi32>
          %select_n3A_458 = arith.select %and3A_424, %broadcast_in_dim3A_456, %broadcast_in_dim3A_457 : vector<16xi1>, vector<16xi32>
          %jit3A_459 = arith.constant 1 : i32
          %jit3A_460 = arith.constant 0 : i32
          %broadcast_in_dim3A_461 = vector.broadcast %jit3A_459 : i32 to vector<16xi32>
          %broadcast_in_dim3A_462 = vector.broadcast %jit3A_460 : i32 to vector<16xi32>
          %select_n3A_463 = arith.select %and3A_427, %broadcast_in_dim3A_461, %broadcast_in_dim3A_462 : vector<16xi1>, vector<16xi32>
          %jit3A_464 = arith.constant 1 : i32
          %jit3A_465 = arith.constant 0 : i32
          %broadcast_in_dim3A_466 = vector.broadcast %jit3A_464 : i32 to vector<16xi32>
          %broadcast_in_dim3A_467 = vector.broadcast %jit3A_465 : i32 to vector<16xi32>
          %select_n3A_468 = arith.select %and3A_430, %broadcast_in_dim3A_466, %broadcast_in_dim3A_467 : vector<16xi1>, vector<16xi32>
          %jit3A_469 = arith.constant 1 : i32
          %jit3A_470 = arith.constant 0 : i32
          %broadcast_in_dim3A_471 = vector.broadcast %jit3A_469 : i32 to vector<16xi32>
          %broadcast_in_dim3A_472 = vector.broadcast %jit3A_470 : i32 to vector<16xi32>
          %select_n3A_473 = arith.select %and3A_433, %broadcast_in_dim3A_471, %broadcast_in_dim3A_472 : vector<16xi1>, vector<16xi32>
          tpu.vector_store_idx %arg8[%while3A_339], %add3A_357 masked %and3A_412 : memref<16384xi32, #tpu.memory_space<vmem>>[vector<16xi32>], vector<16xi32>, vector<16xi1>
          %add3A_474 = arith.addi %while3A_339, %select_n3A_438 : vector<16xi32>
          tpu.vector_store_idx %arg8[%add3A_474], %add3A_360 masked %and3A_415 : memref<16384xi32, #tpu.memory_space<vmem>>[vector<16xi32>], vector<16xi32>, vector<16xi1>
          %add3A_475 = arith.addi %add3A_474, %select_n3A_443 : vector<16xi32>
          tpu.vector_store_idx %arg8[%add3A_475], %add3A_363 masked %and3A_418 : memref<16384xi32, #tpu.memory_space<vmem>>[vector<16xi32>], vector<16xi32>, vector<16xi1>
          %add3A_476 = arith.addi %add3A_475, %select_n3A_448 : vector<16xi32>
          tpu.vector_store_idx %arg8[%add3A_476], %add3A_366 masked %and3A_421 : memref<16384xi32, #tpu.memory_space<vmem>>[vector<16xi32>], vector<16xi32>, vector<16xi1>
          %add3A_477 = arith.addi %add3A_476, %select_n3A_453 : vector<16xi32>
          tpu.vector_store_idx %arg8[%add3A_477], %add3A_369 masked %and3A_424 : memref<16384xi32, #tpu.memory_space<vmem>>[vector<16xi32>], vector<16xi32>, vector<16xi1>
          %add3A_478 = arith.addi %add3A_477, %select_n3A_458 : vector<16xi32>
          tpu.vector_store_idx %arg8[%add3A_478], %add3A_372 masked %and3A_427 : memref<16384xi32, #tpu.memory_space<vmem>>[vector<16xi32>], vector<16xi32>, vector<16xi1>
          %add3A_479 = arith.addi %add3A_478, %select_n3A_463 : vector<16xi32>
          tpu.vector_store_idx %arg8[%add3A_479], %add3A_375 masked %and3A_430 : memref<16384xi32, #tpu.memory_space<vmem>>[vector<16xi32>], vector<16xi32>, vector<16xi1>
          %add3A_480 = arith.addi %add3A_479, %select_n3A_468 : vector<16xi32>
          tpu.vector_store_idx %arg8[%add3A_480], %add3A_378 masked %and3A_433 : memref<16384xi32, #tpu.memory_space<vmem>>[vector<16xi32>], vector<16xi32>, vector<16xi1>
          %add3A_481 = arith.addi %add3A_480, %select_n3A_473 : vector<16xi32>
          scf.yield %add3A_481 : vector<16xi32>
        }
        %while3A_175 = arith.constant 1 : i32
        %while3A_176 = scf.for %while3A_338 = %while3A_172 to %while3A_168 step %while3A_175 iter_args(%while3A_339 = %while3A_174) -> (vector<16xi32>)  : i32 {
          %mul3A_340 = arith.constant 16 : i32
          %mul3A_341 = arith.muli %while3A_338, %mul3A_340 : i32
          %get3A = arith.index_cast %mul3A_341 : i32 to index
          %get3A_342 = tpu.vector_load %arg9[%get3A] {strides = array<i32>} : memref<16384xi32, #tpu.memory_space<vmem>>, vector<16xi32>,
          %mul3A_343 = arith.constant 16 : i32
          %mul3A_344 = arith.muli %while3A_338, %mul3A_343 : i32
          %add3A_345 = vector.broadcast %mul3A_344 : i32 to vector<16xi32>
          %add3A_346 = arith.addi %add3A_345, %iota3A : vector<16xi32>
          %lt3A_347 = vector.broadcast %reduce_sum3A_103 : i32 to vector<16xi32>
          %lt3A_348 = arith.cmpi slt, %add3A_346, %lt3A_347 : vector<16xi32>
          %shift_right_arithmetic3A_349 = arith.constant 7 : i32
          %shift_right_arithmetic3A_350 = vector.broadcast %shift_right_arithmetic3A_349 : i32 to vector<16xi32>
          %shift_right_arithmetic3A_351 = arith.shrsi %get3A_342, %shift_right_arithmetic3A_350 : vector<16xi32>
          %and3A_352 = arith.constant 127 : i32
          %and3A_353 = vector.broadcast %and3A_352 : i32 to vector<16xi32>
          %and3A_354 = arith.andi %get3A_342, %and3A_353 : vector<16xi32>
          %add3A_355 = arith.constant 0 : i32
          %add3A_356 = vector.broadcast %add3A_355 : i32 to vector<16xi32>
          %add3A_357 = arith.addi %get3A_342, %add3A_356 : vector<16xi32>
          %add3A_358 = arith.constant 16 : i32
          %add3A_359 = vector.broadcast %add3A_358 : i32 to vector<16xi32>
          %add3A_360 = arith.addi %get3A_342, %add3A_359 : vector<16xi32>
          %add3A_361 = arith.constant 32 : i32
          %add3A_362 = vector.broadcast %add3A_361 : i32 to vector<16xi32>
          %add3A_363 = arith.addi %get3A_342, %add3A_362 : vector<16xi32>
          %add3A_364 = arith.constant 48 : i32
          %add3A_365 = vector.broadcast %add3A_364 : i32 to vector<16xi32>
          %add3A_366 = arith.addi %get3A_342, %add3A_365 : vector<16xi32>
          %add3A_367 = arith.constant 64 : i32
          %add3A_368 = vector.broadcast %add3A_367 : i32 to vector<16xi32>
          %add3A_369 = arith.addi %get3A_342, %add3A_368 : vector<16xi32>
          %add3A_370 = arith.constant 80 : i32
          %add3A_371 = vector.broadcast %add3A_370 : i32 to vector<16xi32>
          %add3A_372 = arith.addi %get3A_342, %add3A_371 : vector<16xi32>
          %add3A_373 = arith.constant 96 : i32
          %add3A_374 = vector.broadcast %add3A_373 : i32 to vector<16xi32>
          %add3A_375 = arith.addi %get3A_342, %add3A_374 : vector<16xi32>
          %add3A_376 = arith.constant 112 : i32
          %add3A_377 = vector.broadcast %add3A_376 : i32 to vector<16xi32>
          %add3A_378 = arith.addi %get3A_342, %add3A_377 : vector<16xi32>
          %add3A_379 = arith.constant 0 : i32
          %add3A_380 = vector.broadcast %add3A_379 : i32 to vector<16xi32>
          %add3A_381 = arith.addi %and3A_354, %add3A_380 : vector<16xi32>
          %gather3A_382 = tpu.vector_load_idx %arg5[%shift_right_arithmetic3A_351, %add3A_381] : memref<128x128xf32, #tpu.memory_space<vmem>>[vector<16xi32>, vector<16xi32>], vector<16xf32>,
          %add3A_383 = arith.constant 16 : i32
          %add3A_384 = vector.broadcast %add3A_383 : i32 to vector<16xi32>
          %add3A_385 = arith.addi %and3A_354, %add3A_384 : vector<16xi32>
          %gather3A_386 = tpu.vector_load_idx %arg5[%shift_right_arithmetic3A_351, %add3A_385] : memref<128x128xf32, #tpu.memory_space<vmem>>[vector<16xi32>, vector<16xi32>], vector<16xf32>,
          %add3A_387 = arith.constant 32 : i32
          %add3A_388 = vector.broadcast %add3A_387 : i32 to vector<16xi32>
          %add3A_389 = arith.addi %and3A_354, %add3A_388 : vector<16xi32>
          %gather3A_390 = tpu.vector_load_idx %arg5[%shift_right_arithmetic3A_351, %add3A_389] : memref<128x128xf32, #tpu.memory_space<vmem>>[vector<16xi32>, vector<16xi32>], vector<16xf32>,
          %add3A_391 = arith.constant 48 : i32
          %add3A_392 = vector.broadcast %add3A_391 : i32 to vector<16xi32>
          %add3A_393 = arith.addi %and3A_354, %add3A_392 : vector<16xi32>
          %gather3A_394 = tpu.vector_load_idx %arg5[%shift_right_arithmetic3A_351, %add3A_393] : memref<128x128xf32, #tpu.memory_space<vmem>>[vector<16xi32>, vector<16xi32>], vector<16xf32>,
          %add3A_395 = arith.constant 64 : i32
          %add3A_396 = vector.broadcast %add3A_395 : i32 to vector<16xi32>
          %add3A_397 = arith.addi %and3A_354, %add3A_396 : vector<16xi32>
          %gather3A_398 = tpu.vector_load_idx %arg5[%shift_right_arithmetic3A_351, %add3A_397] : memref<128x128xf32, #tpu.memory_space<vmem>>[vector<16xi32>, vector<16xi32>], vector<16xf32>,
          %add3A_399 = arith.constant 80 : i32
          %add3A_400 = vector.broadcast %add3A_399 : i32 to vector<16xi32>
          %add3A_401 = arith.addi %and3A_354, %add3A_400 : vector<16xi32>
          %gather3A_402 = tpu.vector_load_idx %arg5[%shift_right_arithmetic3A_351, %add3A_401] : memref<128x128xf32, #tpu.memory_space<vmem>>[vector<16xi32>, vector<16xi32>], vector<16xf32>,
          %add3A_403 = arith.constant 96 : i32
          %add3A_404 = vector.broadcast %add3A_403 : i32 to vector<16xi32>
          %add3A_405 = arith.addi %and3A_354, %add3A_404 : vector<16xi32>
          %gather3A_406 = tpu.vector_load_idx %arg5[%shift_right_arithmetic3A_351, %add3A_405] : memref<128x128xf32, #tpu.memory_space<vmem>>[vector<16xi32>, vector<16xi32>], vector<16xf32>,
          %add3A_407 = arith.constant 112 : i32
          %add3A_408 = vector.broadcast %add3A_407 : i32 to vector<16xi32>
          %add3A_409 = arith.addi %and3A_354, %add3A_408 : vector<16xi32>
          %gather3A_410 = tpu.vector_load_idx %arg5[%shift_right_arithmetic3A_351, %add3A_409] : memref<128x128xf32, #tpu.memory_space<vmem>>[vector<16xi32>, vector<16xi32>], vector<16xf32>,
          %ge3A = vector.broadcast %reduce_max3A_90 : f32 to vector<16xf32>
          %ge3A_411 = arith.cmpf oge, %gather3A_382, %ge3A : vector<16xf32>
          %and3A_412 = arith.andi %ge3A_411, %lt3A_348 : vector<16xi1>
          %ge3A_413 = vector.broadcast %reduce_max3A_90 : f32 to vector<16xf32>
          %ge3A_414 = arith.cmpf oge, %gather3A_386, %ge3A_413 : vector<16xf32>
          %and3A_415 = arith.andi %ge3A_414, %lt3A_348 : vector<16xi1>
          %ge3A_416 = vector.broadcast %reduce_max3A_90 : f32 to vector<16xf32>
          %ge3A_417 = arith.cmpf oge, %gather3A_390, %ge3A_416 : vector<16xf32>
          %and3A_418 = arith.andi %ge3A_417, %lt3A_348 : vector<16xi1>
          %ge3A_419 = vector.broadcast %reduce_max3A_90 : f32 to vector<16xf32>
          %ge3A_420 = arith.cmpf oge, %gather3A_394, %ge3A_419 : vector<16xf32>
          %and3A_421 = arith.andi %ge3A_420, %lt3A_348 : vector<16xi1>
          %ge3A_422 = vector.broadcast %reduce_max3A_90 : f32 to vector<16xf32>
          %ge3A_423 = arith.cmpf oge, %gather3A_398, %ge3A_422 : vector<16xf32>
          %and3A_424 = arith.andi %ge3A_423, %lt3A_348 : vector<16xi1>
          %ge3A_425 = vector.broadcast %reduce_max3A_90 : f32 to vector<16xf32>
          %ge3A_426 = arith.cmpf oge, %gather3A_402, %ge3A_425 : vector<16xf32>
          %and3A_427 = arith.andi %ge3A_426, %lt3A_348 : vector<16xi1>
          %ge3A_428 = vector.broadcast %reduce_max3A_90 : f32 to vector<16xf32>
          %ge3A_429 = arith.cmpf oge, %gather3A_406, %ge3A_428 : vector<16xf32>
          %and3A_430 = arith.andi %ge3A_429, %lt3A_348 : vector<16xi1>
          %ge3A_431 = vector.broadcast %reduce_max3A_90 : f32 to vector<16xf32>
          %ge3A_432 = arith.cmpf oge, %gather3A_410, %ge3A_431 : vector<16xf32>
          %and3A_433 = arith.andi %ge3A_432, %lt3A_348 : vector<16xi1>
          %jit3A_434 = arith.constant 1 : i32
          %jit3A_435 = arith.constant 0 : i32
          %broadcast_in_dim3A_436 = vector.broadcast %jit3A_434 : i32 to vector<16xi32>
          %broadcast_in_dim3A_437 = vector.broadcast %jit3A_435 : i32 to vector<16xi32>
          %select_n3A_438 = arith.select %and3A_412, %broadcast_in_dim3A_436, %broadcast_in_dim3A_437 : vector<16xi1>, vector<16xi32>
          %jit3A_439 = arith.constant 1 : i32
          %jit3A_440 = arith.constant 0 : i32
          %broadcast_in_dim3A_441 = vector.broadcast %jit3A_439 : i32 to vector<16xi32>
          %broadcast_in_dim3A_442 = vector.broadcast %jit3A_440 : i32 to vector<16xi32>
          %select_n3A_443 = arith.select %and3A_415, %broadcast_in_dim3A_441, %broadcast_in_dim3A_442 : vector<16xi1>, vector<16xi32>
          %jit3A_444 = arith.constant 1 : i32
          %jit3A_445 = arith.constant 0 : i32
          %broadcast_in_dim3A_446 = vector.broadcast %jit3A_444 : i32 to vector<16xi32>
          %broadcast_in_dim3A_447 = vector.broadcast %jit3A_445 : i32 to vector<16xi32>
          %select_n3A_448 = arith.select %and3A_418, %broadcast_in_dim3A_446, %broadcast_in_dim3A_447 : vector<16xi1>, vector<16xi32>
          %jit3A_449 = arith.constant 1 : i32
          %jit3A_450 = arith.constant 0 : i32
          %broadcast_in_dim3A_451 = vector.broadcast %jit3A_449 : i32 to vector<16xi32>
          %broadcast_in_dim3A_452 = vector.broadcast %jit3A_450 : i32 to vector<16xi32>
          %select_n3A_453 = arith.select %and3A_421, %broadcast_in_dim3A_451, %broadcast_in_dim3A_452 : vector<16xi1>, vector<16xi32>
          %jit3A_454 = arith.constant 1 : i32
          %jit3A_455 = arith.constant 0 : i32
          %broadcast_in_dim3A_456 = vector.broadcast %jit3A_454 : i32 to vector<16xi32>
          %broadcast_in_dim3A_457 = vector.broadcast %jit3A_455 : i32 to vector<16xi32>
          %select_n3A_458 = arith.select %and3A_424, %broadcast_in_dim3A_456, %broadcast_in_dim3A_457 : vector<16xi1>, vector<16xi32>
          %jit3A_459 = arith.constant 1 : i32
          %jit3A_460 = arith.constant 0 : i32
          %broadcast_in_dim3A_461 = vector.broadcast %jit3A_459 : i32 to vector<16xi32>
          %broadcast_in_dim3A_462 = vector.broadcast %jit3A_460 : i32 to vector<16xi32>
          %select_n3A_463 = arith.select %and3A_427, %broadcast_in_dim3A_461, %broadcast_in_dim3A_462 : vector<16xi1>, vector<16xi32>
          %jit3A_464 = arith.constant 1 : i32
          %jit3A_465 = arith.constant 0 : i32
          %broadcast_in_dim3A_466 = vector.broadcast %jit3A_464 : i32 to vector<16xi32>
          %broadcast_in_dim3A_467 = vector.broadcast %jit3A_465 : i32 to vector<16xi32>
          %select_n3A_468 = arith.select %and3A_430, %broadcast_in_dim3A_466, %broadcast_in_dim3A_467 : vector<16xi1>, vector<16xi32>
          %jit3A_469 = arith.constant 1 : i32
          %jit3A_470 = arith.constant 0 : i32
          %broadcast_in_dim3A_471 = vector.broadcast %jit3A_469 : i32 to vector<16xi32>
          %broadcast_in_dim3A_472 = vector.broadcast %jit3A_470 : i32 to vector<16xi32>
          %select_n3A_473 = arith.select %and3A_433, %broadcast_in_dim3A_471, %broadcast_in_dim3A_472 : vector<16xi1>, vector<16xi32>
          tpu.vector_store_idx %arg8[%while3A_339], %add3A_357 masked %and3A_412 : memref<16384xi32, #tpu.memory_space<vmem>>[vector<16xi32>], vector<16xi32>, vector<16xi1>
          %add3A_474 = arith.addi %while3A_339, %select_n3A_438 : vector<16xi32>
          tpu.vector_store_idx %arg8[%add3A_474], %add3A_360 masked %and3A_415 : memref<16384xi32, #tpu.memory_space<vmem>>[vector<16xi32>], vector<16xi32>, vector<16xi1>
          %add3A_475 = arith.addi %add3A_474, %select_n3A_443 : vector<16xi32>
          tpu.vector_store_idx %arg8[%add3A_475], %add3A_363 masked %and3A_418 : memref<16384xi32, #tpu.memory_space<vmem>>[vector<16xi32>], vector<16xi32>, vector<16xi1>
          %add3A_476 = arith.addi %add3A_475, %select_n3A_448 : vector<16xi32>
          tpu.vector_store_idx %arg8[%add3A_476], %add3A_366 masked %and3A_421 : memref<16384xi32, #tpu.memory_space<vmem>>[vector<16xi32>], vector<16xi32>, vector<16xi1>
          %add3A_477 = arith.addi %add3A_476, %select_n3A_453 : vector<16xi32>
          tpu.vector_store_idx %arg8[%add3A_477], %add3A_369 masked %and3A_424 : memref<16384xi32, #tpu.memory_space<vmem>>[vector<16xi32>], vector<16xi32>, vector<16xi1>
          %add3A_478 = arith.addi %add3A_477, %select_n3A_458 : vector<16xi32>
          tpu.vector_store_idx %arg8[%add3A_478], %add3A_372 masked %and3A_427 : memref<16384xi32, #tpu.memory_space<vmem>>[vector<16xi32>], vector<16xi32>, vector<16xi1>
          %add3A_479 = arith.addi %add3A_478, %select_n3A_463 : vector<16xi32>
          tpu.vector_store_idx %arg8[%add3A_479], %add3A_375 masked %and3A_430 : memref<16384xi32, #tpu.memory_space<vmem>>[vector<16xi32>], vector<16xi32>, vector<16xi1>
          %add3A_480 = arith.addi %add3A_479, %select_n3A_468 : vector<16xi32>
          tpu.vector_store_idx %arg8[%add3A_480], %add3A_378 masked %and3A_433 : memref<16384xi32, #tpu.memory_space<vmem>>[vector<16xi32>], vector<16xi32>, vector<16xi1>
          %add3A_481 = arith.addi %add3A_480, %select_n3A_473 : vector<16xi32>
          scf.yield %add3A_481 : vector<16xi32>
        }
        %sub3A_177 = arith.subi %while3A_176, %mul3A_24 : vector<16xi32>
        %reduce_max3A_178 = arith.constant true
        %reduce_max3A_179 = vector.broadcast %reduce_max3A_178 : i1 to vector<16xi1>
        %reduce_max3A_180 = arith.constant -2147483648 : i32
        %reduce_max3A_181 = vector.broadcast %reduce_max3A_180 : i32 to vector<16xi32>
        %reduce_max3A_182 = arith.xori %sub3A_177, %reduce_max3A_181 : vector<16xi32>
        %reduce_max3A_183 = tpu.scan <max>, %reduce_max3A_182 masked %reduce_max3A_179 : vector<16xi32>, vector<16xi1> -> vector<16xi32>
        %reduce_max3A_184 = arith.xori %reduce_max3A_183, %reduce_max3A_181 : vector<16xi32>
        %reduce_max3A_185 = vector.extract %reduce_max3A_184[15] : i32 from vector<16xi32>
        %add3A_186 = arith.constant 0 : i32
        %add3A_187 = vector.broadcast %add3A_186 : i32 to vector<16xi32>
        %add3A_188 = arith.addi %mul3A_24, %add3A_187 : vector<16xi32>
        %gather3A = tpu.vector_load_idx %arg8[%add3A_188] : memref<16384xi32, #tpu.memory_space<vmem>>[vector<16xi32>], vector<16xi32>,
        %gt3A = arith.constant 0 : i32
        %gt3A_189 = vector.broadcast %gt3A : i32 to vector<16xi32>
        %gt3A_190 = arith.cmpi sgt, %sub3A_177, %gt3A_189 : vector<16xi32>
        %shift_right_arithmetic3A = arith.constant 7 : i32
        %shift_right_arithmetic3A_191 = vector.broadcast %shift_right_arithmetic3A : i32 to vector<16xi32>
        %shift_right_arithmetic3A_192 = arith.shrsi %gather3A, %shift_right_arithmetic3A_191 : vector<16xi32>
        %and3A_193 = arith.constant 127 : i32
        %and3A_194 = vector.broadcast %and3A_193 : i32 to vector<16xi32>
        %and3A_195 = arith.andi %shift_right_arithmetic3A_192, %and3A_194 : vector<16xi32>
        %and3A_196 = arith.constant 127 : i32
        %and3A_197 = vector.broadcast %and3A_196 : i32 to vector<16xi32>
        %and3A_198 = arith.andi %gather3A, %and3A_197 : vector<16xi32>
        %gather3A_199 = tpu.vector_load_idx %arg5[%and3A_195, %and3A_198] : memref<128x128xf32, #tpu.memory_space<vmem>>[vector<16xi32>, vector<16xi32>], vector<16xf32>,
        %jit3A_200 = arith.constant -9.99999968E+37 : f32
        %broadcast_in_dim3A_201 = vector.broadcast %jit3A_200 : f32 to vector<16xf32>
        %select_n3A_202 = arith.select %gt3A_190, %gather3A_199, %broadcast_in_dim3A_201 : vector<16xi1>, vector<16xf32>
        %masked_sort3A = arith.constant dense<true> : vector<16xi1>
        %masked_sort3A_203, %masked_sort3A_204, %masked_sort3A_205 = tpu.sort %select_n3A_202, %gather3A masked %masked_sort3A : (vector<16xf32>, vector<16xi32>, vector<16xi1>) -> (vector<16xi1>, vector<16xf32>, vector<16xi32>)
        %while3A_206 = arith.constant 1 : i32
        %while3A_207 = arith.subi %reduce_max3A_185, %while3A_206 : i32
        %while3A_208 = arith.addi %while3A_206, %while3A_207 : i32
        %while3A_209 = arith.constant 1 : i32
        %while3A_210 = arith.divsi %while3A_207, %while3A_209 : i32
        %while3A_211 = arith.muli %while3A_210, %while3A_209 : i32
        %while3A_212 = arith.addi %while3A_206, %while3A_211 : i32
        %while3A_213 = arith.constant 1 : i32
        %while3A_214:2 = scf.for %while3A_338 = %while3A_206 to %while3A_212 step %while3A_213 iter_args(%while3A_339 = %masked_sort3A_204, %while3A_340 = %masked_sort3A_205) -> (vector<16xf32>, vector<16xi32>)  : i32 {
          %add3A_341 = vector.broadcast %while3A_338 : i32 to vector<16xi32>
          %add3A_342 = arith.addi %mul3A_24, %add3A_341 : vector<16xi32>
          %gather3A_343 = tpu.vector_load_idx %arg8[%add3A_342] : memref<16384xi32, #tpu.memory_space<vmem>>[vector<16xi32>], vector<16xi32>,
          %gt3A_344 = vector.broadcast %while3A_338 : i32 to vector<16xi32>
          %gt3A_345 = arith.cmpi sgt, %sub3A_177, %gt3A_344 : vector<16xi32>
          %shift_right_arithmetic3A_346 = arith.constant 7 : i32
          %shift_right_arithmetic3A_347 = vector.broadcast %shift_right_arithmetic3A_346 : i32 to vector<16xi32>
          %shift_right_arithmetic3A_348 = arith.shrsi %gather3A_343, %shift_right_arithmetic3A_347 : vector<16xi32>
          %and3A_349 = arith.constant 127 : i32
          %and3A_350 = vector.broadcast %and3A_349 : i32 to vector<16xi32>
          %and3A_351 = arith.andi %shift_right_arithmetic3A_348, %and3A_350 : vector<16xi32>
          %and3A_352 = arith.constant 127 : i32
          %and3A_353 = vector.broadcast %and3A_352 : i32 to vector<16xi32>
          %and3A_354 = arith.andi %gather3A_343, %and3A_353 : vector<16xi32>
          %gather3A_355 = tpu.vector_load_idx %arg5[%and3A_351, %and3A_354] : memref<128x128xf32, #tpu.memory_space<vmem>>[vector<16xi32>, vector<16xi32>], vector<16xf32>,
          %jit3A_356 = arith.constant -9.99999968E+37 : f32
          %broadcast_in_dim3A_357 = vector.broadcast %jit3A_356 : f32 to vector<16xf32>
          %select_n3A_358 = arith.select %gt3A_345, %gather3A_355, %broadcast_in_dim3A_357 : vector<16xi1>, vector<16xf32>
          %masked_sort3A_359 = arith.constant dense<true> : vector<16xi1>
          %masked_sort3A_360, %masked_sort3A_361, %masked_sort3A_362 = tpu.sort %select_n3A_358, %gather3A_343 masked %masked_sort3A_359 {descending = true} : (vector<16xf32>, vector<16xi32>, vector<16xi1>) -> (vector<16xi1>, vector<16xf32>, vector<16xi32>)
          %ge3A = arith.cmpf oge, %while3A_339, %masked_sort3A_361 : vector<16xf32>
          %select_n3A_363 = arith.select %ge3A, %while3A_339, %masked_sort3A_361 : vector<16xi1>, vector<16xf32>
          %select_n3A_364 = arith.select %ge3A, %while3A_340, %masked_sort3A_362 : vector<16xi1>, vector<16xi32>
          %masked_sort3A_365 = arith.constant dense<true> : vector<16xi1>
          %masked_sort3A_366, %masked_sort3A_367, %masked_sort3A_368 = tpu.sort %select_n3A_363, %select_n3A_364 masked %masked_sort3A_365 : (vector<16xf32>, vector<16xi32>, vector<16xi1>) -> (vector<16xi1>, vector<16xf32>, vector<16xi32>)
          scf.yield %masked_sort3A_367, %masked_sort3A_368 : vector<16xf32>, vector<16xi32>
        }
        %while3A_215 = arith.constant 1 : i32
        %while3A_216:2 = scf.for %while3A_338 = %while3A_212 to %while3A_208 step %while3A_215 iter_args(%while3A_339 = %while3A_214#0, %while3A_340 = %while3A_214#1) -> (vector<16xf32>, vector<16xi32>)  : i32 {
          %add3A_341 = vector.broadcast %while3A_338 : i32 to vector<16xi32>
          %add3A_342 = arith.addi %mul3A_24, %add3A_341 : vector<16xi32>
          %gather3A_343 = tpu.vector_load_idx %arg8[%add3A_342] : memref<16384xi32, #tpu.memory_space<vmem>>[vector<16xi32>], vector<16xi32>,
          %gt3A_344 = vector.broadcast %while3A_338 : i32 to vector<16xi32>
          %gt3A_345 = arith.cmpi sgt, %sub3A_177, %gt3A_344 : vector<16xi32>
          %shift_right_arithmetic3A_346 = arith.constant 7 : i32
          %shift_right_arithmetic3A_347 = vector.broadcast %shift_right_arithmetic3A_346 : i32 to vector<16xi32>
          %shift_right_arithmetic3A_348 = arith.shrsi %gather3A_343, %shift_right_arithmetic3A_347 : vector<16xi32>
          %and3A_349 = arith.constant 127 : i32
          %and3A_350 = vector.broadcast %and3A_349 : i32 to vector<16xi32>
          %and3A_351 = arith.andi %shift_right_arithmetic3A_348, %and3A_350 : vector<16xi32>
          %and3A_352 = arith.constant 127 : i32
          %and3A_353 = vector.broadcast %and3A_352 : i32 to vector<16xi32>
          %and3A_354 = arith.andi %gather3A_343, %and3A_353 : vector<16xi32>
          %gather3A_355 = tpu.vector_load_idx %arg5[%and3A_351, %and3A_354] : memref<128x128xf32, #tpu.memory_space<vmem>>[vector<16xi32>, vector<16xi32>], vector<16xf32>,
          %jit3A_356 = arith.constant -9.99999968E+37 : f32
          %broadcast_in_dim3A_357 = vector.broadcast %jit3A_356 : f32 to vector<16xf32>
          %select_n3A_358 = arith.select %gt3A_345, %gather3A_355, %broadcast_in_dim3A_357 : vector<16xi1>, vector<16xf32>
          %masked_sort3A_359 = arith.constant dense<true> : vector<16xi1>
          %masked_sort3A_360, %masked_sort3A_361, %masked_sort3A_362 = tpu.sort %select_n3A_358, %gather3A_343 masked %masked_sort3A_359 {descending = true} : (vector<16xf32>, vector<16xi32>, vector<16xi1>) -> (vector<16xi1>, vector<16xf32>, vector<16xi32>)
          %ge3A = arith.cmpf oge, %while3A_339, %masked_sort3A_361 : vector<16xf32>
          %select_n3A_363 = arith.select %ge3A, %while3A_339, %masked_sort3A_361 : vector<16xi1>, vector<16xf32>
          %select_n3A_364 = arith.select %ge3A, %while3A_340, %masked_sort3A_362 : vector<16xi1>, vector<16xi32>
          %masked_sort3A_365 = arith.constant dense<true> : vector<16xi1>
          %masked_sort3A_366, %masked_sort3A_367, %masked_sort3A_368 = tpu.sort %select_n3A_363, %select_n3A_364 masked %masked_sort3A_365 : (vector<16xf32>, vector<16xi32>, vector<16xi1>) -> (vector<16xi1>, vector<16xf32>, vector<16xi32>)
          scf.yield %masked_sort3A_367, %masked_sort3A_368 : vector<16xf32>, vector<16xi32>
        }
        %reduce_max3A_217 = arith.constant true
        %reduce_max3A_218 = vector.broadcast %reduce_max3A_217 : i1 to vector<16xi1>
        %reduce_max3A_219 = tpu.scan <max>, %while3A_216#0 masked %reduce_max3A_218 : vector<16xf32>, vector<16xi1> -> vector<16xf32>
        %reduce_max3A_220 = vector.extract %reduce_max3A_219[15] : f32 from vector<16xf32>
        %eq3A_221 = arith.constant 7 : i32
        %eq3A_222 = vector.broadcast %eq3A_221 : i32 to vector<16xi32>
        %eq3A_223 = arith.cmpi eq, %iota3A, %eq3A_222 : vector<16xi32>
        %jit3A_224 = arith.constant -9.99999968E+37 : f32
        %broadcast_in_dim3A_225 = vector.broadcast %jit3A_224 : f32 to vector<16xf32>
        %select_n3A_226 = arith.select %eq3A_223, %while3A_216#0, %broadcast_in_dim3A_225 : vector<16xi1>, vector<16xf32>
        %reduce_max3A_227 = arith.constant true
        %reduce_max3A_228 = vector.broadcast %reduce_max3A_227 : i1 to vector<16xi1>
        %reduce_max3A_229 = tpu.scan <max>, %select_n3A_226 masked %reduce_max3A_228 : vector<16xf32>, vector<16xi1> -> vector<16xf32>
        %reduce_max3A_230 = vector.extract %reduce_max3A_229[15] : f32 from vector<16xf32>
        %gt3A_231 = vector.broadcast %reduce_max3A_230 : f32 to vector<16xf32>
        %gt3A_232 = arith.cmpf ogt, %while3A_216#0, %gt3A_231 : vector<16xf32>
        %jit3A_233 = arith.constant 1 : i32
        %jit3A_234 = arith.constant 0 : i32
        %broadcast_in_dim3A_235 = vector.broadcast %jit3A_233 : i32 to vector<16xi32>
        %broadcast_in_dim3A_236 = vector.broadcast %jit3A_234 : i32 to vector<16xi32>
        %select_n3A_237 = arith.select %gt3A_232, %broadcast_in_dim3A_235, %broadcast_in_dim3A_236 : vector<16xi1>, vector<16xi32>
        %reduce_sum3A_238 = arith.constant true
        %reduce_sum3A_239 = vector.broadcast %reduce_sum3A_238 : i1 to vector<16xi1>
        %reduce_sum3A_240 = tpu.scan <sum>, %select_n3A_237 masked %reduce_sum3A_239 : vector<16xi32>, vector<16xi1> -> vector<16xi32>
        %reduce_sum3A_241 = vector.extract %reduce_sum3A_240[15] : i32 from vector<16xi32>
        %sub3A_242 = arith.constant 9 : i32
        %sub3A_243 = arith.subi %sub3A_242, %reduce_sum3A_241 : i32
        %eq3A_244 = vector.broadcast %reduce_max3A_230 : f32 to vector<16xf32>
        %eq3A_245 = arith.cmpf oeq, %select_n3A_202, %eq3A_244 : vector<16xf32>
        %jit3A_246 = arith.constant 1048576 : i32
        %broadcast_in_dim3A_247 = vector.broadcast %jit3A_246 : i32 to vector<16xi32>
        %select_n3A_248 = arith.select %eq3A_245, %gather3A, %broadcast_in_dim3A_247 : vector<16xi1>, vector<16xi32>
        %sort3A_249 = arith.constant dense<true> : vector<16xi1>
        %sort3A_250, %sort3A_251, %sort3A_252 = tpu.sort %select_n3A_248, %select_n3A_248 masked %sort3A_249 : (vector<16xi32>, vector<16xi32>, vector<16xi1>) -> (vector<16xi1>, vector<16xi32>, vector<16xi32>)
        %while3A_253 = arith.constant 1 : i32
        %while3A_254 = arith.subi %reduce_max3A_185, %while3A_253 : i32
        %while3A_255 = arith.addi %while3A_253, %while3A_254 : i32
        %while3A_256 = arith.constant 1 : i32
        %while3A_257 = arith.divsi %while3A_254, %while3A_256 : i32
        %while3A_258 = arith.muli %while3A_257, %while3A_256 : i32
        %while3A_259 = arith.addi %while3A_253, %while3A_258 : i32
        %while3A_260 = arith.constant 1 : i32
        %while3A_261 = scf.for %while3A_338 = %while3A_253 to %while3A_259 step %while3A_260 iter_args(%while3A_339 = %sort3A_251) -> (vector<16xi32>)  : i32 {
          %add3A_340 = vector.broadcast %while3A_338 : i32 to vector<16xi32>
          %add3A_341 = arith.addi %mul3A_24, %add3A_340 : vector<16xi32>
          %gather3A_342 = tpu.vector_load_idx %arg8[%add3A_341] : memref<16384xi32, #tpu.memory_space<vmem>>[vector<16xi32>], vector<16xi32>,
          %gt3A_343 = vector.broadcast %while3A_338 : i32 to vector<16xi32>
          %gt3A_344 = arith.cmpi sgt, %sub3A_177, %gt3A_343 : vector<16xi32>
          %shift_right_arithmetic3A_345 = arith.constant 7 : i32
          %shift_right_arithmetic3A_346 = vector.broadcast %shift_right_arithmetic3A_345 : i32 to vector<16xi32>
          %shift_right_arithmetic3A_347 = arith.shrsi %gather3A_342, %shift_right_arithmetic3A_346 : vector<16xi32>
          %and3A_348 = arith.constant 127 : i32
          %and3A_349 = vector.broadcast %and3A_348 : i32 to vector<16xi32>
          %and3A_350 = arith.andi %shift_right_arithmetic3A_347, %and3A_349 : vector<16xi32>
          %and3A_351 = arith.constant 127 : i32
          %and3A_352 = vector.broadcast %and3A_351 : i32 to vector<16xi32>
          %and3A_353 = arith.andi %gather3A_342, %and3A_352 : vector<16xi32>
          %gather3A_354 = tpu.vector_load_idx %arg5[%and3A_350, %and3A_353] : memref<128x128xf32, #tpu.memory_space<vmem>>[vector<16xi32>, vector<16xi32>], vector<16xf32>,
          %jit3A_355 = arith.constant -9.99999968E+37 : f32
          %broadcast_in_dim3A_356 = vector.broadcast %jit3A_355 : f32 to vector<16xf32>
          %select_n3A_357 = arith.select %gt3A_344, %gather3A_354, %broadcast_in_dim3A_356 : vector<16xi1>, vector<16xf32>
          %eq3A_358 = vector.broadcast %reduce_max3A_230 : f32 to vector<16xf32>
          %eq3A_359 = arith.cmpf oeq, %select_n3A_357, %eq3A_358 : vector<16xf32>
          %jit3A_360 = arith.constant 1048576 : i32
          %broadcast_in_dim3A_361 = vector.broadcast %jit3A_360 : i32 to vector<16xi32>
          %select_n3A_362 = arith.select %eq3A_359, %gather3A_342, %broadcast_in_dim3A_361 : vector<16xi1>, vector<16xi32>
          %sort3A_363 = arith.constant dense<true> : vector<16xi1>
          %sort3A_364, %sort3A_365, %sort3A_366 = tpu.sort %select_n3A_362, %select_n3A_362 masked %sort3A_363 : (vector<16xi32>, vector<16xi32>, vector<16xi1>) -> (vector<16xi1>, vector<16xi32>, vector<16xi32>)
          %rev3A = arith.constant 15 : i32
          %rev3A_367 = vector.broadcast %rev3A : i32 to vector<16xi32>
          %rev3A_368 = tpu.iota {dimensions = array<i32: 0>} : vector<16xi32>
          %rev3A_369 = arith.subi %rev3A_367, %rev3A_368 : vector<16xi32>
          %rev3A_370 = tpu.dynamic_gather %sort3A_365[%rev3A_369] in [0] : vector<16xi32>, vector<16xi32> -> vector<16xi32>
          %min3A = arith.minsi %while3A_339, %rev3A_370 : vector<16xi32>
          %sort3A_371 = arith.constant dense<true> : vector<16xi1>
          %sort3A_372, %sort3A_373, %sort3A_374 = tpu.sort %min3A, %min3A masked %sort3A_371 : (vector<16xi32>, vector<16xi32>, vector<16xi1>) -> (vector<16xi1>, vector<16xi32>, vector<16xi32>)
          scf.yield %sort3A_373 : vector<16xi32>
        }
        %while3A_262 = arith.constant 1 : i32
        %while3A_263 = scf.for %while3A_338 = %while3A_259 to %while3A_255 step %while3A_262 iter_args(%while3A_339 = %while3A_261) -> (vector<16xi32>)  : i32 {
          %add3A_340 = vector.broadcast %while3A_338 : i32 to vector<16xi32>
          %add3A_341 = arith.addi %mul3A_24, %add3A_340 : vector<16xi32>
          %gather3A_342 = tpu.vector_load_idx %arg8[%add3A_341] : memref<16384xi32, #tpu.memory_space<vmem>>[vector<16xi32>], vector<16xi32>,
          %gt3A_343 = vector.broadcast %while3A_338 : i32 to vector<16xi32>
          %gt3A_344 = arith.cmpi sgt, %sub3A_177, %gt3A_343 : vector<16xi32>
          %shift_right_arithmetic3A_345 = arith.constant 7 : i32
          %shift_right_arithmetic3A_346 = vector.broadcast %shift_right_arithmetic3A_345 : i32 to vector<16xi32>
          %shift_right_arithmetic3A_347 = arith.shrsi %gather3A_342, %shift_right_arithmetic3A_346 : vector<16xi32>
          %and3A_348 = arith.constant 127 : i32
          %and3A_349 = vector.broadcast %and3A_348 : i32 to vector<16xi32>
          %and3A_350 = arith.andi %shift_right_arithmetic3A_347, %and3A_349 : vector<16xi32>
          %and3A_351 = arith.constant 127 : i32
          %and3A_352 = vector.broadcast %and3A_351 : i32 to vector<16xi32>
          %and3A_353 = arith.andi %gather3A_342, %and3A_352 : vector<16xi32>
          %gather3A_354 = tpu.vector_load_idx %arg5[%and3A_350, %and3A_353] : memref<128x128xf32, #tpu.memory_space<vmem>>[vector<16xi32>, vector<16xi32>], vector<16xf32>,
          %jit3A_355 = arith.constant -9.99999968E+37 : f32
          %broadcast_in_dim3A_356 = vector.broadcast %jit3A_355 : f32 to vector<16xf32>
          %select_n3A_357 = arith.select %gt3A_344, %gather3A_354, %broadcast_in_dim3A_356 : vector<16xi1>, vector<16xf32>
          %eq3A_358 = vector.broadcast %reduce_max3A_230 : f32 to vector<16xf32>
          %eq3A_359 = arith.cmpf oeq, %select_n3A_357, %eq3A_358 : vector<16xf32>
          %jit3A_360 = arith.constant 1048576 : i32
          %broadcast_in_dim3A_361 = vector.broadcast %jit3A_360 : i32 to vector<16xi32>
          %select_n3A_362 = arith.select %eq3A_359, %gather3A_342, %broadcast_in_dim3A_361 : vector<16xi1>, vector<16xi32>
          %sort3A_363 = arith.constant dense<true> : vector<16xi1>
          %sort3A_364, %sort3A_365, %sort3A_366 = tpu.sort %select_n3A_362, %select_n3A_362 masked %sort3A_363 : (vector<16xi32>, vector<16xi32>, vector<16xi1>) -> (vector<16xi1>, vector<16xi32>, vector<16xi32>)
          %rev3A = arith.constant 15 : i32
          %rev3A_367 = vector.broadcast %rev3A : i32 to vector<16xi32>
          %rev3A_368 = tpu.iota {dimensions = array<i32: 0>} : vector<16xi32>
          %rev3A_369 = arith.subi %rev3A_367, %rev3A_368 : vector<16xi32>
          %rev3A_370 = tpu.dynamic_gather %sort3A_365[%rev3A_369] in [0] : vector<16xi32>, vector<16xi32> -> vector<16xi32>
          %min3A = arith.minsi %while3A_339, %rev3A_370 : vector<16xi32>
          %sort3A_371 = arith.constant dense<true> : vector<16xi1>
          %sort3A_372, %sort3A_373, %sort3A_374 = tpu.sort %min3A, %min3A masked %sort3A_371 : (vector<16xi32>, vector<16xi32>, vector<16xi1>) -> (vector<16xi1>, vector<16xi32>, vector<16xi32>)
          scf.yield %sort3A_373 : vector<16xi32>
        }
        %sub3A_264 = vector.broadcast %reduce_max3A_220 : f32 to vector<16xf32>
        %sub3A_265 = arith.subf %while3A_216#0, %sub3A_264 : vector<16xf32>
        %exp3A = math.exp %sub3A_265 : vector<16xf32>
        %jit3A_266 = arith.constant 0.000000e+00 : f32
        %broadcast_in_dim3A_267 = vector.broadcast %jit3A_266 : f32 to vector<16xf32>
        %select_n3A_268 = arith.select %gt3A_232, %exp3A, %broadcast_in_dim3A_267 : vector<16xi1>, vector<16xf32>
        %broadcast_in_dim3A_269 = vector.broadcast %reduce_max3A_230 : f32 to vector<16xf32>
        %broadcast_in_dim3A_270 = vector.broadcast %reduce_max3A_220 : f32 to vector<16xf32>
        %sub3A_271 = arith.subf %broadcast_in_dim3A_269, %broadcast_in_dim3A_270 : vector<16xf32>
        %exp3A_272 = math.exp %sub3A_271 : vector<16xf32>
        %lt3A_273 = vector.broadcast %sub3A_243 : i32 to vector<16xi32>
        %lt3A_274 = arith.cmpi slt, %iota3A, %lt3A_273 : vector<16xi32>
        %jit3A_275 = arith.constant 0.000000e+00 : f32
        %broadcast_in_dim3A_276 = vector.broadcast %jit3A_275 : f32 to vector<16xf32>
        %select_n3A_277 = arith.select %lt3A_274, %exp3A_272, %broadcast_in_dim3A_276 : vector<16xi1>, vector<16xf32>
        %and3A_278 = arith.constant 127 : i32
        %and3A_279 = vector.broadcast %and3A_278 : i32 to vector<16xi32>
        %and3A_280 = arith.andi %while3A_216#1, %and3A_279 : vector<16xi32>
        %convert_element_type3A_281 = arith.sitofp %and3A_280 : vector<16xi32> to vector<16xf32>
        %shift_right_arithmetic3A_282 = arith.constant 7 : i32
        %shift_right_arithmetic3A_283 = vector.broadcast %shift_right_arithmetic3A_282 : i32 to vector<16xi32>
        %shift_right_arithmetic3A_284 = arith.shrsi %while3A_216#1, %shift_right_arithmetic3A_283 : vector<16xi32>
        %convert_element_type3A_285 = arith.sitofp %shift_right_arithmetic3A_284 : vector<16xi32> to vector<16xf32>
        %and3A_286 = arith.constant 127 : i32
        %and3A_287 = vector.broadcast %and3A_286 : i32 to vector<16xi32>
        %and3A_288 = arith.andi %while3A_263, %and3A_287 : vector<16xi32>
        %convert_element_type3A_289 = arith.sitofp %and3A_288 : vector<16xi32> to vector<16xf32>
        %shift_right_arithmetic3A_290 = arith.constant 7 : i32
        %shift_right_arithmetic3A_291 = vector.broadcast %shift_right_arithmetic3A_290 : i32 to vector<16xi32>
        %shift_right_arithmetic3A_292 = arith.shrsi %while3A_263, %shift_right_arithmetic3A_291 : vector<16xi32>
        %convert_element_type3A_293 = arith.sitofp %shift_right_arithmetic3A_292 : vector<16xi32> to vector<16xf32>
        %add3A_294 = arith.addf %select_n3A_268, %select_n3A_277 : vector<16xf32>
        %mul3A_295 = arith.mulf %select_n3A_268, %convert_element_type3A_281 : vector<16xf32>
        %mul3A_296 = arith.mulf %select_n3A_277, %convert_element_type3A_289 : vector<16xf32>
        %add3A_297 = arith.addf %mul3A_295, %mul3A_296 : vector<16xf32>
        %mul3A_298 = arith.mulf %select_n3A_268, %convert_element_type3A_285 : vector<16xf32>
        %mul3A_299 = arith.mulf %select_n3A_277, %convert_element_type3A_293 : vector<16xf32>
        %add3A_300 = arith.addf %mul3A_298, %mul3A_299 : vector<16xf32>
        %reduce_sum3A_301 = arith.constant true
        %reduce_sum3A_302 = vector.broadcast %reduce_sum3A_301 : i1 to vector<16xi1>
        %reduce_sum3A_303 = tpu.scan <sum>, %add3A_294 masked %reduce_sum3A_302 : vector<16xf32>, vector<16xi1> -> vector<16xf32>
        %reduce_sum3A_304 = vector.extract %reduce_sum3A_303[15] : f32 from vector<16xf32>
        %eq3A_305 = arith.constant 0 : i32
        %eq3A_306 = vector.broadcast %eq3A_305 : i32 to vector<16xi32>
        %eq3A_307 = arith.cmpi eq, %iota3A, %eq3A_306 : vector<16xi32>
        %reduce_sum3A_308 = arith.constant true
        %reduce_sum3A_309 = vector.broadcast %reduce_sum3A_308 : i1 to vector<16xi1>
        %reduce_sum3A_310 = tpu.scan <sum>, %add3A_297 masked %reduce_sum3A_309 : vector<16xf32>, vector<16xi1> -> vector<16xf32>
        %reduce_sum3A_311 = vector.extract %reduce_sum3A_310[15] : f32 from vector<16xf32>
        %reduce_sum3A_312 = arith.constant true
        %reduce_sum3A_313 = vector.broadcast %reduce_sum3A_312 : i1 to vector<16xi1>
        %reduce_sum3A_314 = tpu.scan <sum>, %add3A_300 masked %reduce_sum3A_313 : vector<16xf32>, vector<16xi1> -> vector<16xf32>
        %reduce_sum3A_315 = vector.extract %reduce_sum3A_314[15] : f32 from vector<16xf32>
        %broadcast_in_dim3A_316 = vector.broadcast %reduce_sum3A_311 : f32 to vector<16xf32>
        %broadcast_in_dim3A_317 = vector.broadcast %reduce_sum3A_315 : f32 to vector<16xf32>
        %select_n3A_318 = arith.select %eq3A_307, %broadcast_in_dim3A_316, %broadcast_in_dim3A_317 : vector<16xi1>, vector<16xf32>
        %mul3A_319 = arith.constant 4.000000e+00 : f32
        %mul3A_320 = vector.broadcast %mul3A_319 : f32 to vector<16xf32>
        %mul3A_321 = arith.mulf %select_n3A_318, %mul3A_320 : vector<16xf32>
        %broadcast_in_dim3A_322 = vector.broadcast %reduce_sum3A_304 : f32 to vector<16xf32>
        %div3A_323 = arith.divf %mul3A_321, %broadcast_in_dim3A_322 : vector<16xf32>
        %mul3A_324 = arith.constant 2 : i32
        %mul3A_325 = arith.muli %add3A_50, %mul3A_324 : i32
        %shift_right_arithmetic3A_326 = arith.constant 7 : i32
        %shift_right_arithmetic3A_327 = arith.shrsi %mul3A_325, %shift_right_arithmetic3A_326 : i32
        %broadcast_in_dim3A_328 = vector.broadcast %shift_right_arithmetic3A_327 : i32 to vector<16xi32>
        %mul3A_329 = arith.constant 2 : i32
        %mul3A_330 = arith.muli %add3A_50, %mul3A_329 : i32
        %and3A_331 = arith.constant 127 : i32
        %and3A_332 = arith.andi %mul3A_330, %and3A_331 : i32
        %add3A_333 = vector.broadcast %and3A_332 : i32 to vector<16xi32>
        %add3A_334 = arith.addi %add3A_333, %iota3A : vector<16xi32>
        %lt3A_335 = arith.constant 2 : i32
        %lt3A_336 = vector.broadcast %lt3A_335 : i32 to vector<16xi32>
        %lt3A_337 = arith.cmpi slt, %iota3A, %lt3A_336 : vector<16xi32>
        tpu.vector_store_idx %arg10[%broadcast_in_dim3A_328, %add3A_334], %div3A_323 masked %lt3A_337 : memref<8x128xf32, #tpu.memory_space<vmem>>[vector<16xi32>, vector<16xi32>], vector<16xf32>, vector<16xi1>
      } else {
      }
      %scan3A_56 = arith.constant 0 : i32
      scf.yield %scan3A_56 : i32
    }
    %scan3A_38 = arith.constant 25 : i32
    "tpu.region"() ({
      %run_scoped3A = tpu.sem_alloc : memref<!tpu.dma_semaphore, #tpu.memory_space<semaphore_mem>>
      %dma_start3A_39 = arith.constant 0 : i32
      %dma_start3A_40 = arith.constant 0 : i32
      %dma_start3A_41 = tpu.memref_slice %arg3[%add3A, %dma_start3A_39, %dma_start3A_40] : memref<32x8x128xf32, #tpu.memory_space<hbm>> -> memref<1x8x128xf32, #tpu.memory_space<hbm>>
      %dma_start3A_42 = tpu.memref_squeeze %dma_start3A_41 : memref<1x8x128xf32, #tpu.memory_space<hbm>> -> memref<8x128xf32, #tpu.memory_space<hbm>>
      %dma_start3A_43 = arith.constant 0 : i32
      %dma_start3A_44 = arith.constant 0 : i32
      %dma_start3A_45 = tpu.memref_slice %arg3[%add3A, %dma_start3A_43, %dma_start3A_44] : memref<32x8x128xf32, #tpu.memory_space<hbm>> -> memref<1x8x128xf32, #tpu.memory_space<hbm>>
      %dma_start3A_46 = tpu.memref_squeeze %dma_start3A_45 : memref<1x8x128xf32, #tpu.memory_space<hbm>> -> memref<8x128xf32, #tpu.memory_space<hbm>>
      tpu.enqueue_dma source(%arg10 : memref<8x128xf32, #tpu.memory_space<vmem>>) target(%dma_start3A_46 : memref<8x128xf32, #tpu.memory_space<hbm>>) target_semaphore(%run_scoped3A : memref<!tpu.dma_semaphore, #tpu.memory_space<semaphore_mem>>)
      %dma_wait3A = arith.constant 0 : i32
      %dma_wait3A_47 = arith.constant 0 : i32
      %dma_wait3A_48 = tpu.memref_slice %arg3[%add3A, %dma_wait3A, %dma_wait3A_47] : memref<32x8x128xf32, #tpu.memory_space<hbm>> -> memref<1x8x128xf32, #tpu.memory_space<hbm>>
      %dma_wait3A_49 = tpu.memref_squeeze %dma_wait3A_48 : memref<1x8x128xf32, #tpu.memory_space<hbm>> -> memref<8x128xf32, #tpu.memory_space<hbm>>
      %dma_wait3A_50 = arith.constant 0 : i32
      %dma_wait3A_51 = arith.constant 0 : i32
      %dma_wait3A_52 = tpu.memref_slice %arg3[%add3A, %dma_wait3A_50, %dma_wait3A_51] : memref<32x8x128xf32, #tpu.memory_space<hbm>> -> memref<1x8x128xf32, #tpu.memory_space<hbm>>
      %dma_wait3A_53 = tpu.memref_squeeze %dma_wait3A_52 : memref<1x8x128xf32, #tpu.memory_space<hbm>> -> memref<8x128xf32, #tpu.memory_space<hbm>>
      tpu.wait_dma2 semaphore(%run_scoped3A : memref<!tpu.dma_semaphore, #tpu.memory_space<semaphore_mem>>) src(%arg10 : memref<8x128xf32, #tpu.memory_space<vmem>>) dst(%dma_wait3A_53 : memref<8x128xf32, #tpu.memory_space<hbm>>)
      tpu.yield
    }) : () -> ()
    return
  }
}

</mosaic_0001>

<sc_bundles>
// kernel: _run.3.cloned.1.call-start
scs
__scs_entry_jumppad:
0x0: {  	(pc) =	sbr.rel $0x88, $3  }
0x1: {  	(tag) =	ssettag $0x0;
	lr =	simm.s32 $0x1  }
0x2: {  	[smem:$0x3FA0] =	sst lr;
	_ =	strace $0xD0000000  }
0x3: {  	_ = 	snop  }
0x4: {  	_ = 	snop  }
0x5: {  	_ = 	snop  }
0x6: {  	_ = 	snop  }
0x7: {  	_ = 	snop  }
__scs_overlays_trampoline_lowered:
0x8: {  	[smem:$0x3FAF] =	sst s0  }
0x9: {  	[smem:$0x3FB0] =	sst s1  }
0xa: {  	[smem:$0x3FB1] =	sst s2  }
0xb: {  	[smem:$0x3FB2] =	sst s3  }
0xc: {  	[smem:$0x3FB3] =	sst s4  }
0xd: {  	[smem:$0x3FB4] =	sst s5  }
0xe: {  	[smem:$0x3FB5] =	sst s6  }
0xf: {  	[smem:$0x3FB6] =	sst s7  }
0x10: {  	[smem:$0x3FB7] =	sst s8  }
0x11: {  	[smem:$0x3FB8] =	sst s9;
	s0 =	simm.s32 @!p0 $0x0  }
0x12: {  	s1 =	sld [smem:$0x3F9E];
	s0 =	simm.s32 @p0 $0x1  }
0x13: {  	[smem:$0x3FB9] =	sst s0;
	s0 =	simm.s32 @!p1 $0x0  }
0x14: {  	s2 =	sld [smem:$0x3F9D];
	s0 =	simm.s32 @p1 $0x1  }
0x15: {  	[smem:$0x3FBA] =	sst s0;
	s0 =	simm.s32 @!p2 $0x0  }
0x16: {  	s3 =	sld [smem:$0x3FDB];
	s0 =	simm.s32 @p2 $0x1  }
0x17: {  	s4 =	simm.s32 $0x1BF5;
	[smem:$0x3FBC] =	sst s0  }
0x18: {  	s0 =	sld [smem:$0x3F9F];
	_ =	swait.ge [sflag:s4], $0x0  }
0x19: {  	s7 =	sld [smem:$0x3FA0]  }
0x1a: {  	s8 =	sadd.s32 $0xFFFFE003, lr  }
0x1b: {  	s9 =	sadd.s32 $0xFFFFFEF7, lr;
	s5 =	simm.s32 $0xFFFFFFFF;
	p2 =	slt.u32 s8, $0xFFFFF086  }
0x1c: {  	p1 =	slt.u32 s9, $0xF7A;
	s5 =	simm.s32 @!p2 $0x0  }
0x1d: {  	s5 =	simm.s32 @p1 $0x1;
	p0 =	seq.s32 s7, s2  }
0x1e: {  	s7 =	smul.u32 @!p0 $0xF7A, s2;
	p2 =	seq.s32 @!p0 s5, $0x0  }
0x1f: {  	s9 =	smul.u32 $0xF7A, s1;
	s8 =	simm.s32 @!p0 $0x1BF5;
	p2 =	por !p2, p0  }
0x20: {  	[sflag:s8] =	ssyncset.s32 @!p0 $0xFFFFF086;
	s6 =	sadd.s32 @!p0 s3, s7;
	s7 =	simm.s32 @!p0 $0x108  }
0x21: {  	s3 =	sadd.s32 s3, s9;
	s6 =	sadd.s32 @!p0 $0x88, s6;
	s7 =	simm.s32 @p2 $0x1082  }
0x22: {  	[simem:s7], [sflag:s8] =	dma.local @!p0 [hbm:s6], $0xF7A  }
0x23: {  	s9 =	sor.u32 $0xD0000000, s2;
	s6 =	simm.s32 $0x108;
	_ =	swait.ge @!p0 [sflag:s8], $0x0  }
0x24: {  	s3 =	sadd.s32 $0x88, s3;
	s6 =	simm.s32 @!p1 $0x1082;
	[sflag:s4] =	ssyncset.s32 $0xFFFFF086  }
0x25: {  	[simem:s6], [sflag:s4] =	dma.local [hbm:s3], $0xF7A  }
0x26: {  	[smem:$0x3FA0] =	sst s1;
	(tag) =	ssettag s2;
	_ =	strace s9  }
0x27: {  	s1 =	sld [smem:$0x3FB0]  }
0x28: {  	s2 =	sld [smem:$0x3FB1]  }
0x29: {  	s4 =	sld [smem:$0x3FB3]  }
0x2a: {  	p0 =	seq.s32 s5, $0x0;
	s5 =	sld [smem:$0x3FB4]  }
0x2b: {  	s6 =	sld [smem:$0x3FB5]  }
0x2c: {  	s7 =	sld [smem:$0x3FB6]  }
0x2d: {  	s3 =	simm.s32 $0x108;
	s8 =	sld [smem:$0x3FB7]  }
0x2e: {  	s3 =	simm.s32 @!p0 $0x1082;
	s9 =	sld [smem:$0x3FB8]  }
0x2f: {  	lr =	sadd.s32 s0, s3;
	s0 =	sld [smem:$0x3FAF]  }
0x30: {  	s3 =	sld [smem:$0x3FB2]  }
0x31: {  	[smem:$0x3FBB] =	sst s10  }
0x32: {  	s10 =	sld [smem:$0x3FB9];
	_ =	sdelay $0x3  }
0x33: {  	p0 =	seq.s32 s10, $0x1;
	s10 =	sld [smem:$0x3FBB];
	_ =	sdelay $0x3  }
0x34: {  	[smem:$0x3FBB] =	sst s10  }
0x35: {  	s10 =	sld [smem:$0x3FBA];
	_ =	sdelay $0x3  }
0x36: {  	p1 =	seq.s32 s10, $0x1;
	s10 =	sld [smem:$0x3FBB];
	_ =	sdelay $0x3  }
0x37: {  	[smem:$0x3FBB] =	sst s10  }
0x38: {  	s10 =	sld [smem:$0x3FBC]  }
0x39: {  	_ = 	snop;
	(pc) =	sbr.ind lr, $3  }
0x3a: {  	_ = 	snop  }
0x3b: {  	_ = 	snop  }
0x3c: {  	p2 =	seq.s32 s10, $0x1;
	s10 =	sld [smem:$0x3FBB]  }
0x3d: {  	_ =	shalt  }
0x3e: {  	_ =	shalt  }
0x3f: {  	_ =	shalt  }
0x40: {  	_ =	shalt  }
0x41: {  	_ =	shalt  }
0x42: {  	_ =	shalt  }
0x43: {  	_ =	shalt  }
0x44: {  	_ =	shalt  }
0x45: {  	_ =	shalt  }
0x46: {  	_ =	shalt  }
0x47: {  	_ =	shalt  }
0x48: {  	_ =	shalt  }
0x49: {  	_ =	shalt  }
0x4a: {  	_ =	shalt  }
0x4b: {  	_ =	shalt  }
0x4c: {  	_ =	shalt  }
0x4d: {  	_ =	shalt  }
0x4e: {  	_ =	shalt  }
0x4f: {  	_ =	shalt  }
0x50: {  	_ =	shalt  }
0x51: {  	_ =	shalt  }
0x52: {  	_ =	shalt  }
0x53: {  	_ =	shalt  }
0x54: {  	_ =	shalt  }
0x55: {  	_ =	shalt  }
0x56: {  	_ =	shalt  }
0x57: {  	_ =	shalt  }
0x58: {  	_ =	shalt  }
0x59: {  	_ =	shalt  }
0x5a: {  	_ =	shalt  }
0x5b: {  	_ =	shalt  }
0x5c: {  	_ =	shalt  }
0x5d: {  	_ =	shalt  }
0x5e: {  	_ =	shalt  }
0x5f: {  	_ =	shalt  }
0x60: {  	_ =	shalt  }
0x61: {  	_ =	shalt  }
0x62: {  	_ =	shalt  }
0x63: {  	_ =	shalt  }
0x64: {  	_ =	shalt  }
0x65: {  	_ =	shalt  }
0x66: {  	_ =	shalt  }
0x67: {  	_ =	shalt  }
0x68: {  	_ =	shalt  }
0x69: {  	_ =	shalt  }
0x6a: {  	_ =	shalt  }
0x6b: {  	_ =	shalt  }
0x6c: {  	_ =	shalt  }
0x6d: {  	_ =	shalt  }
0x6e: {  	_ =	shalt  }
0x6f: {  	_ =	shalt  }
0x70: {  	_ =	shalt  }
0x71: {  	_ =	shalt  }
0x72: {  	_ =	shalt  }
0x73: {  	_ =	shalt  }
0x74: {  	_ =	shalt  }
0x75: {  	_ =	shalt  }
0x76: {  	_ =	shalt  }
0x77: {  	_ =	shalt  }
0x78: {  	_ =	shalt  }
0x79: {  	_ =	shalt  }
0x7a: {  	_ =	shalt  }
0x7b: {  	_ =	shalt  }
0x7c: {  	_ =	shalt  }
0x7d: {  	_ =	shalt  }
0x7e: {  	_ =	shalt  }
0x7f: {  	_ =	shalt  }
0x80: {  	_ =	shalt  }
0x81: {  	_ =	shalt  }
0x82: {  	_ =	shalt  }
0x83: {  	_ =	shalt  }
0x84: {  	_ =	shalt  }
0x85: {  	_ =	shalt  }
0x86: {  	_ =	shalt  }
0x87: {  	_ =	shalt  }
.Lfunc_end0:
.L_simem_size_0:
called_computation_lowered:
.L_overlay_start_0:
0x88: {  	s2 =	sld [smem:$0x3FD9]  }
0x89: {  	s3 =	sld [smem:$0x3FFE];
	_ =	sdelay $0x1  }
0x8a: {  	s1 =	srdreg.scid  }
0x8b: {  	s0 =	sand.u32 $0x1, s1  }
0x8c: {  	s18 =	sshll.u32 s0, $0xA;
	s2 =	sadd.s32 s3, s2  }
0x8d: {  	s2 =	sadd.s32 s2, s18  }
0x8e: {  	[smem:$0x3FC7] =	sst s2  }
0x8f: {  	_ = 	snop  }
0x90: {  	s2 =	sld [smem:$0x3FC9]  }
0x91: {  	s19 =	sld [smem:$0x3FD0];
	(tm) =	ssettm $0x1  }
0x92: {  	s4 =	sld [smem:$0x3FFB];
	_ =	sdelay $0x3  }
0x93: {  	_ =	strace s4  }
0x94: {  	s4 =	sld [smem:$0x3FFC];
	_ =	sdelay $0x3  }
0x95: {  	_ =	strace s4  }
0x96: {  	s4 =	sld [smem:$0x3FFD];
	_ =	sdelay $0x3  }
0x97: {  	_ =	strace s4  }
0x98: {  	_ =	strace $0x8FFFFFFF  }
0x99: {  	s20 =	sld [smem:$0x3FDB];
	_ =	sdelay $0x1  }
0x9a: {  	s5 =	simm.s32 $_scs_section_size  }
0x9b: {  	s6 =	simm.s32 $_size__tile_overlayer_lowered;
	s7 =	simm.s32 $_tile_overlayer_lowered  }
0x9c: {  	s23 =	simm.s32 $0x1BFF;
	s22 =	sshll.u32 s7, $0x1;
	s4 =	sadd.s32 s5, s20  }
0x9d: {  	s8 =	simm.s32 $0x0;
	s21 =	sshll.u32 s6, $0x1;
	s6 =	sadd.s32 s22, s4  }
0x9e: {  	[timem:s8], [sflag:s23] =	dma.local [hbm:s6], s21  }
0x9f: {  	_ =	swait.ge [sflag:s23], s21  }
0xa0: {  	s5 =	ssub.s32 $0x0, s21;
	[sflag:s23] =	ssyncset.done $0x0  }
0xa1: {  	[sflag:s23] =	ssyncadd.s32 s5;
	_ =	sdelay $0x1  }
0xa2: {  	s24 =	simm.s32 $0x1B8B  }
0xa3: {  	_ =	swait.ge [sflag:s24], $0x1  }
0xa4: {  	[sflag:s24] =	ssyncset.done $0x0  }
0xa5: {  	s25 =	simm.s32 $0x1B8E;
	[sflag:s24] =	ssyncadd.s32 $0xFFFFFFFF  }
0xa6: {  	s26 =	simm.s32 $execute0_lowered;
	[smem:$0x3FD2] =	sst s25  }
0xa7: {  	s5 =	sshll.u32 s26, $0x1;
	_ =	strace $0x80000046;
	[dreg:$0x1] =	wrdreg $0xFFFFFFFF  }
0xa8: {  	s28 =	simm.s32 $_size_execute0_lowered;
	s4 =	sadd.s32 s4, s5;
	[dreg:$0x0] =	wrdreg $0x0  }
0xa9: {  	s5 =	sshll.u32 s28, $0x1;
	[dreg:$0x2] =	wrdreg s4  }
0xaa: {  	[dreg:$0x3] =	wrdreg s5  }
0xab: {  	[dreg:$0x4] =	wrdreg $0xC0  }
0xac: {  	_ =	task [dreg:s8], $0x5FFFF  }
0xad: {  	[dreg:$0x1] =	wrdreg $0xFFFFFFFF  }
0xae: {  	[dreg:$0x0] =	wrdreg $0x60  }
0xaf: {  	[dreg:$0x2] =	wrdreg s2  }
0xb0: {  	[dreg:$0x3] =	wrdreg s19  }
0xb1: {  	[dreg:$0x4] =	wrdreg $0x9  }
0xb2: {  	_ =	task.clear_ibuf [dreg:s8], $0x5FFFF;
	_ =	strace $0x90000046  }
0xb3: {  	s29 =	simm.s32 $0x9;
	_ =	strace $0x80000048  }
0xb4: {  	_ =	swait.ge [sflag:s29], $0x1  }
0xb5: {  	[sflag:s29] =	ssyncadd.s32 $0xFFFFFFFF  }
0xb6: {  	_ =	strace $0x90000048  }
0xb7: {  	_ =	sfence  }
0xb8: {  	s30 =	sld [smem:$0x0];
	_ =	sdelay $0x2  }
0xb9: {  	s31 =	sshll.u32 s1, $0xD;
	s1 =	sshrl.u32 s1, $0x2  }
0xba: {  	s3 =	sand.u32 $0x4000, s31;
	s1 =	sadd.s32 s1, s30  }
0xbb: {  	s0 =	sor.u32 s3, s0;
	s1 =	sshll.u32 s1, $0x11  }
0xbc: {  	s0 =	sor.u32 s1, s0  }
0xbd: {  	s0 =	sadd.s32 $0x8F2B, s0  }
0xbe: {  	[sflag:s0] =	ssyncadd.remote.s32 $0x1  }
0xbf: {  	_ =	sfence.sel $0xFFFF  }
0xc0: {  	[dreg:$0x0] =	wrdreg $0xFFFFFFFF;
	(pc) =	sbr.abs _section_cstart, $3  }
0xc1: {  	[dreg:$0x1] =	wrdreg $0xFFFFFFFF  }
0xc2: {  	_ =	task.clear_ibuf [dreg:s8], $0x2FFFF;
	_ =	strace $0x9FFFFFFF  }
0xc3: {  	(tm) =	ssettm $0x7FFFFFFF  }
tec
execute0_lowered:
.L_overlay_start_1:
0x0: {  	(tag) =	ssettag $0x1  }
0x1: {  	s1 =	srdreg.scid;
	s0 =	stileid.u32  }
0x2: {  	s4 =	sand.u32 $0x1, s1;
	s31 =	sshll.u32 s0, $0x1  }
0x3: {  	s6 =	sor.u32 s4, s31  }
0x4: {  	s2 =	rddreg [dreg:$0x0];
	p1 =	seq.s32 s4, $0x1;
	p0 =	seq.s32 s6, $0x0  }
0x5: {  	s8 =	rddreg [dreg:$0x1];
	s12 =	simm.s32 $0xC800;
	p0 =	por !p0, !p1  }
0x6: {  	s13 =	simm.s32 $0x14800;
	s1 =	simm.s32 $0x1;
	p0 =	por !p0, !p0  }
0x7: {  	s14 =	simm.s32 $0x2;
	s15 =	simm.s32 $0x4000;
	s1 =	simm.s32 @!p0 $0x0  }
0x8: {  	s16 =	simm.s32 $0x3;
	s4 =	ssub.s32 $0x2, s4;
	s1 =	ssub.s32 s0, s1  }
0x9: {  	s17 =	simm.s32 $0x0;
	s10 =	sshrl.u32 s4, $0x1;
	s3 =	sshll.u32 s1, $0x1  }
0xa: {  	s11 =	sshll.u32 s6, $0x7;
	s7 =	smul.u32 $0x310000, s1;
	s5 =	ssub.s32 s6, s3  }
0xb: {  	s10 =	ssub.s32 s4, s10;
	s4 =	simm.s32 $0x1;
	s9 =	smul.u32 $0xC4000, s5  }
.Ltmp0:
0xc: {  	s8 =	sadd.s32 s8, s11;
	s11 =	simm.s32 $0x10800;
	(pc) =	sbr.rel .LBB2_1-.Ltmp0, $4  }
0xd: {  	s1 =	rddreg [dreg:$0x2];
	s3 =	simm.s32 $0x0;
	s9 =	sadd.s32 s9, s7  }
0xe: {  	v0 =	vlaneseq.u32;
	[smem:$0x7FF] =	sst s3;
	s5 =	smul.u32 $0x31, s5;
	s9 =	sadd.s32 $0x188000, s9  }
0xf: {  	vm0 =	vcmask $0x1B20;
	v1 =	vimm.s32 $0x0;
	v3 =	vmul.u32 $0x80, v0;
	_ =	strace $0x80000047;
	s7 =	sadd.s32 $0x18C000, s7;
	s9 =	sshrl.u32 s9, $0x3  }
0x10: {  	v2 =	vmul.u32 $0xFFFFFF80, v0;
	v4 =	vmul.u32 $0x400, v0;
	v5 =	vmul.u32 $0xFFFFFC00, v0;
	s6 =	sadd.s32 s2, s9;
	s9 =	smax.u32 s10, $0x1;
	s10 =	simm.s32 $0xC000  }
.LBB2_69:
0x11: {  	s17 =	sadd.s32 $0x1, s17  }
0x12: {  	p0 =	sne.s32 s17, s9  }
.Ltmp1:
0x13: {  	_ = 	snop;
	(pc) =	sbr.rel @!p0 .LBB2_70-.Ltmp1, $4  }
0x14: {  	[hbm4b:s8+s3] =	stream.linear.scatter [tilespmem:s13], [sflag:$0x3], $0x400, $0x38;
	[tilespmem:$0x14C00] =	vst v63  }
0x15: {  	_ =	swait.ge [sflag:s16], $0x400  }
0x16: {  	[sflag:s16] =	ssyncset.done $0x0  }
0x17: {  	[sflag:s16] =	ssyncadd.s32 $0xFFFFFC00  }
.LBB2_1:
.Ltmp2:
0x18: {  	(pc) =	sbr.rel .LBB2_2-.Ltmp2, $3  }
0x19: {  	_ =	sdelay $0x1  }
0x1a: {  	[tilespmem:s3], [sflag:$0x1] =	stream.linear.gather [hbm4b:s6+s3], $0x4000, $0x38;
	[tilespmem:$0x14C00] =	vst v63  }
0x1b: {  	s18 =	simm.s32 $0x0  }
.LBB2_61:
0x1c: {  	_ = 	snop  }
.LBB2_66:
0x1d: {  	_ =	sdelay $0x3  }
0x1e: {  	v13 =	vld.idx.msk [tilespmem:v14+s15+$0x0], $0xffff;
	v14 =	vmul.u32 @p0 $0xFFFFFFFF, v0;
	_ =	sdelay $0x3  }
0x1f: {  	vm3 =	vgt.s32 v8, s22;
	v8 =	vadd.s32 @p0 $0xF, v14;
	v14, _, _ =	vpop @p0 (xrf1)  }
0x20: {  	v13 =	vnsel vm3, $0xFE967699, v13;
	v8 =	vperm.xlane @p0 v14, v8;
	v14, _, _ =	vpop @p1 (xrf1)  }
0x21: {  	vm3 =	veq.f32 v13, v11;
	v13 =	vpsel p1, v14, v9  }
0x22: {  	v12 =	vnsel vm3, $0x100000, v12;
	vm3 =	vlt.s32 @p0 v13, v8  }
0x23: {  	(xrf1) =	vsort.ascd.msk.u32 $0xffff, v12, v12;
	v8 =	vsel @p0 vm3, v13, v8  }
0x24: {  	(xrf1) =	vsort.ascd.msk.u32 @p0 $0xffff, v8, v8;
	_ =	sdelay $0xa  }
0x25: {  	v8 =	vmul.u32 $0xFFFFFFFF, v0;
	_ =	sdelay $0x1  }
0x26: {  	v8 =	vadd.s32 $0xF, v8;
	v12, _, _ =	vpop (xrf1)  }
0x27: {  	v8 =	vperm.xlane v12, v8;
	v12, _, _ =	vpop @p0 (xrf1)  }
0x28: {  	v9 =	vpsel p0, v12, v9  }
0x29: {  	vm3 =	vlt.s32 v9, v8  }
0x2a: {  	v8 =	vsel vm3, v9, v8  }
0x2b: {  	(xrf1) =	vsort.ascd.msk.u32 $0xffff, v8, v8;
	_ =	sdelay $0xd  }
0x2c: {  	v9, _, _ =	vpop (xrf1)  }
.LBB2_67:
0x2d: {  	v8 =	vbroadcast v10, $0xF;
	_ =	sdelay $0x1  }
0x2e: {  	v7 =	vsub.f32 v7, v8  }
0x2f: {  	v8 =	vsub.f32 v11, v8  }
0x30: {  	v7 =	vmul.f32 $1.442695020e+00, v7  }
0x31: {  	v8 =	vmul.f32 $1.442695020e+00, v8  }
0x32: {  	(erf) = vpow2.f32 v7  }
0x33: {  	(erf) = vpow2.f32 v8;
	_ =	sdelay $0x6  }
0x34: {  	s20 =	ssub.s32 $0x9, s21  }
0x35: {  	v56 =	vmov s20;
	v7 =	vpop (erf)  }
0x36: {  	vm3 =	vgt.s32 v56, v0;
	v57 =	vpop (erf)  }
0x37: {  	v7 =	vnsel vm2, $0x0, v7;
	v8 =	vnsel vm3, $0x0, v57  }
0x38: {  	v59 =	vadd.f32 v8, v7  }
0x39: {  	v58 =	vand.u32 $0x7F, v6;
	v12 =	vand.u32 $0x7F, v9;
	v6 =	vshra.s32 v6, $0x7  }
0x3a: {  	v60 =	vshra.s32 v9, $0x7;
	v10 =	vcvt.s32.f32 v58;
	v12 =	vcvt.s32.f32 v12;
	(xrf2) =	vadd.scan.msk.f32 $0xffff, v59  }
0x3b: {  	v6 =	vcvt.s32.f32 v6;
	v9 =	vcvt.s32.f32 v60  }
0x3c: {  	v10 =	vmul.f32 v10, v7;
	v61 =	vmul.f32 v12, v8  }
0x3d: {  	v6 =	vmul.f32 v6, v7;
	v7 =	vmul.f32 v9, v8  }
0x3e: {  	v62 =	vadd.f32 v61, v10  }
0x3f: {  	v6 =	vadd.f32 v7, v6  }
0x40: {  	(xrf2) =	vadd.scan.msk.f32 $0xffff, v62  }
0x41: {  	(xrf2) =	vadd.scan.msk.f32 $0xffff, v6;
	_ =	sdelay $0x2  }
0x42: {  	v6, _, _ =	vpop (xrf2)  }
0x43: {  	v6 =	vbroadcast v6, $0xF;
	_ =	sdelay $0x1  }
0x44: {  	(erf) = vrcp.f32 v6;
	_ =	sdelay $0x2  }
0x45: {  	v6, _, _ =	vpop (xrf2)  }
0x46: {  	v7, _, _ =	vpop (xrf2)  }
0x47: {  	v6 =	vbroadcast v6, $0xF;
	v7 =	vbroadcast v7, $0xF  }
0x48: {  	s19 =	sshll.u32 s19, $0x1  }
0x49: {  	v6 =	vsel vm1, v6, v7;
	v7 =	vadd.s32 s19, v0  }
0x4a: {  	v6 =	vmul.f32 $4.000000000e+00, v6  }
0x4b: {  	v63 =	vpop (erf)  }
0x4c: {  	v6 =	vmul.f32 v6, v63;
	_ =	sdelay $0x1  }
0x4d: {  	[tilespmem:v7+s13+$0x0] =	vst.idx.msk $0x3, v6  }
.LBB2_68:
0x4e: {  	s18 =	sadd.s32 $0x1, s18  }
0x4f: {  	p0 =	sne.s32 s18, $0x19  }
.Ltmp3:
0x50: {  	_ = 	snop;
	(pc) =	sbr.rel @!p0 .LBB2_69-.Ltmp3, $1  }
0x51: {  	_ =	sdelay $0x3  }
.LBB2_2:
0x52: {  	s19 =	sshllo.u32 s18, $0x1  }
0x53: {  	s20 =	sshll.u32 s18, $0x1;
	p0 =	sgt.u32 s19, $0x30  }
0x54: {  	s20 =	sadd.s32 @!p0 s5, s20  }
0x55: {  	s20 =	sshll.u32 @!p0 s20, $0xE  }
0x56: {  	s20 =	sadd.s32 @!p0 s20, s7  }
0x57: {  	s20 =	sshrl.u32 @!p0 s20, $0x3  }
0x58: {  	s21 =	simm.s32 @!p0 $0x0;
	s22 =	simm.s32 @!p0 $0x4000;
	s20 =	sadd.s32 @!p0 s2, s20  }
0x59: {  	[tilespmem:s22], [sflag:$0x2] =	stream.linear.gather @!p0 [hbm4b:s20+s21], $0x4000, $0x38;
	[tilespmem:$0x14C00] =	vst v63  }
0x5a: {  	_ =	swait.ge [sflag:s4], $0x4000  }
0x5b: {  	[sflag:s4] =	ssyncset.done $0x0  }
0x5c: {  	s20 =	simm.s32 $0x0;
	[sflag:s4] =	ssyncadd.s32 $0xFFFFC000  }
0x5d: {  	v6 =	vld [tilespmem:s20+$0x0]  }
0x5e: {  	v7 =	vld [tilespmem:s20+$0x10]  }
0x5f: {  	v11 =	vld [tilespmem:s20+$0x20]  }
0x60: {  	v13 =	vld [tilespmem:s20+$0x30]  }
0x61: {  	v14 =	vld [tilespmem:s20+$0x40]  }
0x62: {  	v15 =	vld [tilespmem:s20+$0x50]  }
0x63: {  	v16 =	vld [tilespmem:s20+$0x60]  }
0x64: {  	s21 =	simm.s32 $0x80;
	v17 =	vld [tilespmem:s20+$0x70]  }
0x65: {  	v9 =	vld [tilespmem:s21+$0x0]  }
0x66: {  	v12 =	vld [tilespmem:s21+$0x10]  }
0x67: {  	v10 =	vld [tilespmem:s21+$0x20]  }
0x68: {  	v8 =	vld [tilespmem:s21+$0x30];
	v7 =	vmax.f32 v6, v7  }
0x69: {  	v6 =	vld [tilespmem:s21+$0x40];
	v13 =	vmax.f32 v11, v13;
	v14 =	vmax.f32 v14, v15;
	v15 =	vmax.f32 v16, v17  }
0x6a: {  	v11 =	vld [tilespmem:s21+$0x50];
	v63 =	vmax.f32 v7, v13;
	v14 =	vmax.f32 v14, v15  }
0x6b: {  	s22 =	simm.s32 $0x400;
	v7 =	vimm.f32 $-9.999999680e+37;
	v13 =	vld [tilespmem:s21+$0x60];
	v14 =	vmax.f32 v63, v14  }
.LBB2_3:
0x6c: {  	p1 =	sne.s32 s22, $0xFE00;
	v15 =	vld [tilespmem:s21+$0x70];
	[tilespmem:s20+$0x8000] =	vst v14;
	v7 =	vmax.f32 v7, v14;
	v14 =	vmov v10;
	s20 =	smov.u32 s21;
	s21 =	sshra.s32 s22, $0x2  }
0x6d: {  	v16 =	vld [tilespmem:s21+$0x0];
	v17 =	vmov v8  }
0x6e: {  	v18 =	vld [tilespmem:s21+$0x10]  }
.Ltmp4:
0x6f: {  	v10 =	vld [tilespmem:s21+$0x20];
	(pc) =	sbr.rel @p1 .LBB2_3-.Ltmp4, $4  }
0x70: {  	v19 =	vmax.f32 v9, v12;
	v8 =	vld [tilespmem:s21+$0x30]  }
0x71: {  	v17 =	vmax.f32 v14, v17;
	v14 =	vmax.f32 v6, v11;
	v6 =	vld [tilespmem:s21+$0x40];
	v13 =	vmax.f32 v13, v15  }
0x72: {  	v15 =	vmax.f32 v19, v17;
	v11 =	vld [tilespmem:s21+$0x50];
	v14 =	vmax.f32 v14, v13;
	v9 =	vmov v16  }
0x73: {  	s22 =	sadd.s32 $0x200, s22;
	v13 =	vld [tilespmem:s21+$0x60];
	v14 =	vmax.f32 v15, v14;
	v12 =	vmov v18  }
0x74: {  	v15 =	vld [tilespmem:s21+$0x70];
	_ =	sdelay $0x3  }
0x75: {  	v9 =	vmax.f32 v9, v12  }
0x76: {  	v8 =	vmax.f32 v10, v8;
	v6 =	vmax.f32 v6, v11;
	v10 =	vmax.f32 v13, v15  }
0x77: {  	v8 =	vmax.f32 v9, v8;
	v6 =	vmax.f32 v6, v10  }
0x78: {  	v7 =	vmax.f32 v7, v14;
	v6 =	vmax.f32 v8, v6  }
0x79: {  	v7 =	vmax.f32 v7, v6  }
0x7a: {  	(xrf1) =	vsort.ascd.msk.f32 $0xffff, v7, v7;
	_ =	sdelay $0xd  }
0x7b: {  	[tilespmem:s20+$0x8000] =	vst v14;
	v7, _, _ =	vpop (xrf1)  }
0x7c: {  	s31 =	simm.s32 $0x0;
	[tilespmem:s21+$0x8000] =	vst v6;
	v7 =	vsel vm0, $0xFE967699, v7  }
0x7d: {  	v11 =	vld [tilespmem:s31+$0x8280];
	(xrf0) =	vmax.scan.msk.f32 $0xffff, v7  }
0x7e: {  	v12 =	vld [tilespmem:s31+$0x8200]  }
0x7f: {  	v13 =	vld [tilespmem:s31+$0x8180]  }
0x80: {  	v15 =	vld [tilespmem:s31+$0x8080];
	v7 =	vlaneseq.u32  }
0x81: {  	v16 =	vld [tilespmem:s31+$0x8000];
	v17 =	vmul.u32 $0x80, v7  }
0x82: {  	v14 =	vld [tilespmem:s31+$0x8100];
	v8 =	vadd.s32 $0x600, v7;
	v9 =	vadd.s32 $0x800, v7;
	v20 =	vadd.s32 $0x400, v7  }
0x83: {  	v18 =	vld [tilespmem:s31+$0x8300];
	v21 =	vadd.s32 $0x480, v7;
	v10 =	vadd.s32 $0x500, v7;
	v23 =	vadd.s32 $0x280, v7;
	v6, _, _ =	vpop (xrf0)  }
0x84: {  	v19 =	vld [tilespmem:s31+$0x8380];
	v24 =	vadd.s32 $0x300, v7;
	v25 =	vadd.s32 $0x380, v7;
	v6 =	vbroadcast v6, $0xF  }
0x85: {  	v22 =	vld [tilespmem:s31+$0x8400];
	v27 =	vadd.s32 $0x100, v7;
	v28 =	vadd.s32 $0x180, v7;
	v29 =	vadd.s32 $0x200, v7  }
0x86: {  	v26 =	vld [tilespmem:s31+$0x8480];
	vm1 =	vge.f32 v16, v6;
	vm2 =	vge.f32 v15, v6;
	v15 =	vadd.s32 $0x80, v7  }
0x87: {  	v30 =	vld [tilespmem:s31+$0x8500];
	vm3 =	vge.f32 v14, v6;
	vm4 =	vge.f32 v13, v6;
	v14 =	vsel vm1, $0x1, v1  }
0x88: {  	v32 =	vld [tilespmem:s31+$0x8680];
	vm5 =	vge.f32 v12, v6;
	v31 =	vsel vm2, $0x1, v1;
	v14 =	vadd.s32 v14, v17  }
0x89: {  	v33 =	vld [tilespmem:s31+$0x8600];
	vm6 =	vge.f32 v11, v6;
	v13 =	vsel vm3, $0x1, v1;
	v31 =	vadd.s32 v31, v14  }
0x8a: {  	v16 =	vld [tilespmem:s31+$0x8580];
	vm7 =	vge.f32 v18, v6;
	v12 =	vsel vm4, $0x1, v1;
	v13 =	vadd.s32 v13, v31  }
0x8b: {  	v34 =	vld [tilespmem:s31+$0x8700];
	vm8 =	vge.f32 v19, v6;
	v11 =	vsel vm5, $0x1, v1;
	v12 =	vadd.s32 v12, v13  }
0x8c: {  	v35 =	vld [tilespmem:s31+$0x8780];
	vm9 =	vge.f32 v22, v6;
	v18 =	vsel vm6, $0x1, v1;
	[tilespmem:v17+s10+$0x0] =	vst.idx.msk vm1, v7;
	v11 =	vadd.s32 v11, v12  }
0x8d: {  	vm10 =	vge.f32 v26, v6;
	v19 =	vsel vm7, $0x1, v1;
	[tilespmem:v14+s10+$0x0] =	vst.idx.msk vm2, v15;
	v14 =	vadd.s32 v18, v11  }
0x8e: {  	v17 =	vsel vm8, $0x1, v1;
	vm1 =	vge.f32 v30, v6;
	[tilespmem:v31+s10+$0x0] =	vst.idx.msk vm3, v27;
	v18 =	vadd.s32 v19, v14  }
0x8f: {  	v15 =	vsel vm9, $0x1, v1;
	vm2 =	vge.f32 v16, v6;
	[tilespmem:v13+s10+$0x0] =	vst.idx.msk vm4, v28;
	v17 =	vadd.s32 v17, v18  }
0x90: {  	v19 =	vsel vm10, $0x1, v1;
	vm3 =	vge.f32 v33, v6;
	[tilespmem:v12+s10+$0x0] =	vst.idx.msk vm5, v29;
	v63 =	vadd.s32 v15, v17  }
0x91: {  	v13 =	vsel vm1, $0x1, v1;
	vm4 =	vge.f32 v32, v6;
	[tilespmem:v11+s10+$0x0] =	vst.idx.msk vm6, v23;
	v12 =	vadd.s32 v19, v63  }
0x92: {  	v16 =	vsel vm3, $0x1, v1;
	v15 =	vsel vm2, $0x1, v1;
	[tilespmem:v14+s10+$0x0] =	vst.idx.msk vm7, v24;
	v13 =	vadd.s32 v13, v12  }
0x93: {  	vm5 =	vge.f32 v34, v6;
	v19 =	vsel vm4, $0x1, v1;
	[tilespmem:v18+s10+$0x0] =	vst.idx.msk vm8, v25;
	v14 =	vadd.s32 v15, v13  }
0x94: {  	vm6 =	vge.f32 v35, v6;
	v11 =	vsel vm5, $0x1, v1;
	[tilespmem:v17+s10+$0x0] =	vst.idx.msk vm9, v20;
	v15 =	vadd.s32 v16, v14  }
0x95: {  	s20 =	simm.s32 $0x2000;
	v18 =	vadd.s32 $0x580, v7;
	v16 =	vsel vm6, $0x1, v1;
	[tilespmem:v63+s10+$0x0] =	vst.idx.msk vm10, v21;
	v17 =	vadd.s32 v19, v15  }
.LBB2_5:
0x96: {  	v19 =	vadd.s32 $0x600, v9;
	p1 =	sne.s32 s20, $0xE000;
	[tilespmem:v12+s10+$0x0] =	vst.idx.msk vm1, v10;
	v10 =	vadd.s32 v11, v17;
	s21 =	smov.u32 s20;
	s20 =	sadd.s32 $0x2000, s20  }
0x97: {  	v11 =	vadd.s32 $0x680, v7;
	[tilespmem:v13+s10+$0x0] =	vst.idx.msk vm2, v18;
	v12 =	vadd.s32 v16, v10  }
0x98: {  	v13 =	vadd.s32 $0x700, v7;
	[tilespmem:v14+s10+$0x0] =	vst.idx.msk vm3, v8;
	v8 =	vmov v19  }
0x99: {  	[tilespmem:v15+s10+$0x0] =	vst.idx.msk vm4, v11;
	v11 =	vadd.s32 $0x780, v7;
	v7 =	vmov v9  }
0x9a: {  	[tilespmem:v17+s10+$0x0] =	vst.idx.msk vm5, v13  }
0x9b: {  	s21 =	sshra.s32 s21, $0x2;
	[tilespmem:v10+s10+$0x0] =	vst.idx.msk vm6, v11  }
0x9c: {  	v11 =	vld [tilespmem:s21+$0x8280]  }
0x9d: {  	v13 =	vld [tilespmem:s21+$0x8200]  }
0x9e: {  	v14 =	vld [tilespmem:s21+$0x8180]  }
0x9f: {  	v15 =	vld [tilespmem:s21+$0x8100]  }
0xa0: {  	v16 =	vld [tilespmem:s21+$0x8080]  }
0xa1: {  	v17 =	vld [tilespmem:s21+$0x8000]  }
0xa2: {  	v9 =	vadd.s32 $0x800, v9;
	v18 =	vld [tilespmem:s21+$0x8300]  }
0xa3: {  	v20 =	vadd.s32 $0x400, v7;
	v21 =	vadd.s32 $0x480, v7;
	v10 =	vadd.s32 $0x500, v7;
	v19 =	vld [tilespmem:s21+$0x8380]  }
0xa4: {  	v23 =	vadd.s32 $0x280, v7;
	v24 =	vadd.s32 $0x300, v7;
	v25 =	vadd.s32 $0x380, v7;
	v22 =	vld [tilespmem:s21+$0x8400]  }
0xa5: {  	v27 =	vadd.s32 $0x100, v7;
	v28 =	vadd.s32 $0x180, v7;
	v29 =	vadd.s32 $0x200, v7;
	v26 =	vld [tilespmem:s21+$0x8480]  }
0xa6: {  	vm8 =	vge.f32 v16, v6;
	v16 =	vadd.s32 $0x80, v7;
	v30 =	vld [tilespmem:s21+$0x8500];
	vm7 =	vge.f32 v17, v6  }
0xa7: {  	vm1 =	vge.f32 v15, v6;
	v31 =	vsel vm8, $0x1, v1;
	v17 =	vld [tilespmem:s21+$0x8580];
	v15 =	vsel vm7, $0x1, v1  }
0xa8: {  	vm2 =	vge.f32 v14, v6;
	v14 =	vsel vm1, $0x1, v1;
	v32 =	vld [tilespmem:s21+$0x8680];
	v15 =	vadd.s32 v15, v12  }
0xa9: {  	vm3 =	vge.f32 v13, v6;
	v13 =	vsel vm2, $0x1, v1;
	v33 =	vld [tilespmem:s21+$0x8600];
	v31 =	vadd.s32 v31, v15  }
0xaa: {  	vm4 =	vge.f32 v11, v6;
	v11 =	vsel vm3, $0x1, v1;
	v34 =	vld [tilespmem:s21+$0x8700];
	v14 =	vadd.s32 v14, v31  }
0xab: {  	vm5 =	vge.f32 v18, v6;
	v18 =	vsel vm4, $0x1, v1;
	v35 =	vld [tilespmem:s21+$0x8780];
	v13 =	vadd.s32 v13, v14  }
0xac: {  	vm6 =	vge.f32 v19, v6;
	v19 =	vsel vm5, $0x1, v1;
	[tilespmem:v12+s10+$0x0] =	vst.idx.msk vm7, v7;
	v11 =	vadd.s32 v11, v13  }
0xad: {  	vm7 =	vge.f32 v22, v6;
	v12 =	vsel vm6, $0x1, v1;
	[tilespmem:v15+s10+$0x0] =	vst.idx.msk vm8, v16;
	v15 =	vadd.s32 v18, v11  }
0xae: {  	vm8 =	vge.f32 v26, v6;
	v16 =	vsel vm7, $0x1, v1;
	[tilespmem:v31+s10+$0x0] =	vst.idx.msk vm1, v27;
	v18 =	vadd.s32 v19, v15  }
0xaf: {  	vm1 =	vge.f32 v30, v6;
	v19 =	vsel vm8, $0x1, v1;
	[tilespmem:v14+s10+$0x0] =	vst.idx.msk vm2, v28;
	v22 =	vadd.s32 v12, v18  }
0xb0: {  	vm2 =	vge.f32 v17, v6;
	v14 =	vsel vm1, $0x1, v1;
	[tilespmem:v13+s10+$0x0] =	vst.idx.msk vm3, v29;
	v17 =	vadd.s32 v16, v22  }
.Ltmp5:
0xb1: {  	vm3 =	vge.f32 v33, v6;
	v16 =	vsel vm2, $0x1, v1;
	[tilespmem:v11+s10+$0x0] =	vst.idx.msk vm4, v23;
	v12 =	vadd.s32 v19, v17;
	(pc) =	sbr.rel @p1 .LBB2_5-.Ltmp5, $4  }
0xb2: {  	vm4 =	vge.f32 v32, v6;
	v19 =	vsel vm3, $0x1, v1;
	[tilespmem:v15+s10+$0x0] =	vst.idx.msk vm5, v24;
	v13 =	vadd.s32 v14, v12  }
0xb3: {  	vm5 =	vge.f32 v34, v6;
	v23 =	vsel vm4, $0x1, v1;
	[tilespmem:v18+s10+$0x0] =	vst.idx.msk vm6, v25;
	v14 =	vadd.s32 v16, v13  }
0xb4: {  	vm6 =	vge.f32 v35, v6;
	v11 =	vsel vm5, $0x1, v1;
	[tilespmem:v22+s10+$0x0] =	vst.idx.msk vm7, v20;
	v15 =	vadd.s32 v19, v14  }
0xb5: {  	v18 =	vadd.s32 $0x580, v7;
	v16 =	vsel vm6, $0x1, v1;
	[tilespmem:v17+s10+$0x0] =	vst.idx.msk vm8, v21;
	v17 =	vadd.s32 v23, v15  }
0xb6: {  	v19 =	vadd.s32 v11, v17  }
0xb7: {  	v16 =	vadd.s32 v16, v19  }
0xb8: {  	v11 =	vadd.s32 v2, v16  }
0xb9: {  	(xrf0) =	vadd.scan.msk.s32 $0xffff, v11;
	_ =	sdelay $0x5  }
0xba: {  	v9, _, _ =	vpop (xrf0)  }
0xbb: {  	(v2sf) =	vpush v9, $0xF;
	_ =	sdelay $0x4  }
0xbc: {  	v20 =	vxor.u32 $0x80000000, v11  }
0xbd: {  	(xrf0) =	vmax.scan.msk.u32 $0xffff, v20;
	_ =	sdelay $0x5  }
0xbe: {  	v20, _, _ =	vpop (xrf0)  }
0xbf: {  	(v2sf) =	vpush v20, $0xF;
	_ =	sdelay $0x1  }
0xc0: {  	s20 =	spop (v2sf)  }
0xc1: {  	s20 =	sadd.s32 $0xF, s20  }
0xc2: {  	s21 =	sand.u32 $0xF, s20  }
0xc3: {  	s22 =	sshra.s32 s20, $0x1F;
	p1 =	slt.s32 s20, $0x1;
	p2 =	sne.s32 s21, $0x0  }
0xc4: {  	s31 =	sshrl.u32 s22, $0x1C;
	p1 =	por !p1, !p2  }
0xc5: {  	s21 =	simm.s32 $0x1;
	s20 =	sadd.s32 s31, s20;
	p1 =	por !p1, !p1  }
0xc6: {  	s20 =	sshra.s32 s20, $0x4;
	s21 =	simm.s32 @!p1 $0x0  }
0xc7: {  	s22 =	ssub.s32 s20, s21  }
0xc8: {  	[tilespmem:v12+s10+$0x0] =	vst.idx.msk vm1, v10;
	p1 =	sgt.s32 s22, $0x0  }
.Ltmp6:
0xc9: {  	[tilespmem:v13+s10+$0x0] =	vst.idx.msk vm2, v18;
	(pc) =	sbr.rel @!p1 .LBB2_7-.Ltmp6, $4  }
0xca: {  	v10 =	vadd.s32 $0x680, v7;
	[tilespmem:v14+s10+$0x0] =	vst.idx.msk vm3, v8  }
0xcb: {  	v8 =	vadd.s32 $0x700, v7;
	[tilespmem:v15+s10+$0x0] =	vst.idx.msk vm4, v10  }
0xcc: {  	v7 =	vadd.s32 $0x780, v7;
	[tilespmem:v17+s10+$0x0] =	vst.idx.msk vm5, v8  }
0xcd: {  	[tilespmem:v19+s10+$0x0] =	vst.idx.msk vm6, v7;
	s20 =	spop (v2sf);
	s21 =	simm.s32 $0x10800  }
0xce: {  	p1 =	seq.s32 s22, $0x1  }
.Ltmp7:
0xcf: {  	_ = 	snop;
	(pc) =	sbr.rel @p1 .LBB2_7-.Ltmp7, $2  }
0xd0: {  	_ =	sdelay $0x2  }
0xd1: {  	s23 =	sadd.s32 $0xFFFFFFFF, s22;
	[tilespmem:s21+$0x0] =	vst v1  }
.LBB2_14:
0xd2: {  	p1 =	seq.s32 s23, $0x1  }
.Ltmp8:
0xd3: {  	_ = 	snop;
	(pc) =	sbr.rel @!p1 .LBB2_14-.Ltmp8, $3  }
0xd4: {  	_ =	sdelay $0x1  }
0xd5: {  	s23 =	sadd.s32 $0xFFFFFFFF, s23;
	s21 =	sadd.s32 $0x10, s21  }
0xd6: {  	[tilespmem:s21+$0x0] =	vst v1  }
.LBB2_7:
0xd7: {  	s20 =	sxor.u32 $0x80000000, s20  }
0xd8: {  	p1 =	sgt.s32 s20, $0x0  }
.Ltmp9:
0xd9: {  	_ = 	snop;
	(pc) =	sbr.rel @!p1 .LBB2_11-.Ltmp9, $1  }
0xda: {  	_ =	sdelay $0x3  }
0xdb: {  	s23 =	simm.s32 $0x0  }
0xdc: {  	p1 =	seq.s32 s20, $0x1;
	v8 =	vadd.s32 s23, v3  }
.Ltmp10:
0xdd: {  	_ = 	snop;
	(pc) =	sbr.rel @p1 .LBB2_10-.Ltmp10, $4  }
0xde: {  	_ = 	snop  }
0xdf: {  	v7 =	vsub.s32 v9, v16  }
0xe0: {  	v7 =	vadd.s32 v3, v7;
	vm1 =	vgt.s32 v11, s23  }
0xe1: {  	s21 =	simm.s32 $0x1;
	v10 =	vadd.s32 s23, v7;
	v8 =	vld.idx.msk [tilespmem:v8+s10+$0x0], $0xffff  }
.LBB2_9:
0xe2: {  	v12 =	vadd.s32 s21, v3;
	s23 =	smov.u32 s21;
	s21 =	sadd.s32 $0x1, s21  }
0xe3: {  	p1 =	seq.s32 s20, s21  }
.Ltmp11:
0xe4: {  	(pc) =	sbr.rel @!p1 .LBB2_9-.Ltmp11, $4  }
0xe5: {  	_ = 	snop  }
0xe6: {  	[tilespmem:v10+s11+$0x0] =	vst.idx.msk vm1, v8  }
0xe7: {  	vm1 =	vgt.s32 v11, s23;
	v8 =	vld.idx.msk [tilespmem:v12+s10+$0x0], $0xffff  }
0xe8: {  	v10 =	vadd.s32 s23, v7  }
.LBB2_10:
0xe9: {  	_ =	sdelay $0x4  }
0xea: {  	[tilespmem:v10+s11+$0x0] =	vst.idx.msk vm1, v8  }
.LBB2_11:
0xeb: {  	p1 =	slt.s32 s22, $0x1  }
.Ltmp12:
0xec: {  	_ = 	snop;
	(pc) =	sbr.rel @p1 .LBB2_12-.Ltmp12, $1  }
0xed: {  	_ =	sdelay $0x3  }
0xee: {  	s20 =	simm.s32 $0x10800  }
0xef: {  	v8 =	vld [tilespmem:s20+$0x0];
	_ =	sdelay $0x4  }
0xf0: {  	v7 =	vbroadcast v9, $0xF;
	v9 =	vand.u32 $0x7F, v8;
	v10 =	vand.u32 $0xFFFFFF80, v8  }
0xf1: {  	v11 =	vadd.s32 $0x10, v9;
	v12 =	vadd.s32 $0x20, v9;
	v13 =	vadd.s32 $0x50, v9  }
0xf2: {  	v16 =	vadd.s32 $0x40, v9;
	v17 =	vadd.s32 $0x30, v9;
	v14 =	vand.u32 $0x80, v11  }
0xf3: {  	v15 =	vand.u32 $0x80, v12;
	v11 =	vand.u32 $0x7F, v11;
	v12 =	vand.u32 $0x7F, v12  }
0xf4: {  	v18 =	vand.u32 $0x80, v13;
	v13 =	vand.u32 $0x7F, v13;
	v14 =	vadd.s32 v10, v14  }
0xf5: {  	v11 =	vor.u32 v11, v14;
	v14 =	vadd.s32 v10, v15;
	v15 =	vand.u32 $0x80, v16  }
0xf6: {  	v16 =	vand.u32 $0x7F, v16;
	v12 =	vor.u32 v12, v14;
	v14 =	vand.u32 $0x80, v17  }
0xf7: {  	v15 =	vadd.s32 v10, v15;
	v17 =	vand.u32 $0x7F, v17;
	v14 =	vadd.s32 v10, v14  }
0xf8: {  	v15 =	vor.u32 v16, v15;
	v16 =	vadd.s32 v10, v18;
	v14 =	vor.u32 v17, v14  }
0xf9: {  	v17 =	vadd.s32 $0x60, v9;
	v13 =	vor.u32 v13, v16  }
0xfa: {  	v16 =	vld.idx.msk [tilespmem:v8+s3+$0x0], $0xffff;
	v18 =	vand.u32 $0x80, v17  }
0xfb: {  	v9 =	vadd.s32 $0x70, v9;
	v17 =	vand.u32 $0x7F, v17;
	v11 =	vld.idx.msk [tilespmem:v11+s3+$0x0], $0xffff;
	v18 =	vadd.s32 v10, v18  }
0xfc: {  	v19 =	vand.u32 $0x80, v9;
	v12 =	vld.idx.msk [tilespmem:v12+s3+$0x0], $0xffff;
	v17 =	vor.u32 v17, v18  }
0xfd: {  	s21 =	simm.s32 $0x0;
	v9 =	vand.u32 $0x7F, v9;
	v10 =	vadd.s32 v10, v19;
	v14 =	vld.idx.msk [tilespmem:v14+s3+$0x0], $0xffff  }
0xfe: {  	v10 =	vor.u32 v9, v10;
	v18 =	vor.u32 s21, v0;
	v13 =	vld.idx.msk [tilespmem:v13+s3+$0x0], $0xffff  }
0xff: {  	v9 =	vadd.s32 $0x40, v8;
	v15 =	vld.idx.msk [tilespmem:v15+s3+$0x0], $0xffff;
	vm5 =	vlt.s32 v18, v7;
	vm1 =	vge.f32 v16, v6  }
0x100: {  	v18 =	vadd.s32 $0x20, v8;
	v16 =	vadd.s32 $0x10, v8;
	vm6 =	vmand vm5, vm1  }
0x101: {  	vm2 =	vge.f32 v11, v6;
	v11 =	vld.idx.msk [tilespmem:v17+s3+$0x0], $0xffff;
	vm1 =	vge.f32 v12, v6;
	v12 =	vsel vm6, $0x1, v1  }
0x102: {  	vm7 =	vmand vm5, vm2;
	vm8 =	vmand vm5, vm1;
	v17 =	vadd.s32 v12, v4  }
0x103: {  	vm1 =	vge.f32 v14, v6;
	v14 =	vld.idx.msk [tilespmem:v10+s3+$0x0], $0xffff;
	v10 =	vsel vm7, $0x1, v1;
	vm3 =	vge.f32 v13, v6  }
0x104: {  	vm2 =	vmand vm5, vm1;
	vm1 =	vge.f32 v15, v6;
	v15 =	vsel vm8, $0x1, v1  }
0x105: {  	p1 =	sne.s32 s22, $0x1;
	v19 =	vadd.s32 v10, v17;
	vm3 =	vmand vm5, vm3;
	vm1 =	vmand vm5, vm1  }
.Ltmp13:
0x106: {  	v12 =	vsel vm2, $0x1, v1;
	vm4 =	vge.f32 v11, v6;
	v11 =	vadd.s32 v15, v19;
	(pc) =	sbr.rel @!p1 .LBB2_17-.Ltmp13, $4  }
0x107: {  	v13 =	vsel vm1, $0x1, v1;
	v15 =	vsel vm3, $0x1, v1;
	v10 =	vadd.s32 v12, v11  }
0x108: {  	[tilespmem:v4+s12+$0x0] =	vst.idx.msk vm6, v8;
	vm4 =	vmand vm5, vm4;
	vm6 =	vge.f32 v14, v6;
	v12 =	vadd.s32 v13, v10  }
0x109: {  	[tilespmem:v17+s12+$0x0] =	vst.idx.msk vm7, v16;
	v20 =	vsel vm4, $0x1, v1;
	vm5 =	vmand vm5, vm6;
	v13 =	vadd.s32 v15, v12  }
0x10a: {  	s22 =	sadd.s32 $0xFFFFFFFF, s22;
	v16 =	vadd.s32 $0x30, v8;
	[tilespmem:v19+s12+$0x0] =	vst.idx.msk vm8, v18;
	v14 =	vsel vm5, $0x1, v1;
	v15 =	vadd.s32 v20, v13  }
.LBB2_16:
0x10b: {  	p1 =	sne.s32 s22, $0x1;
	[tilespmem:v11+s12+$0x0] =	vst.idx.msk vm2, v16;
	s20 =	sadd.s32 $0x10, s20;
	s21 =	sadd.s32 $0x10, s21  }
0x10c: {  	s22 =	sadd.s32 $0xFFFFFFFF, s22;
	v11 =	vadd.s32 $0x50, v8;
	[tilespmem:v10+s12+$0x0] =	vst.idx.msk vm1, v9  }
0x10d: {  	v9 =	vadd.s32 $0x60, v8;
	[tilespmem:v12+s12+$0x0] =	vst.idx.msk vm3, v11  }
0x10e: {  	v8 =	vadd.s32 $0x70, v8;
	[tilespmem:v13+s12+$0x0] =	vst.idx.msk vm4, v9  }
0x10f: {  	v10 =	vadd.s32 v14, v15;
	[tilespmem:v15+s12+$0x0] =	vst.idx.msk vm5, v8  }
0x110: {  	v8 =	vld [tilespmem:s20+$0x0];
	_ =	sdelay $0x4  }
0x111: {  	v11 =	vand.u32 $0xFFFFFF80, v8;
	v12 =	vand.u32 $0x7F, v8;
	v9 =	vadd.s32 $0x40, v8  }
0x112: {  	v13 =	vadd.s32 $0x10, v12;
	v14 =	vadd.s32 $0x20, v12;
	v15 =	vadd.s32 $0x50, v12  }
0x113: {  	v18 =	vadd.s32 $0x40, v12;
	v16 =	vand.u32 $0x80, v13;
	v17 =	vand.u32 $0x80, v14  }
0x114: {  	v13 =	vand.u32 $0x7F, v13;
	v14 =	vand.u32 $0x7F, v14;
	v16 =	vadd.s32 v11, v16  }
0x115: {  	v13 =	vor.u32 v13, v16;
	v16 =	vadd.s32 v11, v17;
	v17 =	vand.u32 $0x80, v18  }
0x116: {  	v19 =	vand.u32 $0x80, v15;
	v14 =	vor.u32 v14, v16;
	v16 =	vadd.s32 $0x30, v12  }
0x117: {  	v18 =	vand.u32 $0x7F, v18;
	v17 =	vadd.s32 v11, v17;
	v20 =	vand.u32 $0x80, v16  }
0x118: {  	v16 =	vand.u32 $0x7F, v16;
	v17 =	vor.u32 v18, v17;
	v20 =	vadd.s32 v11, v20  }
0x119: {  	v15 =	vand.u32 $0x7F, v15;
	v18 =	vadd.s32 v11, v19;
	v16 =	vor.u32 v16, v20  }
0x11a: {  	v15 =	vor.u32 v15, v18;
	v18 =	vadd.s32 $0x60, v12;
	v12 =	vadd.s32 $0x70, v12  }
0x11b: {  	v20 =	vand.u32 $0x80, v18;
	v21 =	vand.u32 $0x80, v12;
	v12 =	vand.u32 $0x7F, v12;
	v19 =	vld.idx.msk [tilespmem:v8+s3+$0x0], $0xffff  }
0x11c: {  	v18 =	vand.u32 $0x7F, v18;
	v20 =	vadd.s32 v11, v20;
	v11 =	vadd.s32 v11, v21;
	v13 =	vld.idx.msk [tilespmem:v13+s3+$0x0], $0xffff  }
0x11d: {  	v18 =	vor.u32 v18, v20;
	v11 =	vor.u32 v12, v11;
	v14 =	vld.idx.msk [tilespmem:v14+s3+$0x0], $0xffff  }
0x11e: {  	v12 =	vld.idx.msk [tilespmem:v16+s3+$0x0], $0xffff  }
0x11f: {  	v16 =	vld.idx.msk [tilespmem:v17+s3+$0x0], $0xffff  }
0x120: {  	v17 =	vor.u32 s21, v0;
	v15 =	vld.idx.msk [tilespmem:v15+s3+$0x0], $0xffff  }
0x121: {  	vm5 =	vlt.s32 v17, v7;
	v17 =	vadd.s32 $0x20, v8;
	vm1 =	vge.f32 v19, v6  }
0x122: {  	v19 =	vadd.s32 $0x10, v8;
	vm4 =	vmand vm5, vm1;
	vm1 =	vge.f32 v13, v6;
	v18 =	vld.idx.msk [tilespmem:v18+s3+$0x0], $0xffff  }
0x123: {  	vm6 =	vmand vm5, vm1;
	vm1 =	vge.f32 v14, v6;
	v13 =	vld.idx.msk [tilespmem:v11+s3+$0x0], $0xffff;
	v11 =	vsel vm4, $0x1, v1  }
0x124: {  	vm7 =	vmand vm5, vm1;
	vm1 =	vge.f32 v12, v6;
	v12 =	vsel vm6, $0x1, v1  }
0x125: {  	vm2 =	vmand vm5, vm1;
	vm1 =	vge.f32 v16, v6;
	v14 =	vsel vm7, $0x1, v1  }
0x126: {  	v20 =	vadd.s32 v11, v10;
	vm1 =	vmand vm5, vm1;
	v16 =	vsel vm2, $0x1, v1  }
0x127: {  	vm3 =	vge.f32 v15, v6;
	v21 =	vadd.s32 v12, v20;
	v15 =	vsel vm1, $0x1, v1  }
.Ltmp14:
0x128: {  	vm3 =	vmand vm5, vm3;
	v11 =	vadd.s32 v14, v21;
	vm8 =	vge.f32 v18, v6;
	[tilespmem:v10+s12+$0x0] =	vst.idx.msk vm4, v8;
	(pc) =	sbr.rel @p1 .LBB2_16-.Ltmp14, $4  }
0x129: {  	v14 =	vsel vm3, $0x1, v1;
	vm4 =	vmand vm5, vm8;
	v10 =	vadd.s32 v16, v11  }
0x12a: {  	vm8 =	vge.f32 v13, v6;
	v18 =	vsel vm4, $0x1, v1;
	v12 =	vadd.s32 v15, v10  }
0x12b: {  	v16 =	vadd.s32 $0x30, v8;
	vm5 =	vmand vm5, vm8;
	v13 =	vadd.s32 v14, v12;
	[tilespmem:v20+s12+$0x0] =	vst.idx.msk vm6, v19  }
0x12c: {  	v14 =	vsel vm5, $0x1, v1;
	v15 =	vadd.s32 v18, v13;
	[tilespmem:v21+s12+$0x0] =	vst.idx.msk vm7, v17  }
.LBB2_17:
0x12d: {  	_ =	sdelay $0x4  }
.Ltmp15:
0x12e: {  	[tilespmem:v11+s12+$0x0] =	vst.idx.msk vm2, v16;
	(pc) =	sbr.rel .LBB2_18-.Ltmp15, $4  }
0x12f: {  	v6 =	vadd.s32 $0x50, v8;
	[tilespmem:v10+s12+$0x0] =	vst.idx.msk vm1, v9  }
0x130: {  	v7 =	vadd.s32 $0x60, v8;
	[tilespmem:v12+s12+$0x0] =	vst.idx.msk vm3, v6  }
0x131: {  	v6 =	vadd.s32 $0x70, v8;
	[tilespmem:v13+s12+$0x0] =	vst.idx.msk vm4, v7;
	v7 =	vadd.s32 v14, v15  }
0x132: {  	[tilespmem:v15+s12+$0x0] =	vst.idx.msk vm5, v6;
	v8 =	vadd.s32 v5, v7  }
.LBB2_12:
0x133: {  	v8 =	vimm.s32 $0x0  }
.LBB2_18:
0x134: {  	_ =	sdelay $0x3  }
0x135: {  	v9 =	vld.idx.msk [tilespmem:v4+s12+$0x0], $0xffff;
	v6 =	vxor.u32 $0x80000000, v8  }
0x136: {  	(xrf0) =	vmax.scan.msk.u32 $0xffff, v6;
	_ =	sdelay $0x3  }
0x137: {  	v6 =	vand.u32 $0x3FFF, v9;
	_ =	sdelay $0x1  }
0x138: {  	v7, _, _ =	vpop (xrf0)  }
0x139: {  	(v2sf) =	vpush v7, $0xF;
	_ =	sdelay $0x1  }
0x13a: {  	v6 =	vld.idx.msk [tilespmem:v6+s3+$0x0], $0xffff;
	_ =	sdelay $0x3  }
0x13b: {  	vm1 =	vgt.s32 v8, $0x0  }
0x13c: {  	v12 =	vnsel vm1, $0xFE967699, v6  }
0x13d: {  	(xrf1) =	vsort.ascd.msk.f32 $0xffff, v12, v9;
	_ =	sdelay $0x6  }
0x13e: {  	s20 =	spop (v2sf)  }
0x13f: {  	s21 =	sxor.u32 $0x80000000, s20  }
0x140: {  	p1 =	slt.s32 s21, $0x2  }
.Ltmp16:
0x141: {  	_ = 	snop;
	(pc) =	sbr.rel @p1 .LBB2_26-.Ltmp16, $2  }
0x142: {  	_ =	sdelay $0x2  }
0x143: {  	v7, v6, _ =	vpop (xrf1)  }
0x144: {  	s21 =	simm.s32 $0x1  }
0x145: {  	v10 =	vadd.s32 s21, v4;
	_ =	sdelay $0x4  }
0x146: {  	p4 =	sne.s32 s20, $0x80000002;
	v10 =	vld.idx.msk [tilespmem:v10+s12+$0x0], $0xffff  }
.Ltmp17:
0x147: {  	_ = 	snop;
	(pc) =	sbr.rel @!p4 .LBB2_20-.Ltmp17, $2  }
0x148: {  	_ =	sdelay $0x2  }
0x149: {  	p2 =	por $0x0, $0x0;
	p3 =	por $0x0, $0x0;
	v11 =	vand.u32 $0x3FFF, v10  }
0x14a: {  	s22 =	simm.s32 $0x2  }
0x14b: {  	v13 =	vadd.s32 s22, v4;
	_ =	sdelay $0x3  }
0x14c: {  	v11 =	vld.idx.msk [tilespmem:v11+s3+$0x0], $0xffff  }
0x14d: {  	p4 =	sne.s32 s20, $0x80000003;
	v13 =	vld.idx.msk [tilespmem:v13+s12+$0x0], $0xffff  }
.Ltmp18:
0x14e: {  	_ = 	snop;
	(pc) =	sbr.rel @!p4 .LBB2_22-.Ltmp18, $4  }
0x14f: {  	_ = 	snop  }
0x150: {  	vm1 =	vgt.s32 v8, s21  }
0x151: {  	v11 =	vnsel vm1, $0xFE967699, v11  }
0x152: {  	p2 =	por $0x1, $0x1;
	(xrf1) =	vsort.dscd.msk.f32 $0xffff, v11, v10;
	v11 =	vand.u32 $0x3FFF, v13  }
0x153: {  	_ =	sdelay $0x8  }
0x154: {  	s21 =	simm.s32 $0x3;
	v11 =	vld.idx.msk [tilespmem:v11+s3+$0x0], $0xffff  }
0x155: {  	v10 =	vadd.s32 s21, v4;
	_ =	sdelay $0x2  }
0x156: {  	vm1 =	vgt.s32 v8, s22;
	v14, v15, _ =	vpop (xrf1)  }
0x157: {  	v11 =	vnsel vm1, $0xFE967699, v11;
	vm1 =	vge.f32 v7, v14  }
0x158: {  	p4 =	sne.s32 s20, $0x80000004;
	v10 =	vld.idx.msk [tilespmem:v10+s12+$0x0], $0xffff;
	(xrf1) =	vsort.dscd.msk.f32 $0xffff, v11, v13;
	v11 =	vsel vm1, v7, v14;
	v13 =	vsel vm1, v6, v15  }
.Ltmp19:
0x159: {  	(xrf1) =	vsort.ascd.msk.f32 $0xffff, v11, v13;
	(pc) =	sbr.rel @!p4 .LBB2_25-.Ltmp19, $2  }
0x15a: {  	_ =	sdelay $0x2  }
0x15b: {  	s22 =	simm.s32 $0x80000004;
	p3 =	por $0x1, $0x1;
	v11 =	vand.u32 $0x3FFF, v10  }
.LBB2_24:
0x15c: {  	_ =	sdelay $0x3  }
0x15d: {  	s23 =	sadd.s32 $0x80000000, s22;
	v11 =	vld.idx.msk [tilespmem:v11+s3+$0x0], $0xffff  }
0x15e: {  	s22 =	sadd.s32 $0x1, s22;
	v13 =	vadd.s32 s23, v4  }
0x15f: {  	p4 =	sne.s32 s20, s22;
	_ =	sdelay $0x1  }
0x160: {  	v14, v15, _ =	vpop (xrf1)  }
0x161: {  	vm1 =	vgt.s32 v8, s21;
	s21 =	smov.u32 s23;
	v17, v16, _ =	vpop (xrf1)  }
0x162: {  	v11 =	vnsel vm1, $0xFE967699, v11;
	v13 =	vld.idx.msk [tilespmem:v13+s12+$0x0], $0xffff;
	vm1 =	vge.f32 v17, v14  }
0x163: {  	(xrf1) =	vsort.dscd.msk.f32 $0xffff, v11, v10;
	v10 =	vsel vm1, v17, v14;
	v11 =	vsel vm1, v16, v15  }
.Ltmp20:
0x164: {  	(xrf1) =	vsort.ascd.msk.f32 $0xffff, v10, v11;
	(pc) =	sbr.rel @p4 .LBB2_24-.Ltmp20, $2  }
0x165: {  	_ =	sdelay $0x2  }
0x166: {  	v11 =	vand.u32 $0x3FFF, v13;
	v10 =	vmov v13  }
.LBB2_25:
0x167: {  	_ =	sdelay $0x5  }
0x168: {  	v11 =	vld.idx.msk [tilespmem:v11+s3+$0x0], $0xffff;
	_ =	sdelay $0x1  }
0x169: {  	v13, v14, _ =	vpop @p2 (xrf1)  }
0x16a: {  	v15, v16, _ =	vpop @p3 (xrf1)  }
0x16b: {  	vm1 =	vgt.s32 v8, s21;
	v15 =	vpsel p3, v15, v7  }
0x16c: {  	v11 =	vnsel vm1, $0xFE967699, v11;
	v16 =	vpsel p3, v16, v6;
	vm1 =	vge.f32 @p2 v15, v13  }
0x16d: {  	(xrf1) =	vsort.dscd.msk.f32 $0xffff, v11, v10;
	v10 =	vsel @p2 vm1, v15, v13;
	v11 =	vsel @p2 vm1, v16, v14  }
0x16e: {  	(xrf1) =	vsort.ascd.msk.f32 @p2 $0xffff, v10, v11;
	_ =	sdelay $0xc  }
0x16f: {  	v10, v11, _ =	vpop (xrf1)  }
0x170: {  	v13, v14, _ =	vpop @p2 (xrf1)  }
0x171: {  	v7 =	vpsel p2, v13, v7  }
0x172: {  	v6 =	vpsel p2, v14, v6;
	vm1 =	vge.f32 v7, v10  }
0x173: {  	v7 =	vsel vm1, v7, v10;
	v6 =	vsel vm1, v6, v11  }
0x174: {  	(xrf1) =	vsort.ascd.msk.f32 $0xffff, v7, v6;
	_ =	sdelay $0xd  }
0x175: {  	v7, v6, _ =	vpop (xrf1)  }
.LBB2_26:
0x176: {  	(xrf0) =	vmax.scan.msk.f32 $0xffff, v7;
	v10 =	vsel vm0, $0xFE967699, v7  }
0x177: {  	(xrf0) =	vmax.scan.msk.f32 $0xffff, v10;
	_ =	sdelay $0x4  }
0x178: {  	v10, _, _ =	vpop (xrf0)  }
0x179: {  	v11, _, _ =	vpop (xrf0)  }
0x17a: {  	v11 =	vbroadcast v11, $0xF;
	_ =	sdelay $0x1  }
0x17b: {  	vm1 =	vgt.f32 v7, v11  }
0x17c: {  	v13 =	vsel vm1, $0x1, v1  }
0x17d: {  	(xrf0) =	vadd.scan.msk.s32 $0xffff, v13;
	_ =	sdelay $0x5  }
0x17e: {  	vm2 =	veq.f32 v12, v11;
	v13, _, _ =	vpop (xrf0)  }
0x17f: {  	v9 =	vnsel vm2, $0x100000, v9;
	(v2sf) =	vpush v13, $0xF  }
0x180: {  	(xrf1) =	vsort.ascd.msk.u32 $0xffff, v9, v9;
	_ =	sdelay $0x9  }
.Ltmp21:
0x181: {  	_ = 	snop;
	(pc) =	sbr.rel @p1 .LBB2_34-.Ltmp21, $2  }
0x182: {  	_ =	sdelay $0x2  }
0x183: {  	v9, _, _ =	vpop (xrf1);
	s21 =	spop (v2sf)  }
0x184: {  	s22 =	simm.s32 $0x1  }
0x185: {  	v12 =	vadd.s32 s22, v4;
	_ =	sdelay $0x4  }
0x186: {  	p3 =	sne.s32 s20, $0x80000002;
	v12 =	vld.idx.msk [tilespmem:v12+s12+$0x0], $0xffff  }
.Ltmp22:
0x187: {  	_ = 	snop;
	(pc) =	sbr.rel @!p3 .LBB2_28-.Ltmp22, $2  }
0x188: {  	_ =	sdelay $0x2  }
0x189: {  	p1 =	por $0x0, $0x0;
	p2 =	por $0x0, $0x0;
	v14 =	vand.u32 $0x3FFF, v12  }
0x18a: {  	_ = 	snop  }
0x18b: {  	s23 =	simm.s32 $0x2  }
0x18c: {  	v13 =	vadd.s32 s23, v4;
	_ =	sdelay $0x1  }
0x18d: {  	v14 =	vld.idx.msk [tilespmem:v14+s3+$0x0], $0xffff;
	_ =	sdelay $0x2  }
0x18e: {  	p3 =	sne.s32 s20, $0x80000003;
	v15 =	vld.idx.msk [tilespmem:v13+s12+$0x0], $0xffff  }
.Ltmp23:
0x18f: {  	vm2 =	vgt.s32 v8, s22;
	(pc) =	sbr.rel @!p3 .LBB2_30-.Ltmp23, $4  }
0x190: {  	v13 =	vnsel vm2, $0xFE967699, v14  }
0x191: {  	vm2 =	veq.f32 v13, v11  }
0x192: {  	v12 =	vnsel vm2, $0x100000, v12  }
0x193: {  	p1 =	por $0x1, $0x1;
	(xrf1) =	vsort.ascd.msk.u32 $0xffff, v12, v12;
	v14 =	vand.u32 $0x3FFF, v15  }
0x194: {  	_ =	sdelay $0x7  }
0x195: {  	s22 =	simm.s32 $0x3;
	v14 =	vld.idx.msk [tilespmem:v14+s3+$0x0], $0xffff  }
0x196: {  	v12 =	vadd.s32 s22, v4;
	_ =	sdelay $0x1  }
0x197: {  	v13 =	vmul.u32 $0xFFFFFFFF, v0  }
0x198: {  	vm2 =	vgt.s32 v8, s23  }
0x199: {  	v13 =	vadd.s32 $0xF, v13;
	v14 =	vnsel vm2, $0xFE967699, v14;
	v16, _, _ =	vpop (xrf1)  }
0x19a: {  	p3 =	sne.s32 s20, $0x80000004;
	v12 =	vld.idx.msk [tilespmem:v12+s12+$0x0], $0xffff;
	vm2 =	veq.f32 v14, v11;
	v16 =	vperm.xlane v16, v13  }
.Ltmp24:
0x19b: {  	v14 =	vnsel vm2, $0x100000, v15;
	(pc) =	sbr.rel @!p3 .LBB2_33-.Ltmp24, $4  }
0x19c: {  	(xrf1) =	vsort.ascd.msk.u32 $0xffff, v14, v14;
	vm2 =	vlt.s32 v9, v16  }
0x19d: {  	v14 =	vsel vm2, v9, v16  }
0x19e: {  	(xrf1) =	vsort.ascd.msk.u32 $0xffff, v14, v14  }
0x19f: {  	s23 =	simm.s32 $0x80000004;
	p2 =	por $0x1, $0x1;
	v14 =	vand.u32 $0x3FFF, v12  }
.LBB2_32:
0x1a0: {  	_ =	sdelay $0x2  }
0x1a1: {  	s24 =	smov.u32 s23;
	s23 =	sadd.s32 $0x1, s23  }
0x1a2: {  	s24 =	sadd.s32 $0x80000000, s24;
	p3 =	sne.s32 s20, s23;
	v14 =	vld.idx.msk [tilespmem:v14+s3+$0x0], $0xffff  }
0x1a3: {  	v15 =	vadd.s32 s24, v4;
	_ =	sdelay $0x3  }
0x1a4: {  	vm2 =	vgt.s32 v8, s22;
	s22 =	smov.u32 s24  }
0x1a5: {  	v14 =	vnsel vm2, $0xFE967699, v14;
	v15 =	vld.idx.msk [tilespmem:v15+s12+$0x0], $0xffff;
	v16, _, _ =	vpop (xrf1)  }
0x1a6: {  	vm2 =	veq.f32 v14, v11;
	v14 =	vperm.xlane v16, v13  }
.Ltmp25:
0x1a7: {  	v12 =	vnsel vm2, $0x100000, v12;
	v16, _, _ =	vpop (xrf1);
	(pc) =	sbr.rel @p3 .LBB2_32-.Ltmp25, $4  }
0x1a8: {  	(xrf1) =	vsort.ascd.msk.u32 $0xffff, v12, v12;
	vm2 =	vlt.s32 v16, v14  }
0x1a9: {  	v16 =	vsel vm2, v16, v14  }
0x1aa: {  	(xrf1) =	vsort.ascd.msk.u32 $0xffff, v16, v16  }
0x1ab: {  	v12 =	vmov v15;
	v14 =	vand.u32 $0x3FFF, v15  }
.LBB2_33:
0x1ac: {  	_ =	sdelay $0x6  }
0x1ad: {  	v13 =	vld.idx.msk [tilespmem:v14+s3+$0x0], $0xffff;
	v14 =	vmul.u32 @p1 $0xFFFFFFFF, v0;
	_ =	sdelay $0x3  }
0x1ae: {  	vm2 =	vgt.s32 v8, s22;
	v8 =	vadd.s32 @p1 $0xF, v14;
	v14, _, _ =	vpop @p1 (xrf1)  }
0x1af: {  	v13 =	vnsel vm2, $0xFE967699, v13;
	v8 =	vperm.xlane @p1 v14, v8;
	v14, _, _ =	vpop @p2 (xrf1)  }
0x1b0: {  	vm2 =	veq.f32 v13, v11;
	v13 =	vpsel p2, v14, v9  }
0x1b1: {  	v12 =	vnsel vm2, $0x100000, v12;
	vm2 =	vlt.s32 @p1 v13, v8  }
0x1b2: {  	(xrf1) =	vsort.ascd.msk.u32 $0xffff, v12, v12;
	v8 =	vsel @p1 vm2, v13, v8  }
0x1b3: {  	(xrf1) =	vsort.ascd.msk.u32 @p1 $0xffff, v8, v8;
	_ =	sdelay $0xa  }
0x1b4: {  	v8 =	vmul.u32 $0xFFFFFFFF, v0;
	_ =	sdelay $0x1  }
0x1b5: {  	v8 =	vadd.s32 $0xF, v8;
	v12, _, _ =	vpop (xrf1)  }
0x1b6: {  	v8 =	vperm.xlane v12, v8;
	v12, _, _ =	vpop @p1 (xrf1)  }
0x1b7: {  	v9 =	vpsel p1, v12, v9  }
0x1b8: {  	vm2 =	vlt.s32 v9, v8  }
0x1b9: {  	v8 =	vsel vm2, v9, v8  }
0x1ba: {  	(xrf1) =	vsort.ascd.msk.u32 $0xffff, v8, v8;
	_ =	sdelay $0xd  }
0x1bb: {  	v9, _, _ =	vpop (xrf1)  }
.LBB2_34:
0x1bc: {  	v8 =	vbroadcast v10, $0xF;
	_ =	sdelay $0x1  }
0x1bd: {  	v7 =	vsub.f32 v7, v8  }
0x1be: {  	v8 =	vsub.f32 v11, v8  }
0x1bf: {  	v7 =	vmul.f32 $1.442695020e+00, v7  }
0x1c0: {  	v8 =	vmul.f32 $1.442695020e+00, v8  }
0x1c1: {  	(erf) = vpow2.f32 v7  }
0x1c2: {  	(erf) = vpow2.f32 v8;
	_ =	sdelay $0x6  }
0x1c3: {  	s20 =	ssub.s32 $0x9, s21  }
0x1c4: {  	v56 =	vmov s20;
	v7 =	vpop (erf)  }
0x1c5: {  	vm2 =	vgt.s32 v56, v0;
	v57 =	vpop (erf)  }
0x1c6: {  	v7 =	vnsel vm1, $0x0, v7;
	v8 =	vnsel vm2, $0x0, v57  }
0x1c7: {  	v59 =	vadd.f32 v8, v7  }
0x1c8: {  	v58 =	vand.u32 $0x7F, v6;
	v12 =	vand.u32 $0x7F, v9;
	v6 =	vshra.s32 v6, $0x7  }
0x1c9: {  	v60 =	vshra.s32 v9, $0x7;
	v10 =	vcvt.s32.f32 v58;
	v12 =	vcvt.s32.f32 v12;
	(xrf2) =	vadd.scan.msk.f32 $0xffff, v59  }
0x1ca: {  	v6 =	vcvt.s32.f32 v6;
	v9 =	vcvt.s32.f32 v60  }
0x1cb: {  	v10 =	vmul.f32 v10, v7;
	v61 =	vmul.f32 v12, v8  }
0x1cc: {  	v6 =	vmul.f32 v6, v7;
	v7 =	vmul.f32 v9, v8  }
0x1cd: {  	v62 =	vadd.f32 v61, v10  }
0x1ce: {  	v6 =	vadd.f32 v7, v6  }
0x1cf: {  	(xrf2) =	vadd.scan.msk.f32 $0xffff, v62  }
0x1d0: {  	(xrf2) =	vadd.scan.msk.f32 $0xffff, v6;
	_ =	sdelay $0x2  }
0x1d1: {  	v6, _, _ =	vpop (xrf2)  }
0x1d2: {  	v6 =	vbroadcast v6, $0xF;
	_ =	sdelay $0x1  }
0x1d3: {  	(erf) = vrcp.f32 v6;
	_ =	sdelay $0x2  }
0x1d4: {  	v6, _, _ =	vpop (xrf2)  }
0x1d5: {  	v7, _, _ =	vpop (xrf2)  }
0x1d6: {  	v6 =	vbroadcast v6, $0xF;
	v7 =	vbroadcast v7, $0xF  }
0x1d7: {  	s31 =	sshll.u32 s18, $0x2;
	vm1 =	vmmov $0x1  }
0x1d8: {  	v6 =	vsel vm1, v6, v7;
	v7 =	vadd.s32 s31, v0  }
.Ltmp26:
0x1d9: {  	v6 =	vmul.f32 $4.000000000e+00, v6;
	(pc) =	sbr.rel @p0 .LBB2_68-.Ltmp26, $3  }
0x1da: {  	v63 =	vpop (erf)  }
0x1db: {  	v6 =	vmul.f32 v6, v63;
	_ =	sdelay $0x1  }
0x1dc: {  	[tilespmem:v7+s13+$0x0] =	vst.idx.msk $0x3, v6  }
0x1dd: {  	s20 =	sadd.s32 s5, s19  }
0x1de: {  	s20 =	sshll.u32 s20, $0xE  }
0x1df: {  	s20 =	sadd.s32 s20, s7  }
0x1e0: {  	s20 =	sshrl.u32 s20, $0x3  }
0x1e1: {  	s21 =	simm.s32 $0x0;
	s20 =	sadd.s32 s2, s20  }
0x1e2: {  	[tilespmem:s21], [sflag:$0x1] =	stream.linear.gather [hbm4b:s20+s21], $0x4000, $0x38;
	[tilespmem:$0x14C00] =	vst v63  }
0x1e3: {  	_ =	swait.ge [sflag:s14], $0x4000  }
0x1e4: {  	[sflag:s14] =	ssyncset.done $0x0  }
0x1e5: {  	s20 =	simm.s32 $0x0;
	[sflag:s14] =	ssyncadd.s32 $0xFFFFC000  }
0x1e6: {  	v6 =	vld [tilespmem:s20+$0x4000]  }
0x1e7: {  	v7 =	vld [tilespmem:s20+$0x4010]  }
0x1e8: {  	v11 =	vld [tilespmem:s20+$0x4020]  }
0x1e9: {  	v13 =	vld [tilespmem:s20+$0x4030]  }
0x1ea: {  	v14 =	vld [tilespmem:s20+$0x4040]  }
0x1eb: {  	v15 =	vld [tilespmem:s20+$0x4050]  }
0x1ec: {  	v16 =	vld [tilespmem:s20+$0x4060]  }
0x1ed: {  	s21 =	simm.s32 $0x80;
	v17 =	vld [tilespmem:s20+$0x4070]  }
0x1ee: {  	v9 =	vld [tilespmem:s21+$0x4000]  }
0x1ef: {  	v12 =	vld [tilespmem:s21+$0x4010]  }
0x1f0: {  	v10 =	vld [tilespmem:s21+$0x4020]  }
0x1f1: {  	v8 =	vld [tilespmem:s21+$0x4030];
	v7 =	vmax.f32 v6, v7  }
0x1f2: {  	v6 =	vld [tilespmem:s21+$0x4040];
	v13 =	vmax.f32 v11, v13;
	v14 =	vmax.f32 v14, v15;
	v15 =	vmax.f32 v16, v17  }
0x1f3: {  	v11 =	vld [tilespmem:s21+$0x4050];
	v63 =	vmax.f32 v7, v13;
	v14 =	vmax.f32 v14, v15  }
0x1f4: {  	s22 =	simm.s32 $0x400;
	v7 =	vimm.f32 $-9.999999680e+37;
	v13 =	vld [tilespmem:s21+$0x4060];
	v14 =	vmax.f32 v63, v14  }
.LBB2_36:
0x1f5: {  	p0 =	sne.s32 s22, $0xFE00;
	v15 =	vld [tilespmem:s21+$0x4070];
	[tilespmem:s20+$0x8000] =	vst v14;
	v7 =	vmax.f32 v7, v14;
	v14 =	vmov v10;
	s20 =	smov.u32 s21;
	s21 =	sshra.s32 s22, $0x2  }
0x1f6: {  	v16 =	vld [tilespmem:s21+$0x4000];
	v17 =	vmov v8  }
0x1f7: {  	v18 =	vld [tilespmem:s21+$0x4010]  }
.Ltmp27:
0x1f8: {  	v10 =	vld [tilespmem:s21+$0x4020];
	(pc) =	sbr.rel @p0 .LBB2_36-.Ltmp27, $4  }
0x1f9: {  	v19 =	vmax.f32 v9, v12;
	v8 =	vld [tilespmem:s21+$0x4030]  }
0x1fa: {  	v17 =	vmax.f32 v14, v17;
	v14 =	vmax.f32 v6, v11;
	v6 =	vld [tilespmem:s21+$0x4040];
	v13 =	vmax.f32 v13, v15  }
0x1fb: {  	v15 =	vmax.f32 v19, v17;
	v11 =	vld [tilespmem:s21+$0x4050];
	v14 =	vmax.f32 v14, v13;
	v9 =	vmov v16  }
0x1fc: {  	s22 =	sadd.s32 $0x200, s22;
	v13 =	vld [tilespmem:s21+$0x4060];
	v14 =	vmax.f32 v15, v14;
	v12 =	vmov v18  }
0x1fd: {  	v15 =	vld [tilespmem:s21+$0x4070];
	_ =	sdelay $0x3  }
0x1fe: {  	v9 =	vmax.f32 v9, v12  }
0x1ff: {  	v8 =	vmax.f32 v10, v8;
	v6 =	vmax.f32 v6, v11;
	v10 =	vmax.f32 v13, v15  }
0x200: {  	v8 =	vmax.f32 v9, v8;
	v6 =	vmax.f32 v6, v10  }
0x201: {  	v7 =	vmax.f32 v7, v14;
	v6 =	vmax.f32 v8, v6  }
0x202: {  	v7 =	vmax.f32 v7, v6  }
0x203: {  	(xrf1) =	vsort.ascd.msk.f32 $0xffff, v7, v7;
	_ =	sdelay $0xd  }
0x204: {  	[tilespmem:s20+$0x8000] =	vst v14;
	v7, _, _ =	vpop (xrf1)  }
0x205: {  	s31 =	simm.s32 $0x0;
	[tilespmem:s21+$0x8000] =	vst v6;
	v7 =	vsel vm0, $0xFE967699, v7  }
0x206: {  	v11 =	vld [tilespmem:s31+$0x8280];
	(xrf0) =	vmax.scan.msk.f32 $0xffff, v7  }
0x207: {  	v12 =	vld [tilespmem:s31+$0x8200]  }
0x208: {  	v13 =	vld [tilespmem:s31+$0x8180]  }
0x209: {  	v15 =	vld [tilespmem:s31+$0x8080];
	v7 =	vlaneseq.u32  }
0x20a: {  	v16 =	vld [tilespmem:s31+$0x8000];
	v17 =	vmul.u32 $0x80, v7  }
0x20b: {  	v14 =	vld [tilespmem:s31+$0x8100];
	v8 =	vadd.s32 $0x600, v7;
	v9 =	vadd.s32 $0x800, v7;
	v20 =	vadd.s32 $0x400, v7  }
0x20c: {  	v18 =	vld [tilespmem:s31+$0x8300];
	v21 =	vadd.s32 $0x480, v7;
	v10 =	vadd.s32 $0x500, v7;
	v23 =	vadd.s32 $0x280, v7;
	v6, _, _ =	vpop (xrf0)  }
0x20d: {  	v19 =	vld [tilespmem:s31+$0x8380];
	v24 =	vadd.s32 $0x300, v7;
	v25 =	vadd.s32 $0x380, v7;
	v6 =	vbroadcast v6, $0xF  }
0x20e: {  	v22 =	vld [tilespmem:s31+$0x8400];
	v27 =	vadd.s32 $0x100, v7;
	v28 =	vadd.s32 $0x180, v7;
	v29 =	vadd.s32 $0x200, v7  }
0x20f: {  	v26 =	vld [tilespmem:s31+$0x8480];
	vm2 =	vge.f32 v16, v6;
	vm3 =	vge.f32 v15, v6;
	v15 =	vadd.s32 $0x80, v7  }
0x210: {  	v30 =	vld [tilespmem:s31+$0x8500];
	vm4 =	vge.f32 v14, v6;
	vm5 =	vge.f32 v13, v6;
	v14 =	vsel vm2, $0x1, v1  }
0x211: {  	v32 =	vld [tilespmem:s31+$0x8680];
	vm6 =	vge.f32 v12, v6;
	v31 =	vsel vm3, $0x1, v1;
	v14 =	vadd.s32 v14, v17  }
0x212: {  	v33 =	vld [tilespmem:s31+$0x8600];
	vm7 =	vge.f32 v11, v6;
	v13 =	vsel vm4, $0x1, v1;
	v31 =	vadd.s32 v31, v14  }
0x213: {  	v16 =	vld [tilespmem:s31+$0x8580];
	vm8 =	vge.f32 v18, v6;
	v12 =	vsel vm5, $0x1, v1;
	v13 =	vadd.s32 v13, v31  }
0x214: {  	v34 =	vld [tilespmem:s31+$0x8700];
	vm9 =	vge.f32 v19, v6;
	v11 =	vsel vm6, $0x1, v1;
	v12 =	vadd.s32 v12, v13  }
0x215: {  	v35 =	vld [tilespmem:s31+$0x8780];
	vm10 =	vge.f32 v22, v6;
	v18 =	vsel vm7, $0x1, v1;
	[tilespmem:v17+s10+$0x0] =	vst.idx.msk vm2, v7;
	v11 =	vadd.s32 v11, v12  }
0x216: {  	vm11 =	vge.f32 v26, v6;
	v19 =	vsel vm8, $0x1, v1;
	[tilespmem:v14+s10+$0x0] =	vst.idx.msk vm3, v15;
	v14 =	vadd.s32 v18, v11  }
0x217: {  	v17 =	vsel vm9, $0x1, v1;
	vm2 =	vge.f32 v30, v6;
	[tilespmem:v31+s10+$0x0] =	vst.idx.msk vm4, v27;
	v18 =	vadd.s32 v19, v14  }
0x218: {  	v15 =	vsel vm10, $0x1, v1;
	vm3 =	vge.f32 v16, v6;
	[tilespmem:v13+s10+$0x0] =	vst.idx.msk vm5, v28;
	v17 =	vadd.s32 v17, v18  }
0x219: {  	v19 =	vsel vm11, $0x1, v1;
	vm4 =	vge.f32 v33, v6;
	[tilespmem:v12+s10+$0x0] =	vst.idx.msk vm6, v29;
	v63 =	vadd.s32 v15, v17  }
0x21a: {  	v13 =	vsel vm2, $0x1, v1;
	vm5 =	vge.f32 v32, v6;
	[tilespmem:v11+s10+$0x0] =	vst.idx.msk vm7, v23;
	v12 =	vadd.s32 v19, v63  }
0x21b: {  	v16 =	vsel vm4, $0x1, v1;
	v15 =	vsel vm3, $0x1, v1;
	[tilespmem:v14+s10+$0x0] =	vst.idx.msk vm8, v24;
	v13 =	vadd.s32 v13, v12  }
0x21c: {  	vm6 =	vge.f32 v34, v6;
	v19 =	vsel vm5, $0x1, v1;
	[tilespmem:v18+s10+$0x0] =	vst.idx.msk vm9, v25;
	v14 =	vadd.s32 v15, v13  }
0x21d: {  	vm7 =	vge.f32 v35, v6;
	v11 =	vsel vm6, $0x1, v1;
	[tilespmem:v17+s10+$0x0] =	vst.idx.msk vm10, v20;
	v15 =	vadd.s32 v16, v14  }
0x21e: {  	s20 =	simm.s32 $0x2000;
	v18 =	vadd.s32 $0x580, v7;
	v16 =	vsel vm7, $0x1, v1;
	[tilespmem:v63+s10+$0x0] =	vst.idx.msk vm11, v21;
	v17 =	vadd.s32 v19, v15  }
.LBB2_38:
0x21f: {  	v19 =	vadd.s32 $0x600, v9;
	p0 =	sne.s32 s20, $0xE000;
	[tilespmem:v12+s10+$0x0] =	vst.idx.msk vm2, v10;
	v10 =	vadd.s32 v11, v17;
	s21 =	smov.u32 s20;
	s20 =	sadd.s32 $0x2000, s20  }
0x220: {  	v11 =	vadd.s32 $0x680, v7;
	[tilespmem:v13+s10+$0x0] =	vst.idx.msk vm3, v18;
	v12 =	vadd.s32 v16, v10  }
0x221: {  	v13 =	vadd.s32 $0x700, v7;
	[tilespmem:v14+s10+$0x0] =	vst.idx.msk vm4, v8;
	v8 =	vmov v19  }
0x222: {  	[tilespmem:v15+s10+$0x0] =	vst.idx.msk vm5, v11;
	v11 =	vadd.s32 $0x780, v7;
	v7 =	vmov v9  }
0x223: {  	[tilespmem:v17+s10+$0x0] =	vst.idx.msk vm6, v13  }
0x224: {  	s21 =	sshra.s32 s21, $0x2;
	[tilespmem:v10+s10+$0x0] =	vst.idx.msk vm7, v11  }
0x225: {  	v11 =	vld [tilespmem:s21+$0x8280]  }
0x226: {  	v13 =	vld [tilespmem:s21+$0x8200]  }
0x227: {  	v14 =	vld [tilespmem:s21+$0x8180]  }
0x228: {  	v15 =	vld [tilespmem:s21+$0x8100]  }
0x229: {  	v16 =	vld [tilespmem:s21+$0x8080]  }
0x22a: {  	v17 =	vld [tilespmem:s21+$0x8000]  }
0x22b: {  	v9 =	vadd.s32 $0x800, v9;
	v18 =	vld [tilespmem:s21+$0x8300]  }
0x22c: {  	v20 =	vadd.s32 $0x400, v7;
	v21 =	vadd.s32 $0x480, v7;
	v10 =	vadd.s32 $0x500, v7;
	v19 =	vld [tilespmem:s21+$0x8380]  }
0x22d: {  	v23 =	vadd.s32 $0x280, v7;
	v24 =	vadd.s32 $0x300, v7;
	v25 =	vadd.s32 $0x380, v7;
	v22 =	vld [tilespmem:s21+$0x8400]  }
0x22e: {  	v27 =	vadd.s32 $0x100, v7;
	v28 =	vadd.s32 $0x180, v7;
	v29 =	vadd.s32 $0x200, v7;
	v26 =	vld [tilespmem:s21+$0x8480]  }
0x22f: {  	vm9 =	vge.f32 v16, v6;
	v16 =	vadd.s32 $0x80, v7;
	v30 =	vld [tilespmem:s21+$0x8500];
	vm8 =	vge.f32 v17, v6  }
0x230: {  	vm2 =	vge.f32 v15, v6;
	v31 =	vsel vm9, $0x1, v1;
	v17 =	vld [tilespmem:s21+$0x8580];
	v15 =	vsel vm8, $0x1, v1  }
0x231: {  	vm3 =	vge.f32 v14, v6;
	v14 =	vsel vm2, $0x1, v1;
	v32 =	vld [tilespmem:s21+$0x8680];
	v15 =	vadd.s32 v15, v12  }
0x232: {  	vm4 =	vge.f32 v13, v6;
	v13 =	vsel vm3, $0x1, v1;
	v33 =	vld [tilespmem:s21+$0x8600];
	v31 =	vadd.s32 v31, v15  }
0x233: {  	vm5 =	vge.f32 v11, v6;
	v11 =	vsel vm4, $0x1, v1;
	v34 =	vld [tilespmem:s21+$0x8700];
	v14 =	vadd.s32 v14, v31  }
0x234: {  	vm6 =	vge.f32 v18, v6;
	v18 =	vsel vm5, $0x1, v1;
	v35 =	vld [tilespmem:s21+$0x8780];
	v13 =	vadd.s32 v13, v14  }
0x235: {  	vm7 =	vge.f32 v19, v6;
	v19 =	vsel vm6, $0x1, v1;
	[tilespmem:v12+s10+$0x0] =	vst.idx.msk vm8, v7;
	v11 =	vadd.s32 v11, v13  }
0x236: {  	vm8 =	vge.f32 v22, v6;
	v12 =	vsel vm7, $0x1, v1;
	[tilespmem:v15+s10+$0x0] =	vst.idx.msk vm9, v16;
	v15 =	vadd.s32 v18, v11  }
0x237: {  	vm9 =	vge.f32 v26, v6;
	v16 =	vsel vm8, $0x1, v1;
	[tilespmem:v31+s10+$0x0] =	vst.idx.msk vm2, v27;
	v18 =	vadd.s32 v19, v15  }
0x238: {  	vm2 =	vge.f32 v30, v6;
	v19 =	vsel vm9, $0x1, v1;
	[tilespmem:v14+s10+$0x0] =	vst.idx.msk vm3, v28;
	v22 =	vadd.s32 v12, v18  }
0x239: {  	vm3 =	vge.f32 v17, v6;
	v14 =	vsel vm2, $0x1, v1;
	[tilespmem:v13+s10+$0x0] =	vst.idx.msk vm4, v29;
	v17 =	vadd.s32 v16, v22  }
.Ltmp28:
0x23a: {  	vm4 =	vge.f32 v33, v6;
	v16 =	vsel vm3, $0x1, v1;
	[tilespmem:v11+s10+$0x0] =	vst.idx.msk vm5, v23;
	v12 =	vadd.s32 v19, v17;
	(pc) =	sbr.rel @p0 .LBB2_38-.Ltmp28, $4  }
0x23b: {  	vm5 =	vge.f32 v32, v6;
	v19 =	vsel vm4, $0x1, v1;
	[tilespmem:v15+s10+$0x0] =	vst.idx.msk vm6, v24;
	v13 =	vadd.s32 v14, v12  }
0x23c: {  	vm6 =	vge.f32 v34, v6;
	v23 =	vsel vm5, $0x1, v1;
	[tilespmem:v18+s10+$0x0] =	vst.idx.msk vm7, v25;
	v14 =	vadd.s32 v16, v13  }
0x23d: {  	vm7 =	vge.f32 v35, v6;
	v11 =	vsel vm6, $0x1, v1;
	[tilespmem:v22+s10+$0x0] =	vst.idx.msk vm8, v20;
	v15 =	vadd.s32 v19, v14  }
0x23e: {  	v18 =	vadd.s32 $0x580, v7;
	v16 =	vsel vm7, $0x1, v1;
	[tilespmem:v17+s10+$0x0] =	vst.idx.msk vm9, v21;
	v17 =	vadd.s32 v23, v15  }
0x23f: {  	v19 =	vadd.s32 v11, v17  }
0x240: {  	v16 =	vadd.s32 v16, v19  }
0x241: {  	v11 =	vadd.s32 v2, v16  }
0x242: {  	(xrf0) =	vadd.scan.msk.s32 $0xffff, v11;
	_ =	sdelay $0x5  }
0x243: {  	v9, _, _ =	vpop (xrf0)  }
0x244: {  	(v2sf) =	vpush v9, $0xF;
	_ =	sdelay $0x4  }
0x245: {  	v20 =	vxor.u32 $0x80000000, v11  }
0x246: {  	(xrf0) =	vmax.scan.msk.u32 $0xffff, v20;
	_ =	sdelay $0x5  }
0x247: {  	v20, _, _ =	vpop (xrf0)  }
0x248: {  	(v2sf) =	vpush v20, $0xF;
	_ =	sdelay $0x1  }
0x249: {  	s20 =	spop (v2sf)  }
0x24a: {  	s20 =	sadd.s32 $0xF, s20  }
0x24b: {  	s21 =	sand.u32 $0xF, s20  }
0x24c: {  	s22 =	sshra.s32 s20, $0x1F;
	p0 =	slt.s32 s20, $0x1;
	p1 =	sne.s32 s21, $0x0  }
0x24d: {  	s31 =	sshrl.u32 s22, $0x1C;
	p0 =	por !p0, !p1  }
0x24e: {  	s21 =	simm.s32 $0x1;
	s20 =	sadd.s32 s31, s20;
	p0 =	por !p0, !p0  }
0x24f: {  	s20 =	sshra.s32 s20, $0x4;
	s21 =	simm.s32 @!p0 $0x0  }
0x250: {  	s22 =	ssub.s32 s20, s21  }
0x251: {  	[tilespmem:v12+s10+$0x0] =	vst.idx.msk vm2, v10;
	p0 =	sgt.s32 s22, $0x0  }
.Ltmp29:
0x252: {  	[tilespmem:v13+s10+$0x0] =	vst.idx.msk vm3, v18;
	(pc) =	sbr.rel @!p0 .LBB2_40-.Ltmp29, $4  }
0x253: {  	v10 =	vadd.s32 $0x680, v7;
	[tilespmem:v14+s10+$0x0] =	vst.idx.msk vm4, v8  }
0x254: {  	v8 =	vadd.s32 $0x700, v7;
	[tilespmem:v15+s10+$0x0] =	vst.idx.msk vm5, v10  }
0x255: {  	v7 =	vadd.s32 $0x780, v7;
	[tilespmem:v17+s10+$0x0] =	vst.idx.msk vm6, v8  }
0x256: {  	[tilespmem:v19+s10+$0x0] =	vst.idx.msk vm7, v7;
	s20 =	spop (v2sf);
	s21 =	simm.s32 $0x10800  }
0x257: {  	p0 =	seq.s32 s22, $0x1  }
.Ltmp30:
0x258: {  	_ = 	snop;
	(pc) =	sbr.rel @p0 .LBB2_40-.Ltmp30, $2  }
0x259: {  	_ =	sdelay $0x2  }
0x25a: {  	s23 =	sadd.s32 $0xFFFFFFFF, s22;
	[tilespmem:s21+$0x0] =	vst v1  }
.LBB2_47:
0x25b: {  	p0 =	seq.s32 s23, $0x1  }
.Ltmp31:
0x25c: {  	_ = 	snop;
	(pc) =	sbr.rel @!p0 .LBB2_47-.Ltmp31, $3  }
0x25d: {  	_ =	sdelay $0x1  }
0x25e: {  	s23 =	sadd.s32 $0xFFFFFFFF, s23;
	s21 =	sadd.s32 $0x10, s21  }
0x25f: {  	[tilespmem:s21+$0x0] =	vst v1  }
.LBB2_40:
0x260: {  	s20 =	sxor.u32 $0x80000000, s20  }
0x261: {  	p0 =	sgt.s32 s20, $0x0  }
.Ltmp32:
0x262: {  	_ = 	snop;
	(pc) =	sbr.rel @!p0 .LBB2_44-.Ltmp32, $1  }
0x263: {  	_ =	sdelay $0x3  }
0x264: {  	s23 =	simm.s32 $0x0  }
0x265: {  	p0 =	seq.s32 s20, $0x1;
	v8 =	vadd.s32 s23, v3  }
.Ltmp33:
0x266: {  	_ = 	snop;
	(pc) =	sbr.rel @p0 .LBB2_43-.Ltmp33, $4  }
0x267: {  	_ = 	snop  }
0x268: {  	v7 =	vsub.s32 v9, v16  }
0x269: {  	v7 =	vadd.s32 v3, v7;
	vm2 =	vgt.s32 v11, s23  }
0x26a: {  	s21 =	simm.s32 $0x1;
	v10 =	vadd.s32 s23, v7;
	v8 =	vld.idx.msk [tilespmem:v8+s10+$0x0], $0xffff  }
.LBB2_42:
0x26b: {  	v12 =	vadd.s32 s21, v3;
	s23 =	smov.u32 s21;
	s21 =	sadd.s32 $0x1, s21  }
0x26c: {  	p0 =	seq.s32 s20, s21  }
.Ltmp34:
0x26d: {  	(pc) =	sbr.rel @!p0 .LBB2_42-.Ltmp34, $4  }
0x26e: {  	_ = 	snop  }
0x26f: {  	[tilespmem:v10+s11+$0x0] =	vst.idx.msk vm2, v8  }
0x270: {  	vm2 =	vgt.s32 v11, s23;
	v8 =	vld.idx.msk [tilespmem:v12+s10+$0x0], $0xffff  }
0x271: {  	v10 =	vadd.s32 s23, v7  }
.LBB2_43:
0x272: {  	_ =	sdelay $0x4  }
0x273: {  	[tilespmem:v10+s11+$0x0] =	vst.idx.msk vm2, v8  }
.LBB2_44:
0x274: {  	p0 =	slt.s32 s22, $0x1  }
.Ltmp35:
0x275: {  	_ = 	snop;
	(pc) =	sbr.rel @p0 .LBB2_45-.Ltmp35, $1  }
0x276: {  	_ =	sdelay $0x3  }
0x277: {  	s20 =	simm.s32 $0x10800  }
0x278: {  	v8 =	vld [tilespmem:s20+$0x0];
	_ =	sdelay $0x4  }
0x279: {  	v7 =	vbroadcast v9, $0xF;
	v9 =	vand.u32 $0x7F, v8;
	v10 =	vand.u32 $0xFFFFFF80, v8  }
0x27a: {  	v11 =	vadd.s32 $0x10, v9;
	v12 =	vadd.s32 $0x20, v9;
	v13 =	vadd.s32 $0x50, v9  }
0x27b: {  	v16 =	vadd.s32 $0x40, v9;
	v17 =	vadd.s32 $0x30, v9;
	v14 =	vand.u32 $0x80, v11  }
0x27c: {  	v15 =	vand.u32 $0x80, v12;
	v11 =	vand.u32 $0x7F, v11;
	v12 =	vand.u32 $0x7F, v12  }
0x27d: {  	v18 =	vand.u32 $0x80, v13;
	v13 =	vand.u32 $0x7F, v13;
	v14 =	vadd.s32 v10, v14  }
0x27e: {  	v11 =	vor.u32 v11, v14;
	v14 =	vadd.s32 v10, v15;
	v15 =	vand.u32 $0x80, v16  }
0x27f: {  	v16 =	vand.u32 $0x7F, v16;
	v12 =	vor.u32 v12, v14;
	v14 =	vand.u32 $0x80, v17  }
0x280: {  	v15 =	vadd.s32 v10, v15;
	v17 =	vand.u32 $0x7F, v17;
	v14 =	vadd.s32 v10, v14  }
0x281: {  	v15 =	vor.u32 v16, v15;
	v16 =	vadd.s32 v10, v18;
	v14 =	vor.u32 v17, v14  }
0x282: {  	v17 =	vadd.s32 $0x60, v9;
	v13 =	vor.u32 v13, v16  }
0x283: {  	v16 =	vld.idx.msk [tilespmem:v8+s15+$0x0], $0xffff;
	v18 =	vand.u32 $0x80, v17  }
0x284: {  	v9 =	vadd.s32 $0x70, v9;
	v17 =	vand.u32 $0x7F, v17;
	v11 =	vld.idx.msk [tilespmem:v11+s15+$0x0], $0xffff;
	v18 =	vadd.s32 v10, v18  }
0x285: {  	v19 =	vand.u32 $0x80, v9;
	v12 =	vld.idx.msk [tilespmem:v12+s15+$0x0], $0xffff;
	v17 =	vor.u32 v17, v18  }
0x286: {  	s21 =	simm.s32 $0x0;
	v9 =	vand.u32 $0x7F, v9;
	v10 =	vadd.s32 v10, v19;
	v14 =	vld.idx.msk [tilespmem:v14+s15+$0x0], $0xffff  }
0x287: {  	v10 =	vor.u32 v9, v10;
	v18 =	vor.u32 s21, v0;
	v13 =	vld.idx.msk [tilespmem:v13+s15+$0x0], $0xffff  }
0x288: {  	v9 =	vadd.s32 $0x40, v8;
	v15 =	vld.idx.msk [tilespmem:v15+s15+$0x0], $0xffff;
	vm6 =	vlt.s32 v18, v7;
	vm2 =	vge.f32 v16, v6  }
0x289: {  	v18 =	vadd.s32 $0x20, v8;
	v16 =	vadd.s32 $0x10, v8;
	vm7 =	vmand vm6, vm2  }
0x28a: {  	vm3 =	vge.f32 v11, v6;
	v11 =	vld.idx.msk [tilespmem:v17+s15+$0x0], $0xffff;
	vm2 =	vge.f32 v12, v6;
	v12 =	vsel vm7, $0x1, v1  }
0x28b: {  	vm8 =	vmand vm6, vm3;
	vm9 =	vmand vm6, vm2;
	v17 =	vadd.s32 v12, v4  }
0x28c: {  	vm2 =	vge.f32 v14, v6;
	v14 =	vld.idx.msk [tilespmem:v10+s15+$0x0], $0xffff;
	v10 =	vsel vm8, $0x1, v1;
	vm4 =	vge.f32 v13, v6  }
0x28d: {  	vm3 =	vmand vm6, vm2;
	vm2 =	vge.f32 v15, v6;
	v15 =	vsel vm9, $0x1, v1  }
0x28e: {  	p0 =	sne.s32 s22, $0x1;
	v19 =	vadd.s32 v10, v17;
	vm4 =	vmand vm6, vm4;
	vm2 =	vmand vm6, vm2  }
.Ltmp36:
0x28f: {  	v12 =	vsel vm3, $0x1, v1;
	vm5 =	vge.f32 v11, v6;
	v11 =	vadd.s32 v15, v19;
	(pc) =	sbr.rel @!p0 .LBB2_50-.Ltmp36, $4  }
0x290: {  	v13 =	vsel vm2, $0x1, v1;
	v15 =	vsel vm4, $0x1, v1;
	v10 =	vadd.s32 v12, v11  }
0x291: {  	[tilespmem:v4+s12+$0x0] =	vst.idx.msk vm7, v8;
	vm5 =	vmand vm6, vm5;
	vm7 =	vge.f32 v14, v6;
	v12 =	vadd.s32 v13, v10  }
0x292: {  	[tilespmem:v17+s12+$0x0] =	vst.idx.msk vm8, v16;
	v20 =	vsel vm5, $0x1, v1;
	vm6 =	vmand vm6, vm7;
	v13 =	vadd.s32 v15, v12  }
0x293: {  	s22 =	sadd.s32 $0xFFFFFFFF, s22;
	v16 =	vadd.s32 $0x30, v8;
	[tilespmem:v19+s12+$0x0] =	vst.idx.msk vm9, v18;
	v14 =	vsel vm6, $0x1, v1;
	v15 =	vadd.s32 v20, v13  }
.LBB2_49:
0x294: {  	p0 =	sne.s32 s22, $0x1;
	[tilespmem:v11+s12+$0x0] =	vst.idx.msk vm3, v16;
	s20 =	sadd.s32 $0x10, s20;
	s21 =	sadd.s32 $0x10, s21  }
0x295: {  	s22 =	sadd.s32 $0xFFFFFFFF, s22;
	v11 =	vadd.s32 $0x50, v8;
	[tilespmem:v10+s12+$0x0] =	vst.idx.msk vm2, v9  }
0x296: {  	v9 =	vadd.s32 $0x60, v8;
	[tilespmem:v12+s12+$0x0] =	vst.idx.msk vm4, v11  }
0x297: {  	v8 =	vadd.s32 $0x70, v8;
	[tilespmem:v13+s12+$0x0] =	vst.idx.msk vm5, v9  }
0x298: {  	v10 =	vadd.s32 v14, v15;
	[tilespmem:v15+s12+$0x0] =	vst.idx.msk vm6, v8  }
0x299: {  	v8 =	vld [tilespmem:s20+$0x0];
	_ =	sdelay $0x4  }
0x29a: {  	v11 =	vand.u32 $0xFFFFFF80, v8;
	v12 =	vand.u32 $0x7F, v8;
	v9 =	vadd.s32 $0x40, v8  }
0x29b: {  	v13 =	vadd.s32 $0x10, v12;
	v14 =	vadd.s32 $0x20, v12;
	v15 =	vadd.s32 $0x50, v12  }
0x29c: {  	v18 =	vadd.s32 $0x40, v12;
	v16 =	vand.u32 $0x80, v13;
	v17 =	vand.u32 $0x80, v14  }
0x29d: {  	v13 =	vand.u32 $0x7F, v13;
	v14 =	vand.u32 $0x7F, v14;
	v16 =	vadd.s32 v11, v16  }
0x29e: {  	v13 =	vor.u32 v13, v16;
	v16 =	vadd.s32 v11, v17;
	v17 =	vand.u32 $0x80, v18  }
0x29f: {  	v19 =	vand.u32 $0x80, v15;
	v14 =	vor.u32 v14, v16;
	v16 =	vadd.s32 $0x30, v12  }
0x2a0: {  	v18 =	vand.u32 $0x7F, v18;
	v17 =	vadd.s32 v11, v17;
	v20 =	vand.u32 $0x80, v16  }
0x2a1: {  	v16 =	vand.u32 $0x7F, v16;
	v17 =	vor.u32 v18, v17;
	v20 =	vadd.s32 v11, v20  }
0x2a2: {  	v15 =	vand.u32 $0x7F, v15;
	v18 =	vadd.s32 v11, v19;
	v16 =	vor.u32 v16, v20  }
0x2a3: {  	v15 =	vor.u32 v15, v18;
	v18 =	vadd.s32 $0x60, v12;
	v12 =	vadd.s32 $0x70, v12  }
0x2a4: {  	v20 =	vand.u32 $0x80, v18;
	v21 =	vand.u32 $0x80, v12;
	v12 =	vand.u32 $0x7F, v12;
	v19 =	vld.idx.msk [tilespmem:v8+s15+$0x0], $0xffff  }
0x2a5: {  	v18 =	vand.u32 $0x7F, v18;
	v20 =	vadd.s32 v11, v20;
	v11 =	vadd.s32 v11, v21;
	v13 =	vld.idx.msk [tilespmem:v13+s15+$0x0], $0xffff  }
0x2a6: {  	v18 =	vor.u32 v18, v20;
	v11 =	vor.u32 v12, v11;
	v14 =	vld.idx.msk [tilespmem:v14+s15+$0x0], $0xffff  }
0x2a7: {  	v12 =	vld.idx.msk [tilespmem:v16+s15+$0x0], $0xffff  }
0x2a8: {  	v16 =	vld.idx.msk [tilespmem:v17+s15+$0x0], $0xffff  }
0x2a9: {  	v17 =	vor.u32 s21, v0;
	v15 =	vld.idx.msk [tilespmem:v15+s15+$0x0], $0xffff  }
0x2aa: {  	vm6 =	vlt.s32 v17, v7;
	v17 =	vadd.s32 $0x20, v8;
	vm2 =	vge.f32 v19, v6  }
0x2ab: {  	v19 =	vadd.s32 $0x10, v8;
	vm5 =	vmand vm6, vm2;
	vm2 =	vge.f32 v13, v6;
	v18 =	vld.idx.msk [tilespmem:v18+s15+$0x0], $0xffff  }
0x2ac: {  	vm7 =	vmand vm6, vm2;
	vm2 =	vge.f32 v14, v6;
	v13 =	vld.idx.msk [tilespmem:v11+s15+$0x0], $0xffff;
	v11 =	vsel vm5, $0x1, v1  }
0x2ad: {  	vm8 =	vmand vm6, vm2;
	vm2 =	vge.f32 v12, v6;
	v12 =	vsel vm7, $0x1, v1  }
0x2ae: {  	vm3 =	vmand vm6, vm2;
	vm2 =	vge.f32 v16, v6;
	v14 =	vsel vm8, $0x1, v1  }
0x2af: {  	v20 =	vadd.s32 v11, v10;
	vm2 =	vmand vm6, vm2;
	v16 =	vsel vm3, $0x1, v1  }
0x2b0: {  	vm4 =	vge.f32 v15, v6;
	v21 =	vadd.s32 v12, v20;
	v15 =	vsel vm2, $0x1, v1  }
.Ltmp37:
0x2b1: {  	vm4 =	vmand vm6, vm4;
	v11 =	vadd.s32 v14, v21;
	vm9 =	vge.f32 v18, v6;
	[tilespmem:v10+s12+$0x0] =	vst.idx.msk vm5, v8;
	(pc) =	sbr.rel @p0 .LBB2_49-.Ltmp37, $4  }
0x2b2: {  	v14 =	vsel vm4, $0x1, v1;
	vm5 =	vmand vm6, vm9;
	v10 =	vadd.s32 v16, v11  }
0x2b3: {  	vm9 =	vge.f32 v13, v6;
	v18 =	vsel vm5, $0x1, v1;
	v12 =	vadd.s32 v15, v10  }
0x2b4: {  	v16 =	vadd.s32 $0x30, v8;
	vm6 =	vmand vm6, vm9;
	v13 =	vadd.s32 v14, v12;
	[tilespmem:v20+s12+$0x0] =	vst.idx.msk vm7, v19  }
0x2b5: {  	v14 =	vsel vm6, $0x1, v1;
	v15 =	vadd.s32 v18, v13;
	[tilespmem:v21+s12+$0x0] =	vst.idx.msk vm8, v17  }
.LBB2_50:
0x2b6: {  	_ =	sdelay $0x4  }
.Ltmp38:
0x2b7: {  	[tilespmem:v11+s12+$0x0] =	vst.idx.msk vm3, v16;
	(pc) =	sbr.rel .LBB2_51-.Ltmp38, $4  }
0x2b8: {  	v6 =	vadd.s32 $0x50, v8;
	[tilespmem:v10+s12+$0x0] =	vst.idx.msk vm2, v9  }
0x2b9: {  	v7 =	vadd.s32 $0x60, v8;
	[tilespmem:v12+s12+$0x0] =	vst.idx.msk vm4, v6  }
0x2ba: {  	v6 =	vadd.s32 $0x70, v8;
	[tilespmem:v13+s12+$0x0] =	vst.idx.msk vm5, v7;
	v7 =	vadd.s32 v14, v15  }
0x2bb: {  	[tilespmem:v15+s12+$0x0] =	vst.idx.msk vm6, v6;
	v8 =	vadd.s32 v5, v7  }
.LBB2_45:
0x2bc: {  	v8 =	vimm.s32 $0x0  }
.LBB2_51:
0x2bd: {  	_ =	sdelay $0x3  }
0x2be: {  	v9 =	vld.idx.msk [tilespmem:v4+s12+$0x0], $0xffff;
	v6 =	vxor.u32 $0x80000000, v8  }
0x2bf: {  	(xrf0) =	vmax.scan.msk.u32 $0xffff, v6;
	_ =	sdelay $0x3  }
0x2c0: {  	v6 =	vand.u32 $0x3FFF, v9;
	_ =	sdelay $0x1  }
0x2c1: {  	v7, _, _ =	vpop (xrf0)  }
0x2c2: {  	(v2sf) =	vpush v7, $0xF;
	_ =	sdelay $0x1  }
0x2c3: {  	v6 =	vld.idx.msk [tilespmem:v6+s15+$0x0], $0xffff;
	_ =	sdelay $0x3  }
0x2c4: {  	vm2 =	vgt.s32 v8, $0x0  }
0x2c5: {  	v12 =	vnsel vm2, $0xFE967699, v6  }
0x2c6: {  	(xrf1) =	vsort.ascd.msk.f32 $0xffff, v12, v9;
	_ =	sdelay $0x6  }
0x2c7: {  	s20 =	spop (v2sf)  }
0x2c8: {  	s21 =	sxor.u32 $0x80000000, s20  }
0x2c9: {  	p0 =	slt.s32 s21, $0x2  }
.Ltmp39:
0x2ca: {  	_ = 	snop;
	(pc) =	sbr.rel @p0 .LBB2_59-.Ltmp39, $2  }
0x2cb: {  	_ =	sdelay $0x2  }
0x2cc: {  	v7, v6, _ =	vpop (xrf1)  }
0x2cd: {  	s21 =	simm.s32 $0x1  }
0x2ce: {  	v10 =	vadd.s32 s21, v4;
	_ =	sdelay $0x4  }
0x2cf: {  	p3 =	sne.s32 s20, $0x80000002;
	v10 =	vld.idx.msk [tilespmem:v10+s12+$0x0], $0xffff  }
.Ltmp40:
0x2d0: {  	_ = 	snop;
	(pc) =	sbr.rel @!p3 .LBB2_53-.Ltmp40, $2  }
0x2d1: {  	_ =	sdelay $0x2  }
0x2d2: {  	p1 =	por $0x0, $0x0;
	p2 =	por $0x0, $0x0;
	v11 =	vand.u32 $0x3FFF, v10  }
0x2d3: {  	s22 =	simm.s32 $0x2  }
0x2d4: {  	v13 =	vadd.s32 s22, v4;
	_ =	sdelay $0x3  }
0x2d5: {  	v11 =	vld.idx.msk [tilespmem:v11+s15+$0x0], $0xffff  }
0x2d6: {  	p3 =	sne.s32 s20, $0x80000003;
	v13 =	vld.idx.msk [tilespmem:v13+s12+$0x0], $0xffff  }
.Ltmp41:
0x2d7: {  	_ = 	snop;
	(pc) =	sbr.rel @!p3 .LBB2_55-.Ltmp41, $4  }
0x2d8: {  	_ = 	snop  }
0x2d9: {  	vm2 =	vgt.s32 v8, s21  }
0x2da: {  	v11 =	vnsel vm2, $0xFE967699, v11  }
0x2db: {  	p1 =	por $0x1, $0x1;
	(xrf1) =	vsort.dscd.msk.f32 $0xffff, v11, v10;
	v11 =	vand.u32 $0x3FFF, v13  }
0x2dc: {  	_ =	sdelay $0x8  }
0x2dd: {  	s21 =	simm.s32 $0x3;
	v11 =	vld.idx.msk [tilespmem:v11+s15+$0x0], $0xffff  }
0x2de: {  	v10 =	vadd.s32 s21, v4;
	_ =	sdelay $0x2  }
0x2df: {  	vm2 =	vgt.s32 v8, s22;
	v14, v15, _ =	vpop (xrf1)  }
0x2e0: {  	v11 =	vnsel vm2, $0xFE967699, v11;
	vm2 =	vge.f32 v7, v14  }
0x2e1: {  	p3 =	sne.s32 s20, $0x80000004;
	v10 =	vld.idx.msk [tilespmem:v10+s12+$0x0], $0xffff;
	(xrf1) =	vsort.dscd.msk.f32 $0xffff, v11, v13;
	v11 =	vsel vm2, v7, v14;
	v13 =	vsel vm2, v6, v15  }
.Ltmp42:
0x2e2: {  	(xrf1) =	vsort.ascd.msk.f32 $0xffff, v11, v13;
	(pc) =	sbr.rel @!p3 .LBB2_58-.Ltmp42, $2  }
0x2e3: {  	_ =	sdelay $0x2  }
0x2e4: {  	s22 =	simm.s32 $0x80000004;
	p2 =	por $0x1, $0x1;
	v11 =	vand.u32 $0x3FFF, v10  }
.LBB2_57:
0x2e5: {  	_ =	sdelay $0x3  }
0x2e6: {  	s23 =	sadd.s32 $0x80000000, s22;
	v11 =	vld.idx.msk [tilespmem:v11+s15+$0x0], $0xffff  }
0x2e7: {  	s22 =	sadd.s32 $0x1, s22;
	v13 =	vadd.s32 s23, v4  }
0x2e8: {  	p3 =	sne.s32 s20, s22;
	_ =	sdelay $0x1  }
0x2e9: {  	v14, v15, _ =	vpop (xrf1)  }
0x2ea: {  	vm2 =	vgt.s32 v8, s21;
	s21 =	smov.u32 s23;
	v17, v16, _ =	vpop (xrf1)  }
0x2eb: {  	v11 =	vnsel vm2, $0xFE967699, v11;
	v13 =	vld.idx.msk [tilespmem:v13+s12+$0x0], $0xffff;
	vm2 =	vge.f32 v17, v14  }
0x2ec: {  	(xrf1) =	vsort.dscd.msk.f32 $0xffff, v11, v10;
	v10 =	vsel vm2, v17, v14;
	v11 =	vsel vm2, v16, v15  }
.Ltmp43:
0x2ed: {  	(xrf1) =	vsort.ascd.msk.f32 $0xffff, v10, v11;
	(pc) =	sbr.rel @p3 .LBB2_57-.Ltmp43, $2  }
0x2ee: {  	_ =	sdelay $0x2  }
0x2ef: {  	v11 =	vand.u32 $0x3FFF, v13;
	v10 =	vmov v13  }
.LBB2_58:
0x2f0: {  	_ =	sdelay $0x5  }
0x2f1: {  	v11 =	vld.idx.msk [tilespmem:v11+s15+$0x0], $0xffff;
	_ =	sdelay $0x1  }
0x2f2: {  	v13, v14, _ =	vpop @p1 (xrf1)  }
0x2f3: {  	v15, v16, _ =	vpop @p2 (xrf1)  }
0x2f4: {  	vm2 =	vgt.s32 v8, s21;
	v15 =	vpsel p2, v15, v7  }
0x2f5: {  	v11 =	vnsel vm2, $0xFE967699, v11;
	v16 =	vpsel p2, v16, v6;
	vm2 =	vge.f32 @p1 v15, v13  }
0x2f6: {  	(xrf1) =	vsort.dscd.msk.f32 $0xffff, v11, v10;
	v10 =	vsel @p1 vm2, v15, v13;
	v11 =	vsel @p1 vm2, v16, v14  }
0x2f7: {  	(xrf1) =	vsort.ascd.msk.f32 @p1 $0xffff, v10, v11;
	_ =	sdelay $0xc  }
0x2f8: {  	v10, v11, _ =	vpop (xrf1)  }
0x2f9: {  	v13, v14, _ =	vpop @p1 (xrf1)  }
0x2fa: {  	v7 =	vpsel p1, v13, v7  }
0x2fb: {  	v6 =	vpsel p1, v14, v6;
	vm2 =	vge.f32 v7, v10  }
0x2fc: {  	v7 =	vsel vm2, v7, v10;
	v6 =	vsel vm2, v6, v11  }
0x2fd: {  	(xrf1) =	vsort.ascd.msk.f32 $0xffff, v7, v6;
	_ =	sdelay $0xd  }
0x2fe: {  	v7, v6, _ =	vpop (xrf1)  }
.LBB2_59:
0x2ff: {  	(xrf0) =	vmax.scan.msk.f32 $0xffff, v7;
	v10 =	vsel vm0, $0xFE967699, v7  }
0x300: {  	(xrf0) =	vmax.scan.msk.f32 $0xffff, v10;
	_ =	sdelay $0x4  }
0x301: {  	v10, _, _ =	vpop (xrf0)  }
0x302: {  	v11, _, _ =	vpop (xrf0)  }
0x303: {  	v11 =	vbroadcast v11, $0xF;
	_ =	sdelay $0x1  }
0x304: {  	vm2 =	vgt.f32 v7, v11  }
0x305: {  	v13 =	vsel vm2, $0x1, v1  }
0x306: {  	(xrf0) =	vadd.scan.msk.s32 $0xffff, v13;
	_ =	sdelay $0x5  }
0x307: {  	vm3 =	veq.f32 v12, v11;
	v13, _, _ =	vpop (xrf0)  }
0x308: {  	v9 =	vnsel vm3, $0x100000, v9;
	(v2sf) =	vpush v13, $0xF  }
0x309: {  	(xrf1) =	vsort.ascd.msk.u32 $0xffff, v9, v9;
	_ =	sdelay $0x9  }
.Ltmp44:
0x30a: {  	_ = 	snop;
	(pc) =	sbr.rel @p0 .LBB2_67-.Ltmp44, $2  }
0x30b: {  	_ =	sdelay $0x2  }
0x30c: {  	v9, _, _ =	vpop (xrf1);
	s21 =	spop (v2sf)  }
0x30d: {  	s22 =	simm.s32 $0x1  }
0x30e: {  	v12 =	vadd.s32 s22, v4;
	_ =	sdelay $0x4  }
0x30f: {  	p2 =	sne.s32 s20, $0x80000002;
	v12 =	vld.idx.msk [tilespmem:v12+s12+$0x0], $0xffff  }
.Ltmp45:
0x310: {  	_ = 	snop;
	(pc) =	sbr.rel @!p2 .LBB2_61-.Ltmp45, $2  }
0x311: {  	_ =	sdelay $0x2  }
0x312: {  	p0 =	por $0x0, $0x0;
	p1 =	por $0x0, $0x0;
	v14 =	vand.u32 $0x3FFF, v12  }
0x313: {  	_ =	sdelay $0x2  }
0x314: {  	s23 =	simm.s32 $0x2  }
0x315: {  	v14 =	vld.idx.msk [tilespmem:v14+s15+$0x0], $0xffff;
	v13 =	vadd.s32 s23, v4;
	_ =	sdelay $0x3  }
0x316: {  	vm3 =	vgt.s32 v8, s22  }
0x317: {  	v15 =	vld.idx.msk [tilespmem:v13+s12+$0x0], $0xffff;
	v13 =	vnsel vm3, $0xFE967699, v14  }
0x318: {  	vm3 =	veq.f32 v13, v11  }
0x319: {  	v12 =	vnsel vm3, $0x100000, v12  }
0x31a: {  	p2 =	sne.s32 s20, $0x80000003;
	(xrf1) =	vsort.ascd.msk.u32 $0xffff, v12, v12  }
.Ltmp46:
0x31b: {  	_ = 	snop;
	(pc) =	sbr.rel @!p2 .LBB2_63-.Ltmp46, $2  }
0x31c: {  	_ =	sdelay $0x2  }
0x31d: {  	p0 =	por $0x1, $0x1;
	v14 =	vand.u32 $0x3FFF, v15  }
0x31e: {  	_ =	sdelay $0x3  }
0x31f: {  	s22 =	simm.s32 $0x3;
	v14 =	vld.idx.msk [tilespmem:v14+s15+$0x0], $0xffff  }
0x320: {  	v12 =	vadd.s32 s22, v4;
	_ =	sdelay $0x1  }
0x321: {  	v13 =	vmul.u32 $0xFFFFFFFF, v0  }
0x322: {  	vm3 =	vgt.s32 v8, s23  }
0x323: {  	v13 =	vadd.s32 $0xF, v13;
	v14 =	vnsel vm3, $0xFE967699, v14;
	v16, _, _ =	vpop (xrf1)  }
0x324: {  	v12 =	vld.idx.msk [tilespmem:v12+s12+$0x0], $0xffff;
	vm3 =	veq.f32 v14, v11;
	v16 =	vperm.xlane v16, v13  }
0x325: {  	v14 =	vnsel vm3, $0x100000, v15  }
0x326: {  	(xrf1) =	vsort.ascd.msk.u32 $0xffff, v14, v14;
	vm3 =	vlt.s32 v9, v16  }
0x327: {  	v14 =	vsel vm3, v9, v16  }
0x328: {  	p2 =	sne.s32 s20, $0x80000004;
	(xrf1) =	vsort.ascd.msk.u32 $0xffff, v14, v14  }
.Ltmp47:
0x329: {  	v14 =	vand.u32 $0x3FFF, v12;
	(pc) =	sbr.rel @!p2 .LBB2_66-.Ltmp47, $2  }
0x32a: {  	_ =	sdelay $0x2  }
0x32b: {  	s23 =	simm.s32 $0x80000004;
	p1 =	por $0x1, $0x1  }
.LBB2_65:
0x32c: {  	s24 =	sadd.s32 $0x80000000, s23;
	s23 =	sadd.s32 $0x1, s23;
	v14 =	vld.idx.msk [tilespmem:v14+s15+$0x0], $0xffff  }
0x32d: {  	v15 =	vadd.s32 s24, v4;
	p2 =	sne.s32 s20, s23;
	_ =	sdelay $0x3  }
0x32e: {  	vm3 =	vgt.s32 v8, s22;
	s22 =	smov.u32 s24  }
0x32f: {  	v14 =	vnsel vm3, $0xFE967699, v14;
	v15 =	vld.idx.msk [tilespmem:v15+s12+$0x0], $0xffff;
	v16, _, _ =	vpop (xrf1)  }
0x330: {  	vm3 =	veq.f32 v14, v11;
	v14 =	vperm.xlane v16, v13  }
.Ltmp48:
0x331: {  	v12 =	vnsel vm3, $0x100000, v12;
	v16, _, _ =	vpop (xrf1);
	(pc) =	sbr.rel @p2 .LBB2_65-.Ltmp48, $4  }
0x332: {  	(xrf1) =	vsort.ascd.msk.u32 $0xffff, v12, v12;
	vm3 =	vlt.s32 v16, v14  }
0x333: {  	v16 =	vsel vm3, v16, v14  }
0x334: {  	(xrf1) =	vsort.ascd.msk.u32 $0xffff, v16, v16  }
0x335: {  	v14 =	vand.u32 $0x3FFF, v15;
	v12 =	vmov v15  }
.Ltmp49:
0x336: {  	_ = 	snop;
	(pc) =	sbr.rel .LBB2_66-.Ltmp49, $1  }
0x337: {  	_ =	sdelay $0x3  }
.LBB2_20:
.Ltmp50:
0x338: {  	(pc) =	sbr.rel .LBB2_25-.Ltmp50, $2  }
0x339: {  	_ =	sdelay $0x2  }
0x33a: {  	_ = 	snop  }
.LBB2_28:
.Ltmp51:
0x33b: {  	(pc) =	sbr.rel .LBB2_33-.Ltmp51, $2  }
0x33c: {  	_ =	sdelay $0x2  }
0x33d: {  	_ = 	snop  }
.LBB2_22:
.Ltmp52:
0x33e: {  	(pc) =	sbr.rel .LBB2_25-.Ltmp52, $2  }
0x33f: {  	_ =	sdelay $0x2  }
0x340: {  	s21 =	simm.s32 $0x2;
	v10 =	vmov v13  }
.LBB2_30:
.Ltmp53:
0x341: {  	(pc) =	sbr.rel .LBB2_33-.Ltmp53, $2  }
0x342: {  	_ =	sdelay $0x2  }
0x343: {  	s22 =	simm.s32 $0x2;
	v12 =	vmov v15  }
.LBB2_53:
.Ltmp54:
0x344: {  	(pc) =	sbr.rel .LBB2_58-.Ltmp54, $2  }
0x345: {  	_ =	sdelay $0x2  }
0x346: {  	_ = 	snop  }
.LBB2_55:
.Ltmp55:
0x347: {  	(pc) =	sbr.rel .LBB2_58-.Ltmp55, $2  }
0x348: {  	_ =	sdelay $0x2  }
0x349: {  	s21 =	simm.s32 $0x2;
	v10 =	vmov v13  }
.LBB2_63:
.Ltmp56:
0x34a: {  	(pc) =	sbr.rel .LBB2_66-.Ltmp56, $2  }
0x34b: {  	_ =	sdelay $0x2  }
0x34c: {  	s22 =	simm.s32 $0x2;
	v12 =	vmov v15  }
.LBB2_70:
0x34d: {  	_ =	sfence.sel $0x180000  }
0x34e: {  	[bflag:$0x0] =	sbarrier.arrive $0xFFFF  }
0x34f: {  	p0 =	sne.s32 s0, $0x0;
	_ =	strace $0x90000047  }
0x350: {  	s0 =	sadd.s32 @!p0 $0x100000, s1;
	[bflag:$0x2] =	sbarrier.arrive $0xFFFF  }
0x351: {  	[sflag:s0] =	ssyncadd.tile.s32 @!p0 $0x1;
	_ =	shalt  }
.Lfunc_end2:
_tile_overlayer_lowered:
.L_overlay_start_2:
0x352: {  	(tag) =	ssettag $0x2  }
0x353: {  	s0 =	rddreg [dreg:$0x0];
	s2 =	stileid.u32  }
0x354: {  	s1 =	rddreg [dreg:$0x1];
	p0 =	sne.s32 s2, $0x0  }
0x355: {  	s3 =	rddreg [dreg:$0x2];
	[bflag:$0x3] =	sbarrier.arrive $0xFFFF;
	s2 =	simm.s32 @!p0 $0x1C03  }
0x356: {  	[timem:s3], [sflag:s2] =	dma.local @!p0 [hbm:s0], s1  }
0x357: {  	s0 =	simm.s32 @!p0 $0x3  }
0x358: {  	_ =	swait.ge @!p0 [sflag:s0], s1  }
0x359: {  	s1 =	ssub.s32 @!p0 $0x0, s1;
	[sflag:s0] =	ssyncset.done @!p0 $0x0  }
0x35a: {  	[sflag:s0] =	ssyncadd.s32 @!p0 s1  }
0x35b: {  	[bflag:$0x3] =	sbarrier.arrive $0xFFFF  }
0x35c: {  	_ =	shalt  }

</sc_bundles>
